<compile_context>
chip_gen: v7x
topology: tpu7x:2x2x1
jax: 0.10.2.dev20260603
libtpu: 0.0.44.dev20260713+nightly
codegen_flags: <defaults>
</compile_context>

<pallas_src>
import functools

import jax
import jax.numpy as jnp
import numpy as np
from jax import lax
from jax.experimental import pallas as pl
from jax.experimental.pallas import tpu as pltpu
from jax.experimental.pallas import tpu_sc as plsc

_NNZ = 2684354
_NW = 32
_CHUNK = 83904
_LAST = _NNZ - (_NW - 1) * _CHUNK
_NCHUNK16 = _CHUNK // 16

_KS0 = np.uint32(0)
_KS1 = np.uint32(42)
_KS2 = np.uint32(int(_KS0) ^ int(_KS1) ^ 0x1BD11BDA)
_KS = (_KS0, _KS1, _KS2)
_ROT = ((13, 15, 26, 6), (17, 29, 16, 24))


def _rotl(x, r):
    return (x << jnp.uint32(r)) | (x >> jnp.uint32(32 - r))


def _threefry_y0(x1):
    x0 = jnp.full((16,), _KS0, jnp.uint32)
    x1 = x1 + _KS1
    for g in range(5):
        for r in _ROT[g % 2]:
            x0 = x0 + x1
            x1 = _rotl(x1, r)
            x1 = x0 ^ x1
        x0 = x0 + _KS[(g + 1) % 3]
        if g < 4:
            x1 = x1 + (_KS[(g + 2) % 3] + np.uint32(g + 1))
    return x0


_mesh = plsc.VectorSubcoreMesh(core_axis_name="c", subcore_axis_name="s")


@functools.partial(
    pl.kernel,
    out_type=jax.ShapeDtypeStruct((_NNZ,), jnp.float32),
    mesh=_mesh,
    scratch_types=[
        pltpu.VMEM((_CHUNK,), jnp.float32),
        pltpu.VMEM((32,), jnp.float32),
    ],
)
def _sc_dropout(values_hbm, scales_hbm, out_hbm, vbuf, svbuf):
    wid = lax.axis_index("s") * jnp.int32(2) + lax.axis_index("c")
    base = wid * jnp.int32(_CHUNK)
    is_last = wid == jnp.int32(_NW - 1)

    pltpu.sync_copy(scales_hbm, svbuf)
    keep = svbuf[pl.ds(0, 16)]
    drop = svbuf[pl.ds(16, 16)]

    @pl.when(jnp.logical_not(is_last))
    def _():
        pltpu.sync_copy(values_hbm.at[pl.ds(base, _CHUNK)],
                        vbuf.at[pl.ds(0, _CHUNK)])

    @pl.when(is_last)
    def _():
        pltpu.sync_copy(values_hbm.at[pl.ds(base, _LAST)],
                        vbuf.at[pl.ds(0, _LAST)])

    lane = lax.iota(jnp.int32, 16)
    _UNROLL = 4

    def body(i, carry):
        off0 = i * jnp.int32(16 * _UNROLL)
        for k in range(_UNROLL):
            off = off0 + jnp.int32(16 * k)
            v = vbuf[pl.ds(off, 16)]
            cnt = lax.convert_element_type(base + off + lane, jnp.uint32)
            y0 = _threefry_y0(cnt)
            m = y0 < jnp.uint32(0x80000000)
            vbuf[pl.ds(off, 16)] = v * jnp.where(m, keep, drop)
        return carry

    lax.fori_loop(jnp.int32(0), jnp.int32(_NCHUNK16 // _UNROLL), body,
                  jnp.int32(0))

    @pl.when(jnp.logical_not(is_last))
    def _():
        pltpu.sync_copy(vbuf.at[pl.ds(0, _CHUNK)],
                        out_hbm.at[pl.ds(base, _CHUNK)])

    @pl.when(is_last)
    def _():
        pltpu.sync_copy(vbuf.at[pl.ds(0, _LAST)],
                        out_hbm.at[pl.ds(base, _LAST)])


_SCALES_TRAIN = np.concatenate(
    [np.full(16, 2.0, np.float32), np.zeros(16, np.float32)])
_SCALES_EVAL = np.ones(32, np.float32)


def kernel(indices, values, training):
    t = jnp.asarray(training)
    scales = jnp.where(t != 0, _SCALES_TRAIN, _SCALES_EVAL)
    out_val = _sc_dropout(values, scales)
    return (indices, out_val)

# --- scband reference (transcript-rebuilt; emitter-appended) ---
"""Pipeline reference for scband-sparse-dropout-16638703304888 (READ-ONLY COPY).

The authoritative reference and input builder live on the scoring server;
editing this copy changes nothing except your own understanding.
"""

import jax
jax.config.update('jax_enable_x64', True)
import jax.numpy as jnp
import numpy as np

NNZ = 2684354
N = 16384
DPROB = 0.5
KPROB = 1.0 - DPROB


def setup_inputs(seed: int = 0) -> dict:
    key = jax.random.key(seed)
    k1, k2 = jax.random.split(key)
    indices = jax.random.randint(k1, (2, NNZ), 0, N, dtype=jnp.int64)
    values = jax.random.normal(k2, (NNZ,), dtype=jnp.float32)
    training = 1
    return {"indices": indices, "values": values, "training": training}


def reference(indices, values, training):
    # SparseDropout on a COO sparse tensor: drop each nonzero with prob dprob,
    # rescale survivors by 1/kprob. Torch filters indices/values by the mask;
    # here we keep static shapes by zeroing dropped values (mathematically the
    # same sparse tensor, with explicit zeros at dropped positions).
    mkey = jax.random.key(42)
    # torch: mask = floor(rand + kprob).bool()  <=>  rand >= dprob  <=>  keep w.p. kprob
    mask = jax.random.uniform(mkey, values.shape) < KPROB
    val = jnp.where(mask, values * (1.0 / KPROB), jnp.zeros_like(values))
    out_val = jnp.where(training != 0, val, values)
    return (indices, out_val)

if __name__ == "__main__":
    import jax
    _d = setup_inputs()
    print(jax.jit(kernel)(*tuple(_d.values())))

</pallas_src>

<mosaic_0001>
#map = affine_map<(d0, d1) -> (0)>
module attributes {stable_mosaic.version = 14 : i64} {
  func.func @_sc_dropout(%arg0: i32, %arg1: i32, %arg2: memref<2684354xf32, #tpu.memory_space<hbm>>, %arg3: memref<32xf32, #tpu.memory_space<hbm>>, %arg4: memref<2684354xf32, #tpu.memory_space<hbm>>, %arg5: memref<83904xf32, #tpu.memory_space<vmem>>, %arg6: memref<32xf32, #tpu.memory_space<vmem>>) attributes {dimension_semantics = [#tpu.dimension_semantics<core_parallel>, #tpu.dimension_semantics<subcore_parallel>], iteration_bounds = array<i64: 2, 16>, scalar_prefetch = 0 : i64, scratch_operands = 2 : i64, tpu.core_type = #tpu.core_type<sc_vector_subcore>, window_params = [{transform_indices = #map}, {transform_indices = #map}, {transform_indices = #map}]} {
    %mul3A = arith.constant 2 : i32
    %mul3A_0 = arith.muli %arg1, %mul3A : i32
    %add3A = arith.addi %mul3A_0, %arg0 : i32
    %mul3A_1 = arith.constant 83904 : i32
    %mul3A_2 = arith.muli %add3A, %mul3A_1 : i32
    %eq3A = arith.constant 31 : i32
    %eq3A_3 = arith.cmpi eq, %add3A, %eq3A : i32
    "tpu.region"() ({
      %run_scoped3A = tpu.sem_alloc : memref<!tpu.dma_semaphore, #tpu.memory_space<semaphore_mem>>
      tpu.enqueue_dma source(%arg3 : memref<32xf32, #tpu.memory_space<hbm>>) target(%arg6 : memref<32xf32, #tpu.memory_space<vmem>>) target_semaphore(%run_scoped3A : memref<!tpu.dma_semaphore, #tpu.memory_space<semaphore_mem>>)
      tpu.wait_dma2 semaphore(%run_scoped3A : memref<!tpu.dma_semaphore, #tpu.memory_space<semaphore_mem>>) src(%arg3 : memref<32xf32, #tpu.memory_space<hbm>>) dst(%arg6 : memref<32xf32, #tpu.memory_space<vmem>>)
      tpu.yield
    }) : () -> ()
    %get3A = arith.constant 0 : index
    %get3A_4 = tpu.vector_load %arg6[%get3A] {strides = array<i32>} : memref<32xf32, #tpu.memory_space<vmem>>, vector<16xf32>,
    %get3A_5 = vector.shape_cast %get3A_4 : vector<16xf32> to vector<16xf32>
    %get3A_6 = arith.constant 16 : index
    %get3A_7 = tpu.vector_load %arg6[%get3A_6] {strides = array<i32>} : memref<32xf32, #tpu.memory_space<vmem>>, vector<16xf32>,
    %get3A_8 = vector.shape_cast %get3A_7 : vector<16xf32> to vector<16xf32>
    %not3A = arith.constant true
    %not3A_9 = arith.xori %eq3A_3, %not3A : i1
    %convert_element_type3A = arith.extui %not3A_9 : i1 to i32
    %cond3A = arith.constant 0 : i32
    %cond3A_10 = arith.cmpi ne, %convert_element_type3A, %cond3A : i32
    scf.if %cond3A_10 {
      "tpu.region"() ({
        %run_scoped3A = tpu.sem_alloc : memref<!tpu.dma_semaphore, #tpu.memory_space<semaphore_mem>>
        %dma_start3A = arith.constant 0 : i32
        %dma_start3A_32 = tpu.memref_slice %arg5[%dma_start3A] : memref<83904xf32, #tpu.memory_space<vmem>> -> memref<83904xf32, #tpu.memory_space<vmem>>
        %dma_start3A_33 = tpu.memref_slice %arg2[%mul3A_2] : memref<2684354xf32, #tpu.memory_space<hbm>> -> memref<83904xf32, #tpu.memory_space<hbm>>
        %dma_start3A_34 = arith.constant 0 : i32
        %dma_start3A_35 = tpu.memref_slice %arg5[%dma_start3A_34] : memref<83904xf32, #tpu.memory_space<vmem>> -> memref<83904xf32, #tpu.memory_space<vmem>>
        %dma_start3A_36 = tpu.memref_slice %arg2[%mul3A_2] : memref<2684354xf32, #tpu.memory_space<hbm>> -> memref<83904xf32, #tpu.memory_space<hbm>>
        tpu.enqueue_dma source(%dma_start3A_36 : memref<83904xf32, #tpu.memory_space<hbm>>) target(%dma_start3A_35 : memref<83904xf32, #tpu.memory_space<vmem>>) target_semaphore(%run_scoped3A : memref<!tpu.dma_semaphore, #tpu.memory_space<semaphore_mem>>)
        %dma_wait3A = arith.constant 0 : i32
        %dma_wait3A_37 = tpu.memref_slice %arg5[%dma_wait3A] : memref<83904xf32, #tpu.memory_space<vmem>> -> memref<83904xf32, #tpu.memory_space<vmem>>
        %dma_wait3A_38 = tpu.memref_slice %arg2[%mul3A_2] : memref<2684354xf32, #tpu.memory_space<hbm>> -> memref<83904xf32, #tpu.memory_space<hbm>>
        %dma_wait3A_39 = arith.constant 0 : i32
        %dma_wait3A_40 = tpu.memref_slice %arg5[%dma_wait3A_39] : memref<83904xf32, #tpu.memory_space<vmem>> -> memref<83904xf32, #tpu.memory_space<vmem>>
        %dma_wait3A_41 = tpu.memref_slice %arg2[%mul3A_2] : memref<2684354xf32, #tpu.memory_space<hbm>> -> memref<83904xf32, #tpu.memory_space<hbm>>
        tpu.wait_dma2 semaphore(%run_scoped3A : memref<!tpu.dma_semaphore, #tpu.memory_space<semaphore_mem>>) src(%dma_wait3A_41 : memref<83904xf32, #tpu.memory_space<hbm>>) dst(%dma_wait3A_40 : memref<83904xf32, #tpu.memory_space<vmem>>)
        tpu.yield
      }) : () -> ()
    } else {
    }
    %convert_element_type3A_11 = arith.extui %eq3A_3 : i1 to i32
    %cond3A_12 = arith.constant 0 : i32
    %cond3A_13 = arith.cmpi ne, %convert_element_type3A_11, %cond3A_12 : i32
    scf.if %cond3A_13 {
      "tpu.region"() ({
        %run_scoped3A = tpu.sem_alloc : memref<!tpu.dma_semaphore, #tpu.memory_space<semaphore_mem>>
        %dma_start3A = arith.constant 0 : i32
        %dma_start3A_32 = tpu.memref_slice %arg5[%dma_start3A] : memref<83904xf32, #tpu.memory_space<vmem>> -> memref<83330xf32, #tpu.memory_space<vmem>>
        %dma_start3A_33 = tpu.memref_slice %arg2[%mul3A_2] : memref<2684354xf32, #tpu.memory_space<hbm>> -> memref<83330xf32, #tpu.memory_space<hbm>>
        %dma_start3A_34 = arith.constant 0 : i32
        %dma_start3A_35 = tpu.memref_slice %arg5[%dma_start3A_34] : memref<83904xf32, #tpu.memory_space<vmem>> -> memref<83330xf32, #tpu.memory_space<vmem>>
        %dma_start3A_36 = tpu.memref_slice %arg2[%mul3A_2] : memref<2684354xf32, #tpu.memory_space<hbm>> -> memref<83330xf32, #tpu.memory_space<hbm>>
        tpu.enqueue_dma source(%dma_start3A_36 : memref<83330xf32, #tpu.memory_space<hbm>>) target(%dma_start3A_35 : memref<83330xf32, #tpu.memory_space<vmem>>) target_semaphore(%run_scoped3A : memref<!tpu.dma_semaphore, #tpu.memory_space<semaphore_mem>>)
        %dma_wait3A = arith.constant 0 : i32
        %dma_wait3A_37 = tpu.memref_slice %arg5[%dma_wait3A] : memref<83904xf32, #tpu.memory_space<vmem>> -> memref<83330xf32, #tpu.memory_space<vmem>>
        %dma_wait3A_38 = tpu.memref_slice %arg2[%mul3A_2] : memref<2684354xf32, #tpu.memory_space<hbm>> -> memref<83330xf32, #tpu.memory_space<hbm>>
        %dma_wait3A_39 = arith.constant 0 : i32
        %dma_wait3A_40 = tpu.memref_slice %arg5[%dma_wait3A_39] : memref<83904xf32, #tpu.memory_space<vmem>> -> memref<83330xf32, #tpu.memory_space<vmem>>
        %dma_wait3A_41 = tpu.memref_slice %arg2[%mul3A_2] : memref<2684354xf32, #tpu.memory_space<hbm>> -> memref<83330xf32, #tpu.memory_space<hbm>>
        tpu.wait_dma2 semaphore(%run_scoped3A : memref<!tpu.dma_semaphore, #tpu.memory_space<semaphore_mem>>) src(%dma_wait3A_41 : memref<83330xf32, #tpu.memory_space<hbm>>) dst(%dma_wait3A_40 : memref<83330xf32, #tpu.memory_space<vmem>>)
        tpu.yield
      }) : () -> ()
    } else {
    }
    %iota3A = tpu.iota {dimensions = array<i32: 0>} : vector<16xi32>
    %while3A = arith.constant 0 : i32
    %while3A_14 = arith.constant 0 : i32
    %while3A_15 = arith.constant 1311 : i32
    %while3A_16 = arith.subi %while3A_15, %while3A_14 : i32
    %while3A_17 = arith.addi %while3A_14, %while3A_16 : i32
    %while3A_18 = arith.constant 1 : i32
    %while3A_19 = arith.divsi %while3A_16, %while3A_18 : i32
    %while3A_20 = arith.muli %while3A_19, %while3A_18 : i32
    %while3A_21 = arith.addi %while3A_14, %while3A_20 : i32
    %while3A_22 = arith.constant 1 : i32
    scf.for %while3A_32 = %while3A_14 to %while3A_21 step %while3A_22  : i32 {
      %mul3A_33 = arith.constant 64 : i32
      %mul3A_34 = arith.muli %while3A_32, %mul3A_33 : i32
      %add3A_35 = arith.constant 0 : i32
      %add3A_36 = arith.addi %mul3A_34, %add3A_35 : i32
      %get3A_37 = arith.index_cast %add3A_36 : i32 to index
      %get3A_38 = tpu.vector_load %arg5[%get3A_37] {strides = array<i32>} : memref<83904xf32, #tpu.memory_space<vmem>>, vector<16xf32>,
      %get3A_39 = vector.shape_cast %get3A_38 : vector<16xf32> to vector<16xf32>
      %add3A_40 = arith.addi %mul3A_2, %add3A_36 : i32
      %add3A_41 = vector.broadcast %add3A_40 : i32 to vector<16xi32>
      %add3A_42 = arith.addi %add3A_41, %iota3A : vector<16xi32>
      %broadcast_in_dim3A = arith.constant 0 : i32
      %broadcast_in_dim3A_43 = vector.broadcast %broadcast_in_dim3A : i32 to vector<16xi32>
      %add3A_44 = arith.constant 42 : i32
      %add3A_45 = vector.broadcast %add3A_44 : i32 to vector<16xi32>
      %add3A_46 = arith.addi %add3A_42, %add3A_45 : vector<16xi32>
      %add3A_47 = arith.addi %broadcast_in_dim3A_43, %add3A_46 : vector<16xi32>
      %shift_left3A = arith.constant 13 : i32
      %shift_left3A_48 = vector.broadcast %shift_left3A : i32 to vector<16xi32>
      %shift_left3A_49 = arith.shli %add3A_46, %shift_left3A_48 : vector<16xi32>
      %shift_right_logical3A = arith.constant 19 : i32
      %shift_right_logical3A_50 = vector.broadcast %shift_right_logical3A : i32 to vector<16xi32>
      %shift_right_logical3A_51 = arith.shrui %add3A_46, %shift_right_logical3A_50 : vector<16xi32>
      %or3A = arith.ori %shift_left3A_49, %shift_right_logical3A_51 : vector<16xi32>
      %xor3A = arith.xori %add3A_47, %or3A : vector<16xi32>
      %add3A_52 = arith.addi %add3A_47, %xor3A : vector<16xi32>
      %shift_left3A_53 = arith.constant 15 : i32
      %shift_left3A_54 = vector.broadcast %shift_left3A_53 : i32 to vector<16xi32>
      %shift_left3A_55 = arith.shli %xor3A, %shift_left3A_54 : vector<16xi32>
      %shift_right_logical3A_56 = arith.constant 17 : i32
      %shift_right_logical3A_57 = vector.broadcast %shift_right_logical3A_56 : i32 to vector<16xi32>
      %shift_right_logical3A_58 = arith.shrui %xor3A, %shift_right_logical3A_57 : vector<16xi32>
      %or3A_59 = arith.ori %shift_left3A_55, %shift_right_logical3A_58 : vector<16xi32>
      %xor3A_60 = arith.xori %add3A_52, %or3A_59 : vector<16xi32>
      %add3A_61 = arith.addi %add3A_52, %xor3A_60 : vector<16xi32>
      %shift_left3A_62 = arith.constant 26 : i32
      %shift_left3A_63 = vector.broadcast %shift_left3A_62 : i32 to vector<16xi32>
      %shift_left3A_64 = arith.shli %xor3A_60, %shift_left3A_63 : vector<16xi32>
      %shift_right_logical3A_65 = arith.constant 6 : i32
      %shift_right_logical3A_66 = vector.broadcast %shift_right_logical3A_65 : i32 to vector<16xi32>
      %shift_right_logical3A_67 = arith.shrui %xor3A_60, %shift_right_logical3A_66 : vector<16xi32>
      %or3A_68 = arith.ori %shift_left3A_64, %shift_right_logical3A_67 : vector<16xi32>
      %xor3A_69 = arith.xori %add3A_61, %or3A_68 : vector<16xi32>
      %add3A_70 = arith.addi %add3A_61, %xor3A_69 : vector<16xi32>
      %shift_left3A_71 = arith.constant 6 : i32
      %shift_left3A_72 = vector.broadcast %shift_left3A_71 : i32 to vector<16xi32>
      %shift_left3A_73 = arith.shli %xor3A_69, %shift_left3A_72 : vector<16xi32>
      %shift_right_logical3A_74 = arith.constant 26 : i32
      %shift_right_logical3A_75 = vector.broadcast %shift_right_logical3A_74 : i32 to vector<16xi32>
      %shift_right_logical3A_76 = arith.shrui %xor3A_69, %shift_right_logical3A_75 : vector<16xi32>
      %or3A_77 = arith.ori %shift_left3A_73, %shift_right_logical3A_76 : vector<16xi32>
      %xor3A_78 = arith.xori %add3A_70, %or3A_77 : vector<16xi32>
      %add3A_79 = arith.constant 42 : i32
      %add3A_80 = vector.broadcast %add3A_79 : i32 to vector<16xi32>
      %add3A_81 = arith.addi %add3A_70, %add3A_80 : vector<16xi32>
      %add3A_82 = arith.constant 466689009 : i32
      %add3A_83 = vector.broadcast %add3A_82 : i32 to vector<16xi32>
      %add3A_84 = arith.addi %xor3A_78, %add3A_83 : vector<16xi32>
      %add3A_85 = arith.addi %add3A_81, %add3A_84 : vector<16xi32>
      %shift_left3A_86 = arith.constant 17 : i32
      %shift_left3A_87 = vector.broadcast %shift_left3A_86 : i32 to vector<16xi32>
      %shift_left3A_88 = arith.shli %add3A_84, %shift_left3A_87 : vector<16xi32>
      %shift_right_logical3A_89 = arith.constant 15 : i32
      %shift_right_logical3A_90 = vector.broadcast %shift_right_logical3A_89 : i32 to vector<16xi32>
      %shift_right_logical3A_91 = arith.shrui %add3A_84, %shift_right_logical3A_90 : vector<16xi32>
      %or3A_92 = arith.ori %shift_left3A_88, %shift_right_logical3A_91 : vector<16xi32>
      %xor3A_93 = arith.xori %add3A_85, %or3A_92 : vector<16xi32>
      %add3A_94 = arith.addi %add3A_85, %xor3A_93 : vector<16xi32>
      %shift_left3A_95 = arith.constant 29 : i32
      %shift_left3A_96 = vector.broadcast %shift_left3A_95 : i32 to vector<16xi32>
      %shift_left3A_97 = arith.shli %xor3A_93, %shift_left3A_96 : vector<16xi32>
      %shift_right_logical3A_98 = arith.constant 3 : i32
      %shift_right_logical3A_99 = vector.broadcast %shift_right_logical3A_98 : i32 to vector<16xi32>
      %shift_right_logical3A_100 = arith.shrui %xor3A_93, %shift_right_logical3A_99 : vector<16xi32>
      %or3A_101 = arith.ori %shift_left3A_97, %shift_right_logical3A_100 : vector<16xi32>
      %xor3A_102 = arith.xori %add3A_94, %or3A_101 : vector<16xi32>
      %add3A_103 = arith.addi %add3A_94, %xor3A_102 : vector<16xi32>
      %shift_left3A_104 = arith.constant 16 : i32
      %shift_left3A_105 = vector.broadcast %shift_left3A_104 : i32 to vector<16xi32>
      %shift_left3A_106 = arith.shli %xor3A_102, %shift_left3A_105 : vector<16xi32>
      %shift_right_logical3A_107 = arith.constant 16 : i32
      %shift_right_logical3A_108 = vector.broadcast %shift_right_logical3A_107 : i32 to vector<16xi32>
      %shift_right_logical3A_109 = arith.shrui %xor3A_102, %shift_right_logical3A_108 : vector<16xi32>
      %or3A_110 = arith.ori %shift_left3A_106, %shift_right_logical3A_109 : vector<16xi32>
      %xor3A_111 = arith.xori %add3A_103, %or3A_110 : vector<16xi32>
      %add3A_112 = arith.addi %add3A_103, %xor3A_111 : vector<16xi32>
      %shift_left3A_113 = arith.constant 24 : i32
      %shift_left3A_114 = vector.broadcast %shift_left3A_113 : i32 to vector<16xi32>
      %shift_left3A_115 = arith.shli %xor3A_111, %shift_left3A_114 : vector<16xi32>
      %shift_right_logical3A_116 = arith.constant 8 : i32
      %shift_right_logical3A_117 = vector.broadcast %shift_right_logical3A_116 : i32 to vector<16xi32>
      %shift_right_logical3A_118 = arith.shrui %xor3A_111, %shift_right_logical3A_117 : vector<16xi32>
      %or3A_119 = arith.ori %shift_left3A_115, %shift_right_logical3A_118 : vector<16xi32>
      %xor3A_120 = arith.xori %add3A_112, %or3A_119 : vector<16xi32>
      %add3A_121 = arith.constant 466689008 : i32
      %add3A_122 = vector.broadcast %add3A_121 : i32 to vector<16xi32>
      %add3A_123 = arith.addi %add3A_112, %add3A_122 : vector<16xi32>
      %add3A_124 = arith.constant 2 : i32
      %add3A_125 = vector.broadcast %add3A_124 : i32 to vector<16xi32>
      %add3A_126 = arith.addi %xor3A_120, %add3A_125 : vector<16xi32>
      %add3A_127 = arith.addi %add3A_123, %add3A_126 : vector<16xi32>
      %shift_left3A_128 = arith.constant 13 : i32
      %shift_left3A_129 = vector.broadcast %shift_left3A_128 : i32 to vector<16xi32>
      %shift_left3A_130 = arith.shli %add3A_126, %shift_left3A_129 : vector<16xi32>
      %shift_right_logical3A_131 = arith.constant 19 : i32
      %shift_right_logical3A_132 = vector.broadcast %shift_right_logical3A_131 : i32 to vector<16xi32>
      %shift_right_logical3A_133 = arith.shrui %add3A_126, %shift_right_logical3A_132 : vector<16xi32>
      %or3A_134 = arith.ori %shift_left3A_130, %shift_right_logical3A_133 : vector<16xi32>
      %xor3A_135 = arith.xori %add3A_127, %or3A_134 : vector<16xi32>
      %add3A_136 = arith.addi %add3A_127, %xor3A_135 : vector<16xi32>
      %shift_left3A_137 = arith.constant 15 : i32
      %shift_left3A_138 = vector.broadcast %shift_left3A_137 : i32 to vector<16xi32>
      %shift_left3A_139 = arith.shli %xor3A_135, %shift_left3A_138 : vector<16xi32>
      %shift_right_logical3A_140 = arith.constant 17 : i32
      %shift_right_logical3A_141 = vector.broadcast %shift_right_logical3A_140 : i32 to vector<16xi32>
      %shift_right_logical3A_142 = arith.shrui %xor3A_135, %shift_right_logical3A_141 : vector<16xi32>
      %or3A_143 = arith.ori %shift_left3A_139, %shift_right_logical3A_142 : vector<16xi32>
      %xor3A_144 = arith.xori %add3A_136, %or3A_143 : vector<16xi32>
      %add3A_145 = arith.addi %add3A_136, %xor3A_144 : vector<16xi32>
      %shift_left3A_146 = arith.constant 26 : i32
      %shift_left3A_147 = vector.broadcast %shift_left3A_146 : i32 to vector<16xi32>
      %shift_left3A_148 = arith.shli %xor3A_144, %shift_left3A_147 : vector<16xi32>
      %shift_right_logical3A_149 = arith.constant 6 : i32
      %shift_right_logical3A_150 = vector.broadcast %shift_right_logical3A_149 : i32 to vector<16xi32>
      %shift_right_logical3A_151 = arith.shrui %xor3A_144, %shift_right_logical3A_150 : vector<16xi32>
      %or3A_152 = arith.ori %shift_left3A_148, %shift_right_logical3A_151 : vector<16xi32>
      %xor3A_153 = arith.xori %add3A_145, %or3A_152 : vector<16xi32>
      %add3A_154 = arith.addi %add3A_145, %xor3A_153 : vector<16xi32>
      %shift_left3A_155 = arith.constant 6 : i32
      %shift_left3A_156 = vector.broadcast %shift_left3A_155 : i32 to vector<16xi32>
      %shift_left3A_157 = arith.shli %xor3A_153, %shift_left3A_156 : vector<16xi32>
      %shift_right_logical3A_158 = arith.constant 26 : i32
      %shift_right_logical3A_159 = vector.broadcast %shift_right_logical3A_158 : i32 to vector<16xi32>
      %shift_right_logical3A_160 = arith.shrui %xor3A_153, %shift_right_logical3A_159 : vector<16xi32>
      %or3A_161 = arith.ori %shift_left3A_157, %shift_right_logical3A_160 : vector<16xi32>
      %xor3A_162 = arith.xori %add3A_154, %or3A_161 : vector<16xi32>
      %add3A_163 = arith.constant 0 : i32
      %add3A_164 = vector.broadcast %add3A_163 : i32 to vector<16xi32>
      %add3A_165 = arith.addi %add3A_154, %add3A_164 : vector<16xi32>
      %add3A_166 = arith.constant 45 : i32
      %add3A_167 = vector.broadcast %add3A_166 : i32 to vector<16xi32>
      %add3A_168 = arith.addi %xor3A_162, %add3A_167 : vector<16xi32>
      %add3A_169 = arith.addi %add3A_165, %add3A_168 : vector<16xi32>
      %shift_left3A_170 = arith.constant 17 : i32
      %shift_left3A_171 = vector.broadcast %shift_left3A_170 : i32 to vector<16xi32>
      %shift_left3A_172 = arith.shli %add3A_168, %shift_left3A_171 : vector<16xi32>
      %shift_right_logical3A_173 = arith.constant 15 : i32
      %shift_right_logical3A_174 = vector.broadcast %shift_right_logical3A_173 : i32 to vector<16xi32>
      %shift_right_logical3A_175 = arith.shrui %add3A_168, %shift_right_logical3A_174 : vector<16xi32>
      %or3A_176 = arith.ori %shift_left3A_172, %shift_right_logical3A_175 : vector<16xi32>
      %xor3A_177 = arith.xori %add3A_169, %or3A_176 : vector<16xi32>
      %add3A_178 = arith.addi %add3A_169, %xor3A_177 : vector<16xi32>
      %shift_left3A_179 = arith.constant 29 : i32
      %shift_left3A_180 = vector.broadcast %shift_left3A_179 : i32 to vector<16xi32>
      %shift_left3A_181 = arith.shli %xor3A_177, %shift_left3A_180 : vector<16xi32>
      %shift_right_logical3A_182 = arith.constant 3 : i32
      %shift_right_logical3A_183 = vector.broadcast %shift_right_logical3A_182 : i32 to vector<16xi32>
      %shift_right_logical3A_184 = arith.shrui %xor3A_177, %shift_right_logical3A_183 : vector<16xi32>
      %or3A_185 = arith.ori %shift_left3A_181, %shift_right_logical3A_184 : vector<16xi32>
      %xor3A_186 = arith.xori %add3A_178, %or3A_185 : vector<16xi32>
      %add3A_187 = arith.addi %add3A_178, %xor3A_186 : vector<16xi32>
      %shift_left3A_188 = arith.constant 16 : i32
      %shift_left3A_189 = vector.broadcast %shift_left3A_188 : i32 to vector<16xi32>
      %shift_left3A_190 = arith.shli %xor3A_186, %shift_left3A_189 : vector<16xi32>
      %shift_right_logical3A_191 = arith.constant 16 : i32
      %shift_right_logical3A_192 = vector.broadcast %shift_right_logical3A_191 : i32 to vector<16xi32>
      %shift_right_logical3A_193 = arith.shrui %xor3A_186, %shift_right_logical3A_192 : vector<16xi32>
      %or3A_194 = arith.ori %shift_left3A_190, %shift_right_logical3A_193 : vector<16xi32>
      %xor3A_195 = arith.xori %add3A_187, %or3A_194 : vector<16xi32>
      %add3A_196 = arith.addi %add3A_187, %xor3A_195 : vector<16xi32>
      %shift_left3A_197 = arith.constant 24 : i32
      %shift_left3A_198 = vector.broadcast %shift_left3A_197 : i32 to vector<16xi32>
      %shift_left3A_199 = arith.shli %xor3A_195, %shift_left3A_198 : vector<16xi32>
      %shift_right_logical3A_200 = arith.constant 8 : i32
      %shift_right_logical3A_201 = vector.broadcast %shift_right_logical3A_200 : i32 to vector<16xi32>
      %shift_right_logical3A_202 = arith.shrui %xor3A_195, %shift_right_logical3A_201 : vector<16xi32>
      %or3A_203 = arith.ori %shift_left3A_199, %shift_right_logical3A_202 : vector<16xi32>
      %xor3A_204 = arith.xori %add3A_196, %or3A_203 : vector<16xi32>
      %add3A_205 = arith.constant 42 : i32
      %add3A_206 = vector.broadcast %add3A_205 : i32 to vector<16xi32>
      %add3A_207 = arith.addi %add3A_196, %add3A_206 : vector<16xi32>
      %add3A_208 = arith.constant 466689012 : i32
      %add3A_209 = vector.broadcast %add3A_208 : i32 to vector<16xi32>
      %add3A_210 = arith.addi %xor3A_204, %add3A_209 : vector<16xi32>
      %add3A_211 = arith.addi %add3A_207, %add3A_210 : vector<16xi32>
      %shift_left3A_212 = arith.constant 13 : i32
      %shift_left3A_213 = vector.broadcast %shift_left3A_212 : i32 to vector<16xi32>
      %shift_left3A_214 = arith.shli %add3A_210, %shift_left3A_213 : vector<16xi32>
      %shift_right_logical3A_215 = arith.constant 19 : i32
      %shift_right_logical3A_216 = vector.broadcast %shift_right_logical3A_215 : i32 to vector<16xi32>
      %shift_right_logical3A_217 = arith.shrui %add3A_210, %shift_right_logical3A_216 : vector<16xi32>
      %or3A_218 = arith.ori %shift_left3A_214, %shift_right_logical3A_217 : vector<16xi32>
      %xor3A_219 = arith.xori %add3A_211, %or3A_218 : vector<16xi32>
      %add3A_220 = arith.addi %add3A_211, %xor3A_219 : vector<16xi32>
      %shift_left3A_221 = arith.constant 15 : i32
      %shift_left3A_222 = vector.broadcast %shift_left3A_221 : i32 to vector<16xi32>
      %shift_left3A_223 = arith.shli %xor3A_219, %shift_left3A_222 : vector<16xi32>
      %shift_right_logical3A_224 = arith.constant 17 : i32
      %shift_right_logical3A_225 = vector.broadcast %shift_right_logical3A_224 : i32 to vector<16xi32>
      %shift_right_logical3A_226 = arith.shrui %xor3A_219, %shift_right_logical3A_225 : vector<16xi32>
      %or3A_227 = arith.ori %shift_left3A_223, %shift_right_logical3A_226 : vector<16xi32>
      %xor3A_228 = arith.xori %add3A_220, %or3A_227 : vector<16xi32>
      %add3A_229 = arith.addi %add3A_220, %xor3A_228 : vector<16xi32>
      %shift_left3A_230 = arith.constant 26 : i32
      %shift_left3A_231 = vector.broadcast %shift_left3A_230 : i32 to vector<16xi32>
      %shift_left3A_232 = arith.shli %xor3A_228, %shift_left3A_231 : vector<16xi32>
      %shift_right_logical3A_233 = arith.constant 6 : i32
      %shift_right_logical3A_234 = vector.broadcast %shift_right_logical3A_233 : i32 to vector<16xi32>
      %shift_right_logical3A_235 = arith.shrui %xor3A_228, %shift_right_logical3A_234 : vector<16xi32>
      %or3A_236 = arith.ori %shift_left3A_232, %shift_right_logical3A_235 : vector<16xi32>
      %xor3A_237 = arith.xori %add3A_229, %or3A_236 : vector<16xi32>
      %add3A_238 = arith.addi %add3A_229, %xor3A_237 : vector<16xi32>
      %shift_left3A_239 = arith.constant 6 : i32
      %shift_left3A_240 = vector.broadcast %shift_left3A_239 : i32 to vector<16xi32>
      %shift_left3A_241 = arith.shli %xor3A_237, %shift_left3A_240 : vector<16xi32>
      %shift_right_logical3A_242 = arith.constant 26 : i32
      %shift_right_logical3A_243 = vector.broadcast %shift_right_logical3A_242 : i32 to vector<16xi32>
      %shift_right_logical3A_244 = arith.shrui %xor3A_237, %shift_right_logical3A_243 : vector<16xi32>
      %or3A_245 = arith.ori %shift_left3A_241, %shift_right_logical3A_244 : vector<16xi32>
      %xor3A_246 = arith.xori %add3A_238, %or3A_245 : vector<16xi32>
      %add3A_247 = arith.constant 466689008 : i32
      %add3A_248 = vector.broadcast %add3A_247 : i32 to vector<16xi32>
      %add3A_249 = arith.addi %add3A_238, %add3A_248 : vector<16xi32>
      %lt3A = arith.constant -2147483648 : i32
      %lt3A_250 = vector.broadcast %lt3A : i32 to vector<16xi32>
      %lt3A_251 = arith.cmpi ult, %add3A_249, %lt3A_250 : vector<16xi32>
      %select_n3A = arith.select %lt3A_251, %get3A_5, %get3A_8 : vector<16xi1>, vector<16xf32>
      %mul3A_252 = arith.mulf %get3A_39, %select_n3A : vector<16xf32>
      %swap3A = arith.index_cast %add3A_36 : i32 to index
      %swap3A_253 = tpu.vector_load %arg5[%swap3A] {strides = array<i32>} : memref<83904xf32, #tpu.memory_space<vmem>>, vector<16xf32>,
      %swap3A_254 = vector.shape_cast %swap3A_253 : vector<16xf32> to vector<16xf32>
      %swap3A_255 = vector.shape_cast %mul3A_252 : vector<16xf32> to vector<16xf32>
      tpu.vector_store %arg5[%swap3A], %swap3A_255 {strides = array<i32>} : memref<83904xf32, #tpu.memory_space<vmem>>, vector<16xf32>,
      %add3A_256 = arith.constant 16 : i32
      %add3A_257 = arith.addi %mul3A_34, %add3A_256 : i32
      %get3A_258 = arith.index_cast %add3A_257 : i32 to index
      %get3A_259 = tpu.vector_load %arg5[%get3A_258] {strides = array<i32>} : memref<83904xf32, #tpu.memory_space<vmem>>, vector<16xf32>,
      %get3A_260 = vector.shape_cast %get3A_259 : vector<16xf32> to vector<16xf32>
      %add3A_261 = arith.addi %mul3A_2, %add3A_257 : i32
      %add3A_262 = vector.broadcast %add3A_261 : i32 to vector<16xi32>
      %add3A_263 = arith.addi %add3A_262, %iota3A : vector<16xi32>
      %broadcast_in_dim3A_264 = arith.constant 0 : i32
      %broadcast_in_dim3A_265 = vector.broadcast %broadcast_in_dim3A_264 : i32 to vector<16xi32>
      %add3A_266 = arith.constant 42 : i32
      %add3A_267 = vector.broadcast %add3A_266 : i32 to vector<16xi32>
      %add3A_268 = arith.addi %add3A_263, %add3A_267 : vector<16xi32>
      %add3A_269 = arith.addi %broadcast_in_dim3A_265, %add3A_268 : vector<16xi32>
      %shift_left3A_270 = arith.constant 13 : i32
      %shift_left3A_271 = vector.broadcast %shift_left3A_270 : i32 to vector<16xi32>
      %shift_left3A_272 = arith.shli %add3A_268, %shift_left3A_271 : vector<16xi32>
      %shift_right_logical3A_273 = arith.constant 19 : i32
      %shift_right_logical3A_274 = vector.broadcast %shift_right_logical3A_273 : i32 to vector<16xi32>
      %shift_right_logical3A_275 = arith.shrui %add3A_268, %shift_right_logical3A_274 : vector<16xi32>
      %or3A_276 = arith.ori %shift_left3A_272, %shift_right_logical3A_275 : vector<16xi32>
      %xor3A_277 = arith.xori %add3A_269, %or3A_276 : vector<16xi32>
      %add3A_278 = arith.addi %add3A_269, %xor3A_277 : vector<16xi32>
      %shift_left3A_279 = arith.constant 15 : i32
      %shift_left3A_280 = vector.broadcast %shift_left3A_279 : i32 to vector<16xi32>
      %shift_left3A_281 = arith.shli %xor3A_277, %shift_left3A_280 : vector<16xi32>
      %shift_right_logical3A_282 = arith.constant 17 : i32
      %shift_right_logical3A_283 = vector.broadcast %shift_right_logical3A_282 : i32 to vector<16xi32>
      %shift_right_logical3A_284 = arith.shrui %xor3A_277, %shift_right_logical3A_283 : vector<16xi32>
      %or3A_285 = arith.ori %shift_left3A_281, %shift_right_logical3A_284 : vector<16xi32>
      %xor3A_286 = arith.xori %add3A_278, %or3A_285 : vector<16xi32>
      %add3A_287 = arith.addi %add3A_278, %xor3A_286 : vector<16xi32>
      %shift_left3A_288 = arith.constant 26 : i32
      %shift_left3A_289 = vector.broadcast %shift_left3A_288 : i32 to vector<16xi32>
      %shift_left3A_290 = arith.shli %xor3A_286, %shift_left3A_289 : vector<16xi32>
      %shift_right_logical3A_291 = arith.constant 6 : i32
      %shift_right_logical3A_292 = vector.broadcast %shift_right_logical3A_291 : i32 to vector<16xi32>
      %shift_right_logical3A_293 = arith.shrui %xor3A_286, %shift_right_logical3A_292 : vector<16xi32>
      %or3A_294 = arith.ori %shift_left3A_290, %shift_right_logical3A_293 : vector<16xi32>
      %xor3A_295 = arith.xori %add3A_287, %or3A_294 : vector<16xi32>
      %add3A_296 = arith.addi %add3A_287, %xor3A_295 : vector<16xi32>
      %shift_left3A_297 = arith.constant 6 : i32
      %shift_left3A_298 = vector.broadcast %shift_left3A_297 : i32 to vector<16xi32>
      %shift_left3A_299 = arith.shli %xor3A_295, %shift_left3A_298 : vector<16xi32>
      %shift_right_logical3A_300 = arith.constant 26 : i32
      %shift_right_logical3A_301 = vector.broadcast %shift_right_logical3A_300 : i32 to vector<16xi32>
      %shift_right_logical3A_302 = arith.shrui %xor3A_295, %shift_right_logical3A_301 : vector<16xi32>
      %or3A_303 = arith.ori %shift_left3A_299, %shift_right_logical3A_302 : vector<16xi32>
      %xor3A_304 = arith.xori %add3A_296, %or3A_303 : vector<16xi32>
      %add3A_305 = arith.constant 42 : i32
      %add3A_306 = vector.broadcast %add3A_305 : i32 to vector<16xi32>
      %add3A_307 = arith.addi %add3A_296, %add3A_306 : vector<16xi32>
      %add3A_308 = arith.constant 466689009 : i32
      %add3A_309 = vector.broadcast %add3A_308 : i32 to vector<16xi32>
      %add3A_310 = arith.addi %xor3A_304, %add3A_309 : vector<16xi32>
      %add3A_311 = arith.addi %add3A_307, %add3A_310 : vector<16xi32>
      %shift_left3A_312 = arith.constant 17 : i32
      %shift_left3A_313 = vector.broadcast %shift_left3A_312 : i32 to vector<16xi32>
      %shift_left3A_314 = arith.shli %add3A_310, %shift_left3A_313 : vector<16xi32>
      %shift_right_logical3A_315 = arith.constant 15 : i32
      %shift_right_logical3A_316 = vector.broadcast %shift_right_logical3A_315 : i32 to vector<16xi32>
      %shift_right_logical3A_317 = arith.shrui %add3A_310, %shift_right_logical3A_316 : vector<16xi32>
      %or3A_318 = arith.ori %shift_left3A_314, %shift_right_logical3A_317 : vector<16xi32>
      %xor3A_319 = arith.xori %add3A_311, %or3A_318 : vector<16xi32>
      %add3A_320 = arith.addi %add3A_311, %xor3A_319 : vector<16xi32>
      %shift_left3A_321 = arith.constant 29 : i32
      %shift_left3A_322 = vector.broadcast %shift_left3A_321 : i32 to vector<16xi32>
      %shift_left3A_323 = arith.shli %xor3A_319, %shift_left3A_322 : vector<16xi32>
      %shift_right_logical3A_324 = arith.constant 3 : i32
      %shift_right_logical3A_325 = vector.broadcast %shift_right_logical3A_324 : i32 to vector<16xi32>
      %shift_right_logical3A_326 = arith.shrui %xor3A_319, %shift_right_logical3A_325 : vector<16xi32>
      %or3A_327 = arith.ori %shift_left3A_323, %shift_right_logical3A_326 : vector<16xi32>
      %xor3A_328 = arith.xori %add3A_320, %or3A_327 : vector<16xi32>
      %add3A_329 = arith.addi %add3A_320, %xor3A_328 : vector<16xi32>
      %shift_left3A_330 = arith.constant 16 : i32
      %shift_left3A_331 = vector.broadcast %shift_left3A_330 : i32 to vector<16xi32>
      %shift_left3A_332 = arith.shli %xor3A_328, %shift_left3A_331 : vector<16xi32>
      %shift_right_logical3A_333 = arith.constant 16 : i32
      %shift_right_logical3A_334 = vector.broadcast %shift_right_logical3A_333 : i32 to vector<16xi32>
      %shift_right_logical3A_335 = arith.shrui %xor3A_328, %shift_right_logical3A_334 : vector<16xi32>
      %or3A_336 = arith.ori %shift_left3A_332, %shift_right_logical3A_335 : vector<16xi32>
      %xor3A_337 = arith.xori %add3A_329, %or3A_336 : vector<16xi32>
      %add3A_338 = arith.addi %add3A_329, %xor3A_337 : vector<16xi32>
      %shift_left3A_339 = arith.constant 24 : i32
      %shift_left3A_340 = vector.broadcast %shift_left3A_339 : i32 to vector<16xi32>
      %shift_left3A_341 = arith.shli %xor3A_337, %shift_left3A_340 : vector<16xi32>
      %shift_right_logical3A_342 = arith.constant 8 : i32
      %shift_right_logical3A_343 = vector.broadcast %shift_right_logical3A_342 : i32 to vector<16xi32>
      %shift_right_logical3A_344 = arith.shrui %xor3A_337, %shift_right_logical3A_343 : vector<16xi32>
      %or3A_345 = arith.ori %shift_left3A_341, %shift_right_logical3A_344 : vector<16xi32>
      %xor3A_346 = arith.xori %add3A_338, %or3A_345 : vector<16xi32>
      %add3A_347 = arith.constant 466689008 : i32
      %add3A_348 = vector.broadcast %add3A_347 : i32 to vector<16xi32>
      %add3A_349 = arith.addi %add3A_338, %add3A_348 : vector<16xi32>
      %add3A_350 = arith.constant 2 : i32
      %add3A_351 = vector.broadcast %add3A_350 : i32 to vector<16xi32>
      %add3A_352 = arith.addi %xor3A_346, %add3A_351 : vector<16xi32>
      %add3A_353 = arith.addi %add3A_349, %add3A_352 : vector<16xi32>
      %shift_left3A_354 = arith.constant 13 : i32
      %shift_left3A_355 = vector.broadcast %shift_left3A_354 : i32 to vector<16xi32>
      %shift_left3A_356 = arith.shli %add3A_352, %shift_left3A_355 : vector<16xi32>
      %shift_right_logical3A_357 = arith.constant 19 : i32
      %shift_right_logical3A_358 = vector.broadcast %shift_right_logical3A_357 : i32 to vector<16xi32>
      %shift_right_logical3A_359 = arith.shrui %add3A_352, %shift_right_logical3A_358 : vector<16xi32>
      %or3A_360 = arith.ori %shift_left3A_356, %shift_right_logical3A_359 : vector<16xi32>
      %xor3A_361 = arith.xori %add3A_353, %or3A_360 : vector<16xi32>
      %add3A_362 = arith.addi %add3A_353, %xor3A_361 : vector<16xi32>
      %shift_left3A_363 = arith.constant 15 : i32
      %shift_left3A_364 = vector.broadcast %shift_left3A_363 : i32 to vector<16xi32>
      %shift_left3A_365 = arith.shli %xor3A_361, %shift_left3A_364 : vector<16xi32>
      %shift_right_logical3A_366 = arith.constant 17 : i32
      %shift_right_logical3A_367 = vector.broadcast %shift_right_logical3A_366 : i32 to vector<16xi32>
      %shift_right_logical3A_368 = arith.shrui %xor3A_361, %shift_right_logical3A_367 : vector<16xi32>
      %or3A_369 = arith.ori %shift_left3A_365, %shift_right_logical3A_368 : vector<16xi32>
      %xor3A_370 = arith.xori %add3A_362, %or3A_369 : vector<16xi32>
      %add3A_371 = arith.addi %add3A_362, %xor3A_370 : vector<16xi32>
      %shift_left3A_372 = arith.constant 26 : i32
      %shift_left3A_373 = vector.broadcast %shift_left3A_372 : i32 to vector<16xi32>
      %shift_left3A_374 = arith.shli %xor3A_370, %shift_left3A_373 : vector<16xi32>
      %shift_right_logical3A_375 = arith.constant 6 : i32
      %shift_right_logical3A_376 = vector.broadcast %shift_right_logical3A_375 : i32 to vector<16xi32>
      %shift_right_logical3A_377 = arith.shrui %xor3A_370, %shift_right_logical3A_376 : vector<16xi32>
      %or3A_378 = arith.ori %shift_left3A_374, %shift_right_logical3A_377 : vector<16xi32>
      %xor3A_379 = arith.xori %add3A_371, %or3A_378 : vector<16xi32>
      %add3A_380 = arith.addi %add3A_371, %xor3A_379 : vector<16xi32>
      %shift_left3A_381 = arith.constant 6 : i32
      %shift_left3A_382 = vector.broadcast %shift_left3A_381 : i32 to vector<16xi32>
      %shift_left3A_383 = arith.shli %xor3A_379, %shift_left3A_382 : vector<16xi32>
      %shift_right_logical3A_384 = arith.constant 26 : i32
      %shift_right_logical3A_385 = vector.broadcast %shift_right_logical3A_384 : i32 to vector<16xi32>
      %shift_right_logical3A_386 = arith.shrui %xor3A_379, %shift_right_logical3A_385 : vector<16xi32>
      %or3A_387 = arith.ori %shift_left3A_383, %shift_right_logical3A_386 : vector<16xi32>
      %xor3A_388 = arith.xori %add3A_380, %or3A_387 : vector<16xi32>
      %add3A_389 = arith.constant 0 : i32
      %add3A_390 = vector.broadcast %add3A_389 : i32 to vector<16xi32>
      %add3A_391 = arith.addi %add3A_380, %add3A_390 : vector<16xi32>
      %add3A_392 = arith.constant 45 : i32
      %add3A_393 = vector.broadcast %add3A_392 : i32 to vector<16xi32>
      %add3A_394 = arith.addi %xor3A_388, %add3A_393 : vector<16xi32>
      %add3A_395 = arith.addi %add3A_391, %add3A_394 : vector<16xi32>
      %shift_left3A_396 = arith.constant 17 : i32
      %shift_left3A_397 = vector.broadcast %shift_left3A_396 : i32 to vector<16xi32>
      %shift_left3A_398 = arith.shli %add3A_394, %shift_left3A_397 : vector<16xi32>
      %shift_right_logical3A_399 = arith.constant 15 : i32
      %shift_right_logical3A_400 = vector.broadcast %shift_right_logical3A_399 : i32 to vector<16xi32>
      %shift_right_logical3A_401 = arith.shrui %add3A_394, %shift_right_logical3A_400 : vector<16xi32>
      %or3A_402 = arith.ori %shift_left3A_398, %shift_right_logical3A_401 : vector<16xi32>
      %xor3A_403 = arith.xori %add3A_395, %or3A_402 : vector<16xi32>
      %add3A_404 = arith.addi %add3A_395, %xor3A_403 : vector<16xi32>
      %shift_left3A_405 = arith.constant 29 : i32
      %shift_left3A_406 = vector.broadcast %shift_left3A_405 : i32 to vector<16xi32>
      %shift_left3A_407 = arith.shli %xor3A_403, %shift_left3A_406 : vector<16xi32>
      %shift_right_logical3A_408 = arith.constant 3 : i32
      %shift_right_logical3A_409 = vector.broadcast %shift_right_logical3A_408 : i32 to vector<16xi32>
      %shift_right_logical3A_410 = arith.shrui %xor3A_403, %shift_right_logical3A_409 : vector<16xi32>
      %or3A_411 = arith.ori %shift_left3A_407, %shift_right_logical3A_410 : vector<16xi32>
      %xor3A_412 = arith.xori %add3A_404, %or3A_411 : vector<16xi32>
      %add3A_413 = arith.addi %add3A_404, %xor3A_412 : vector<16xi32>
      %shift_left3A_414 = arith.constant 16 : i32
      %shift_left3A_415 = vector.broadcast %shift_left3A_414 : i32 to vector<16xi32>
      %shift_left3A_416 = arith.shli %xor3A_412, %shift_left3A_415 : vector<16xi32>
      %shift_right_logical3A_417 = arith.constant 16 : i32
      %shift_right_logical3A_418 = vector.broadcast %shift_right_logical3A_417 : i32 to vector<16xi32>
      %shift_right_logical3A_419 = arith.shrui %xor3A_412, %shift_right_logical3A_418 : vector<16xi32>
      %or3A_420 = arith.ori %shift_left3A_416, %shift_right_logical3A_419 : vector<16xi32>
      %xor3A_421 = arith.xori %add3A_413, %or3A_420 : vector<16xi32>
      %add3A_422 = arith.addi %add3A_413, %xor3A_421 : vector<16xi32>
      %shift_left3A_423 = arith.constant 24 : i32
      %shift_left3A_424 = vector.broadcast %shift_left3A_423 : i32 to vector<16xi32>
      %shift_left3A_425 = arith.shli %xor3A_421, %shift_left3A_424 : vector<16xi32>
      %shift_right_logical3A_426 = arith.constant 8 : i32
      %shift_right_logical3A_427 = vector.broadcast %shift_right_logical3A_426 : i32 to vector<16xi32>
      %shift_right_logical3A_428 = arith.shrui %xor3A_421, %shift_right_logical3A_427 : vector<16xi32>
      %or3A_429 = arith.ori %shift_left3A_425, %shift_right_logical3A_428 : vector<16xi32>
      %xor3A_430 = arith.xori %add3A_422, %or3A_429 : vector<16xi32>
      %add3A_431 = arith.constant 42 : i32
      %add3A_432 = vector.broadcast %add3A_431 : i32 to vector<16xi32>
      %add3A_433 = arith.addi %add3A_422, %add3A_432 : vector<16xi32>
      %add3A_434 = arith.constant 466689012 : i32
      %add3A_435 = vector.broadcast %add3A_434 : i32 to vector<16xi32>
      %add3A_436 = arith.addi %xor3A_430, %add3A_435 : vector<16xi32>
      %add3A_437 = arith.addi %add3A_433, %add3A_436 : vector<16xi32>
      %shift_left3A_438 = arith.constant 13 : i32
      %shift_left3A_439 = vector.broadcast %shift_left3A_438 : i32 to vector<16xi32>
      %shift_left3A_440 = arith.shli %add3A_436, %shift_left3A_439 : vector<16xi32>
      %shift_right_logical3A_441 = arith.constant 19 : i32
      %shift_right_logical3A_442 = vector.broadcast %shift_right_logical3A_441 : i32 to vector<16xi32>
      %shift_right_logical3A_443 = arith.shrui %add3A_436, %shift_right_logical3A_442 : vector<16xi32>
      %or3A_444 = arith.ori %shift_left3A_440, %shift_right_logical3A_443 : vector<16xi32>
      %xor3A_445 = arith.xori %add3A_437, %or3A_444 : vector<16xi32>
      %add3A_446 = arith.addi %add3A_437, %xor3A_445 : vector<16xi32>
      %shift_left3A_447 = arith.constant 15 : i32
      %shift_left3A_448 = vector.broadcast %shift_left3A_447 : i32 to vector<16xi32>
      %shift_left3A_449 = arith.shli %xor3A_445, %shift_left3A_448 : vector<16xi32>
      %shift_right_logical3A_450 = arith.constant 17 : i32
      %shift_right_logical3A_451 = vector.broadcast %shift_right_logical3A_450 : i32 to vector<16xi32>
      %shift_right_logical3A_452 = arith.shrui %xor3A_445, %shift_right_logical3A_451 : vector<16xi32>
      %or3A_453 = arith.ori %shift_left3A_449, %shift_right_logical3A_452 : vector<16xi32>
      %xor3A_454 = arith.xori %add3A_446, %or3A_453 : vector<16xi32>
      %add3A_455 = arith.addi %add3A_446, %xor3A_454 : vector<16xi32>
      %shift_left3A_456 = arith.constant 26 : i32
      %shift_left3A_457 = vector.broadcast %shift_left3A_456 : i32 to vector<16xi32>
      %shift_left3A_458 = arith.shli %xor3A_454, %shift_left3A_457 : vector<16xi32>
      %shift_right_logical3A_459 = arith.constant 6 : i32
      %shift_right_logical3A_460 = vector.broadcast %shift_right_logical3A_459 : i32 to vector<16xi32>
      %shift_right_logical3A_461 = arith.shrui %xor3A_454, %shift_right_logical3A_460 : vector<16xi32>
      %or3A_462 = arith.ori %shift_left3A_458, %shift_right_logical3A_461 : vector<16xi32>
      %xor3A_463 = arith.xori %add3A_455, %or3A_462 : vector<16xi32>
      %add3A_464 = arith.addi %add3A_455, %xor3A_463 : vector<16xi32>
      %shift_left3A_465 = arith.constant 6 : i32
      %shift_left3A_466 = vector.broadcast %shift_left3A_465 : i32 to vector<16xi32>
      %shift_left3A_467 = arith.shli %xor3A_463, %shift_left3A_466 : vector<16xi32>
      %shift_right_logical3A_468 = arith.constant 26 : i32
      %shift_right_logical3A_469 = vector.broadcast %shift_right_logical3A_468 : i32 to vector<16xi32>
      %shift_right_logical3A_470 = arith.shrui %xor3A_463, %shift_right_logical3A_469 : vector<16xi32>
      %or3A_471 = arith.ori %shift_left3A_467, %shift_right_logical3A_470 : vector<16xi32>
      %xor3A_472 = arith.xori %add3A_464, %or3A_471 : vector<16xi32>
      %add3A_473 = arith.constant 466689008 : i32
      %add3A_474 = vector.broadcast %add3A_473 : i32 to vector<16xi32>
      %add3A_475 = arith.addi %add3A_464, %add3A_474 : vector<16xi32>
      %lt3A_476 = arith.constant -2147483648 : i32
      %lt3A_477 = vector.broadcast %lt3A_476 : i32 to vector<16xi32>
      %lt3A_478 = arith.cmpi ult, %add3A_475, %lt3A_477 : vector<16xi32>
      %select_n3A_479 = arith.select %lt3A_478, %get3A_5, %get3A_8 : vector<16xi1>, vector<16xf32>
      %mul3A_480 = arith.mulf %get3A_260, %select_n3A_479 : vector<16xf32>
      %swap3A_481 = arith.index_cast %add3A_257 : i32 to index
      %swap3A_482 = tpu.vector_load %arg5[%swap3A_481] {strides = array<i32>} : memref<83904xf32, #tpu.memory_space<vmem>>, vector<16xf32>,
      %swap3A_483 = vector.shape_cast %swap3A_482 : vector<16xf32> to vector<16xf32>
      %swap3A_484 = vector.shape_cast %mul3A_480 : vector<16xf32> to vector<16xf32>
      tpu.vector_store %arg5[%swap3A_481], %swap3A_484 {strides = array<i32>} : memref<83904xf32, #tpu.memory_space<vmem>>, vector<16xf32>,
      %add3A_485 = arith.constant 32 : i32
      %add3A_486 = arith.addi %mul3A_34, %add3A_485 : i32
      %get3A_487 = arith.index_cast %add3A_486 : i32 to index
      %get3A_488 = tpu.vector_load %arg5[%get3A_487] {strides = array<i32>} : memref<83904xf32, #tpu.memory_space<vmem>>, vector<16xf32>,
      %get3A_489 = vector.shape_cast %get3A_488 : vector<16xf32> to vector<16xf32>
      %add3A_490 = arith.addi %mul3A_2, %add3A_486 : i32
      %add3A_491 = vector.broadcast %add3A_490 : i32 to vector<16xi32>
      %add3A_492 = arith.addi %add3A_491, %iota3A : vector<16xi32>
      %broadcast_in_dim3A_493 = arith.constant 0 : i32
      %broadcast_in_dim3A_494 = vector.broadcast %broadcast_in_dim3A_493 : i32 to vector<16xi32>
      %add3A_495 = arith.constant 42 : i32
      %add3A_496 = vector.broadcast %add3A_495 : i32 to vector<16xi32>
      %add3A_497 = arith.addi %add3A_492, %add3A_496 : vector<16xi32>
      %add3A_498 = arith.addi %broadcast_in_dim3A_494, %add3A_497 : vector<16xi32>
      %shift_left3A_499 = arith.constant 13 : i32
      %shift_left3A_500 = vector.broadcast %shift_left3A_499 : i32 to vector<16xi32>
      %shift_left3A_501 = arith.shli %add3A_497, %shift_left3A_500 : vector<16xi32>
      %shift_right_logical3A_502 = arith.constant 19 : i32
      %shift_right_logical3A_503 = vector.broadcast %shift_right_logical3A_502 : i32 to vector<16xi32>
      %shift_right_logical3A_504 = arith.shrui %add3A_497, %shift_right_logical3A_503 : vector<16xi32>
      %or3A_505 = arith.ori %shift_left3A_501, %shift_right_logical3A_504 : vector<16xi32>
      %xor3A_506 = arith.xori %add3A_498, %or3A_505 : vector<16xi32>
      %add3A_507 = arith.addi %add3A_498, %xor3A_506 : vector<16xi32>
      %shift_left3A_508 = arith.constant 15 : i32
      %shift_left3A_509 = vector.broadcast %shift_left3A_508 : i32 to vector<16xi32>
      %shift_left3A_510 = arith.shli %xor3A_506, %shift_left3A_509 : vector<16xi32>
      %shift_right_logical3A_511 = arith.constant 17 : i32
      %shift_right_logical3A_512 = vector.broadcast %shift_right_logical3A_511 : i32 to vector<16xi32>
      %shift_right_logical3A_513 = arith.shrui %xor3A_506, %shift_right_logical3A_512 : vector<16xi32>
      %or3A_514 = arith.ori %shift_left3A_510, %shift_right_logical3A_513 : vector<16xi32>
      %xor3A_515 = arith.xori %add3A_507, %or3A_514 : vector<16xi32>
      %add3A_516 = arith.addi %add3A_507, %xor3A_515 : vector<16xi32>
      %shift_left3A_517 = arith.constant 26 : i32
      %shift_left3A_518 = vector.broadcast %shift_left3A_517 : i32 to vector<16xi32>
      %shift_left3A_519 = arith.shli %xor3A_515, %shift_left3A_518 : vector<16xi32>
      %shift_right_logical3A_520 = arith.constant 6 : i32
      %shift_right_logical3A_521 = vector.broadcast %shift_right_logical3A_520 : i32 to vector<16xi32>
      %shift_right_logical3A_522 = arith.shrui %xor3A_515, %shift_right_logical3A_521 : vector<16xi32>
      %or3A_523 = arith.ori %shift_left3A_519, %shift_right_logical3A_522 : vector<16xi32>
      %xor3A_524 = arith.xori %add3A_516, %or3A_523 : vector<16xi32>
      %add3A_525 = arith.addi %add3A_516, %xor3A_524 : vector<16xi32>
      %shift_left3A_526 = arith.constant 6 : i32
      %shift_left3A_527 = vector.broadcast %shift_left3A_526 : i32 to vector<16xi32>
      %shift_left3A_528 = arith.shli %xor3A_524, %shift_left3A_527 : vector<16xi32>
      %shift_right_logical3A_529 = arith.constant 26 : i32
      %shift_right_logical3A_530 = vector.broadcast %shift_right_logical3A_529 : i32 to vector<16xi32>
      %shift_right_logical3A_531 = arith.shrui %xor3A_524, %shift_right_logical3A_530 : vector<16xi32>
      %or3A_532 = arith.ori %shift_left3A_528, %shift_right_logical3A_531 : vector<16xi32>
      %xor3A_533 = arith.xori %add3A_525, %or3A_532 : vector<16xi32>
      %add3A_534 = arith.constant 42 : i32
      %add3A_535 = vector.broadcast %add3A_534 : i32 to vector<16xi32>
      %add3A_536 = arith.addi %add3A_525, %add3A_535 : vector<16xi32>
      %add3A_537 = arith.constant 466689009 : i32
      %add3A_538 = vector.broadcast %add3A_537 : i32 to vector<16xi32>
      %add3A_539 = arith.addi %xor3A_533, %add3A_538 : vector<16xi32>
      %add3A_540 = arith.addi %add3A_536, %add3A_539 : vector<16xi32>
      %shift_left3A_541 = arith.constant 17 : i32
      %shift_left3A_542 = vector.broadcast %shift_left3A_541 : i32 to vector<16xi32>
      %shift_left3A_543 = arith.shli %add3A_539, %shift_left3A_542 : vector<16xi32>
      %shift_right_logical3A_544 = arith.constant 15 : i32
      %shift_right_logical3A_545 = vector.broadcast %shift_right_logical3A_544 : i32 to vector<16xi32>
      %shift_right_logical3A_546 = arith.shrui %add3A_539, %shift_right_logical3A_545 : vector<16xi32>
      %or3A_547 = arith.ori %shift_left3A_543, %shift_right_logical3A_546 : vector<16xi32>
      %xor3A_548 = arith.xori %add3A_540, %or3A_547 : vector<16xi32>
      %add3A_549 = arith.addi %add3A_540, %xor3A_548 : vector<16xi32>
      %shift_left3A_550 = arith.constant 29 : i32
      %shift_left3A_551 = vector.broadcast %shift_left3A_550 : i32 to vector<16xi32>
      %shift_left3A_552 = arith.shli %xor3A_548, %shift_left3A_551 : vector<16xi32>
      %shift_right_logical3A_553 = arith.constant 3 : i32
      %shift_right_logical3A_554 = vector.broadcast %shift_right_logical3A_553 : i32 to vector<16xi32>
      %shift_right_logical3A_555 = arith.shrui %xor3A_548, %shift_right_logical3A_554 : vector<16xi32>
      %or3A_556 = arith.ori %shift_left3A_552, %shift_right_logical3A_555 : vector<16xi32>
      %xor3A_557 = arith.xori %add3A_549, %or3A_556 : vector<16xi32>
      %add3A_558 = arith.addi %add3A_549, %xor3A_557 : vector<16xi32>
      %shift_left3A_559 = arith.constant 16 : i32
      %shift_left3A_560 = vector.broadcast %shift_left3A_559 : i32 to vector<16xi32>
      %shift_left3A_561 = arith.shli %xor3A_557, %shift_left3A_560 : vector<16xi32>
      %shift_right_logical3A_562 = arith.constant 16 : i32
      %shift_right_logical3A_563 = vector.broadcast %shift_right_logical3A_562 : i32 to vector<16xi32>
      %shift_right_logical3A_564 = arith.shrui %xor3A_557, %shift_right_logical3A_563 : vector<16xi32>
      %or3A_565 = arith.ori %shift_left3A_561, %shift_right_logical3A_564 : vector<16xi32>
      %xor3A_566 = arith.xori %add3A_558, %or3A_565 : vector<16xi32>
      %add3A_567 = arith.addi %add3A_558, %xor3A_566 : vector<16xi32>
      %shift_left3A_568 = arith.constant 24 : i32
      %shift_left3A_569 = vector.broadcast %shift_left3A_568 : i32 to vector<16xi32>
      %shift_left3A_570 = arith.shli %xor3A_566, %shift_left3A_569 : vector<16xi32>
      %shift_right_logical3A_571 = arith.constant 8 : i32
      %shift_right_logical3A_572 = vector.broadcast %shift_right_logical3A_571 : i32 to vector<16xi32>
      %shift_right_logical3A_573 = arith.shrui %xor3A_566, %shift_right_logical3A_572 : vector<16xi32>
      %or3A_574 = arith.ori %shift_left3A_570, %shift_right_logical3A_573 : vector<16xi32>
      %xor3A_575 = arith.xori %add3A_567, %or3A_574 : vector<16xi32>
      %add3A_576 = arith.constant 466689008 : i32
      %add3A_577 = vector.broadcast %add3A_576 : i32 to vector<16xi32>
      %add3A_578 = arith.addi %add3A_567, %add3A_577 : vector<16xi32>
      %add3A_579 = arith.constant 2 : i32
      %add3A_580 = vector.broadcast %add3A_579 : i32 to vector<16xi32>
      %add3A_581 = arith.addi %xor3A_575, %add3A_580 : vector<16xi32>
      %add3A_582 = arith.addi %add3A_578, %add3A_581 : vector<16xi32>
      %shift_left3A_583 = arith.constant 13 : i32
      %shift_left3A_584 = vector.broadcast %shift_left3A_583 : i32 to vector<16xi32>
      %shift_left3A_585 = arith.shli %add3A_581, %shift_left3A_584 : vector<16xi32>
      %shift_right_logical3A_586 = arith.constant 19 : i32
      %shift_right_logical3A_587 = vector.broadcast %shift_right_logical3A_586 : i32 to vector<16xi32>
      %shift_right_logical3A_588 = arith.shrui %add3A_581, %shift_right_logical3A_587 : vector<16xi32>
      %or3A_589 = arith.ori %shift_left3A_585, %shift_right_logical3A_588 : vector<16xi32>
      %xor3A_590 = arith.xori %add3A_582, %or3A_589 : vector<16xi32>
      %add3A_591 = arith.addi %add3A_582, %xor3A_590 : vector<16xi32>
      %shift_left3A_592 = arith.constant 15 : i32
      %shift_left3A_593 = vector.broadcast %shift_left3A_592 : i32 to vector<16xi32>
      %shift_left3A_594 = arith.shli %xor3A_590, %shift_left3A_593 : vector<16xi32>
      %shift_right_logical3A_595 = arith.constant 17 : i32
      %shift_right_logical3A_596 = vector.broadcast %shift_right_logical3A_595 : i32 to vector<16xi32>
      %shift_right_logical3A_597 = arith.shrui %xor3A_590, %shift_right_logical3A_596 : vector<16xi32>
      %or3A_598 = arith.ori %shift_left3A_594, %shift_right_logical3A_597 : vector<16xi32>
      %xor3A_599 = arith.xori %add3A_591, %or3A_598 : vector<16xi32>
      %add3A_600 = arith.addi %add3A_591, %xor3A_599 : vector<16xi32>
      %shift_left3A_601 = arith.constant 26 : i32
      %shift_left3A_602 = vector.broadcast %shift_left3A_601 : i32 to vector<16xi32>
      %shift_left3A_603 = arith.shli %xor3A_599, %shift_left3A_602 : vector<16xi32>
      %shift_right_logical3A_604 = arith.constant 6 : i32
      %shift_right_logical3A_605 = vector.broadcast %shift_right_logical3A_604 : i32 to vector<16xi32>
      %shift_right_logical3A_606 = arith.shrui %xor3A_599, %shift_right_logical3A_605 : vector<16xi32>
      %or3A_607 = arith.ori %shift_left3A_603, %shift_right_logical3A_606 : vector<16xi32>
      %xor3A_608 = arith.xori %add3A_600, %or3A_607 : vector<16xi32>
      %add3A_609 = arith.addi %add3A_600, %xor3A_608 : vector<16xi32>
      %shift_left3A_610 = arith.constant 6 : i32
      %shift_left3A_611 = vector.broadcast %shift_left3A_610 : i32 to vector<16xi32>
      %shift_left3A_612 = arith.shli %xor3A_608, %shift_left3A_611 : vector<16xi32>
      %shift_right_logical3A_613 = arith.constant 26 : i32
      %shift_right_logical3A_614 = vector.broadcast %shift_right_logical3A_613 : i32 to vector<16xi32>
      %shift_right_logical3A_615 = arith.shrui %xor3A_608, %shift_right_logical3A_614 : vector<16xi32>
      %or3A_616 = arith.ori %shift_left3A_612, %shift_right_logical3A_615 : vector<16xi32>
      %xor3A_617 = arith.xori %add3A_609, %or3A_616 : vector<16xi32>
      %add3A_618 = arith.constant 0 : i32
      %add3A_619 = vector.broadcast %add3A_618 : i32 to vector<16xi32>
      %add3A_620 = arith.addi %add3A_609, %add3A_619 : vector<16xi32>
      %add3A_621 = arith.constant 45 : i32
      %add3A_622 = vector.broadcast %add3A_621 : i32 to vector<16xi32>
      %add3A_623 = arith.addi %xor3A_617, %add3A_622 : vector<16xi32>
      %add3A_624 = arith.addi %add3A_620, %add3A_623 : vector<16xi32>
      %shift_left3A_625 = arith.constant 17 : i32
      %shift_left3A_626 = vector.broadcast %shift_left3A_625 : i32 to vector<16xi32>
      %shift_left3A_627 = arith.shli %add3A_623, %shift_left3A_626 : vector<16xi32>
      %shift_right_logical3A_628 = arith.constant 15 : i32
      %shift_right_logical3A_629 = vector.broadcast %shift_right_logical3A_628 : i32 to vector<16xi32>
      %shift_right_logical3A_630 = arith.shrui %add3A_623, %shift_right_logical3A_629 : vector<16xi32>
      %or3A_631 = arith.ori %shift_left3A_627, %shift_right_logical3A_630 : vector<16xi32>
      %xor3A_632 = arith.xori %add3A_624, %or3A_631 : vector<16xi32>
      %add3A_633 = arith.addi %add3A_624, %xor3A_632 : vector<16xi32>
      %shift_left3A_634 = arith.constant 29 : i32
      %shift_left3A_635 = vector.broadcast %shift_left3A_634 : i32 to vector<16xi32>
      %shift_left3A_636 = arith.shli %xor3A_632, %shift_left3A_635 : vector<16xi32>
      %shift_right_logical3A_637 = arith.constant 3 : i32
      %shift_right_logical3A_638 = vector.broadcast %shift_right_logical3A_637 : i32 to vector<16xi32>
      %shift_right_logical3A_639 = arith.shrui %xor3A_632, %shift_right_logical3A_638 : vector<16xi32>
      %or3A_640 = arith.ori %shift_left3A_636, %shift_right_logical3A_639 : vector<16xi32>
      %xor3A_641 = arith.xori %add3A_633, %or3A_640 : vector<16xi32>
      %add3A_642 = arith.addi %add3A_633, %xor3A_641 : vector<16xi32>
      %shift_left3A_643 = arith.constant 16 : i32
      %shift_left3A_644 = vector.broadcast %shift_left3A_643 : i32 to vector<16xi32>
      %shift_left3A_645 = arith.shli %xor3A_641, %shift_left3A_644 : vector<16xi32>
      %shift_right_logical3A_646 = arith.constant 16 : i32
      %shift_right_logical3A_647 = vector.broadcast %shift_right_logical3A_646 : i32 to vector<16xi32>
      %shift_right_logical3A_648 = arith.shrui %xor3A_641, %shift_right_logical3A_647 : vector<16xi32>
      %or3A_649 = arith.ori %shift_left3A_645, %shift_right_logical3A_648 : vector<16xi32>
      %xor3A_650 = arith.xori %add3A_642, %or3A_649 : vector<16xi32>
      %add3A_651 = arith.addi %add3A_642, %xor3A_650 : vector<16xi32>
      %shift_left3A_652 = arith.constant 24 : i32
      %shift_left3A_653 = vector.broadcast %shift_left3A_652 : i32 to vector<16xi32>
      %shift_left3A_654 = arith.shli %xor3A_650, %shift_left3A_653 : vector<16xi32>
      %shift_right_logical3A_655 = arith.constant 8 : i32
      %shift_right_logical3A_656 = vector.broadcast %shift_right_logical3A_655 : i32 to vector<16xi32>
      %shift_right_logical3A_657 = arith.shrui %xor3A_650, %shift_right_logical3A_656 : vector<16xi32>
      %or3A_658 = arith.ori %shift_left3A_654, %shift_right_logical3A_657 : vector<16xi32>
      %xor3A_659 = arith.xori %add3A_651, %or3A_658 : vector<16xi32>
      %add3A_660 = arith.constant 42 : i32
      %add3A_661 = vector.broadcast %add3A_660 : i32 to vector<16xi32>
      %add3A_662 = arith.addi %add3A_651, %add3A_661 : vector<16xi32>
      %add3A_663 = arith.constant 466689012 : i32
      %add3A_664 = vector.broadcast %add3A_663 : i32 to vector<16xi32>
      %add3A_665 = arith.addi %xor3A_659, %add3A_664 : vector<16xi32>
      %add3A_666 = arith.addi %add3A_662, %add3A_665 : vector<16xi32>
      %shift_left3A_667 = arith.constant 13 : i32
      %shift_left3A_668 = vector.broadcast %shift_left3A_667 : i32 to vector<16xi32>
      %shift_left3A_669 = arith.shli %add3A_665, %shift_left3A_668 : vector<16xi32>
      %shift_right_logical3A_670 = arith.constant 19 : i32
      %shift_right_logical3A_671 = vector.broadcast %shift_right_logical3A_670 : i32 to vector<16xi32>
      %shift_right_logical3A_672 = arith.shrui %add3A_665, %shift_right_logical3A_671 : vector<16xi32>
      %or3A_673 = arith.ori %shift_left3A_669, %shift_right_logical3A_672 : vector<16xi32>
      %xor3A_674 = arith.xori %add3A_666, %or3A_673 : vector<16xi32>
      %add3A_675 = arith.addi %add3A_666, %xor3A_674 : vector<16xi32>
      %shift_left3A_676 = arith.constant 15 : i32
      %shift_left3A_677 = vector.broadcast %shift_left3A_676 : i32 to vector<16xi32>
      %shift_left3A_678 = arith.shli %xor3A_674, %shift_left3A_677 : vector<16xi32>
      %shift_right_logical3A_679 = arith.constant 17 : i32
      %shift_right_logical3A_680 = vector.broadcast %shift_right_logical3A_679 : i32 to vector<16xi32>
      %shift_right_logical3A_681 = arith.shrui %xor3A_674, %shift_right_logical3A_680 : vector<16xi32>
      %or3A_682 = arith.ori %shift_left3A_678, %shift_right_logical3A_681 : vector<16xi32>
      %xor3A_683 = arith.xori %add3A_675, %or3A_682 : vector<16xi32>
      %add3A_684 = arith.addi %add3A_675, %xor3A_683 : vector<16xi32>
      %shift_left3A_685 = arith.constant 26 : i32
      %shift_left3A_686 = vector.broadcast %shift_left3A_685 : i32 to vector<16xi32>
      %shift_left3A_687 = arith.shli %xor3A_683, %shift_left3A_686 : vector<16xi32>
      %shift_right_logical3A_688 = arith.constant 6 : i32
      %shift_right_logical3A_689 = vector.broadcast %shift_right_logical3A_688 : i32 to vector<16xi32>
      %shift_right_logical3A_690 = arith.shrui %xor3A_683, %shift_right_logical3A_689 : vector<16xi32>
      %or3A_691 = arith.ori %shift_left3A_687, %shift_right_logical3A_690 : vector<16xi32>
      %xor3A_692 = arith.xori %add3A_684, %or3A_691 : vector<16xi32>
      %add3A_693 = arith.addi %add3A_684, %xor3A_692 : vector<16xi32>
      %shift_left3A_694 = arith.constant 6 : i32
      %shift_left3A_695 = vector.broadcast %shift_left3A_694 : i32 to vector<16xi32>
      %shift_left3A_696 = arith.shli %xor3A_692, %shift_left3A_695 : vector<16xi32>
      %shift_right_logical3A_697 = arith.constant 26 : i32
      %shift_right_logical3A_698 = vector.broadcast %shift_right_logical3A_697 : i32 to vector<16xi32>
      %shift_right_logical3A_699 = arith.shrui %xor3A_692, %shift_right_logical3A_698 : vector<16xi32>
      %or3A_700 = arith.ori %shift_left3A_696, %shift_right_logical3A_699 : vector<16xi32>
      %xor3A_701 = arith.xori %add3A_693, %or3A_700 : vector<16xi32>
      %add3A_702 = arith.constant 466689008 : i32
      %add3A_703 = vector.broadcast %add3A_702 : i32 to vector<16xi32>
      %add3A_704 = arith.addi %add3A_693, %add3A_703 : vector<16xi32>
      %lt3A_705 = arith.constant -2147483648 : i32
      %lt3A_706 = vector.broadcast %lt3A_705 : i32 to vector<16xi32>
      %lt3A_707 = arith.cmpi ult, %add3A_704, %lt3A_706 : vector<16xi32>
      %select_n3A_708 = arith.select %lt3A_707, %get3A_5, %get3A_8 : vector<16xi1>, vector<16xf32>
      %mul3A_709 = arith.mulf %get3A_489, %select_n3A_708 : vector<16xf32>
      %swap3A_710 = arith.index_cast %add3A_486 : i32 to index
      %swap3A_711 = tpu.vector_load %arg5[%swap3A_710] {strides = array<i32>} : memref<83904xf32, #tpu.memory_space<vmem>>, vector<16xf32>,
      %swap3A_712 = vector.shape_cast %swap3A_711 : vector<16xf32> to vector<16xf32>
      %swap3A_713 = vector.shape_cast %mul3A_709 : vector<16xf32> to vector<16xf32>
      tpu.vector_store %arg5[%swap3A_710], %swap3A_713 {strides = array<i32>} : memref<83904xf32, #tpu.memory_space<vmem>>, vector<16xf32>,
      %add3A_714 = arith.constant 48 : i32
      %add3A_715 = arith.addi %mul3A_34, %add3A_714 : i32
      %get3A_716 = arith.index_cast %add3A_715 : i32 to index
      %get3A_717 = tpu.vector_load %arg5[%get3A_716] {strides = array<i32>} : memref<83904xf32, #tpu.memory_space<vmem>>, vector<16xf32>,
      %get3A_718 = vector.shape_cast %get3A_717 : vector<16xf32> to vector<16xf32>
      %add3A_719 = arith.addi %mul3A_2, %add3A_715 : i32
      %add3A_720 = vector.broadcast %add3A_719 : i32 to vector<16xi32>
      %add3A_721 = arith.addi %add3A_720, %iota3A : vector<16xi32>
      %broadcast_in_dim3A_722 = arith.constant 0 : i32
      %broadcast_in_dim3A_723 = vector.broadcast %broadcast_in_dim3A_722 : i32 to vector<16xi32>
      %add3A_724 = arith.constant 42 : i32
      %add3A_725 = vector.broadcast %add3A_724 : i32 to vector<16xi32>
      %add3A_726 = arith.addi %add3A_721, %add3A_725 : vector<16xi32>
      %add3A_727 = arith.addi %broadcast_in_dim3A_723, %add3A_726 : vector<16xi32>
      %shift_left3A_728 = arith.constant 13 : i32
      %shift_left3A_729 = vector.broadcast %shift_left3A_728 : i32 to vector<16xi32>
      %shift_left3A_730 = arith.shli %add3A_726, %shift_left3A_729 : vector<16xi32>
      %shift_right_logical3A_731 = arith.constant 19 : i32
      %shift_right_logical3A_732 = vector.broadcast %shift_right_logical3A_731 : i32 to vector<16xi32>
      %shift_right_logical3A_733 = arith.shrui %add3A_726, %shift_right_logical3A_732 : vector<16xi32>
      %or3A_734 = arith.ori %shift_left3A_730, %shift_right_logical3A_733 : vector<16xi32>
      %xor3A_735 = arith.xori %add3A_727, %or3A_734 : vector<16xi32>
      %add3A_736 = arith.addi %add3A_727, %xor3A_735 : vector<16xi32>
      %shift_left3A_737 = arith.constant 15 : i32
      %shift_left3A_738 = vector.broadcast %shift_left3A_737 : i32 to vector<16xi32>
      %shift_left3A_739 = arith.shli %xor3A_735, %shift_left3A_738 : vector<16xi32>
      %shift_right_logical3A_740 = arith.constant 17 : i32
      %shift_right_logical3A_741 = vector.broadcast %shift_right_logical3A_740 : i32 to vector<16xi32>
      %shift_right_logical3A_742 = arith.shrui %xor3A_735, %shift_right_logical3A_741 : vector<16xi32>
      %or3A_743 = arith.ori %shift_left3A_739, %shift_right_logical3A_742 : vector<16xi32>
      %xor3A_744 = arith.xori %add3A_736, %or3A_743 : vector<16xi32>
      %add3A_745 = arith.addi %add3A_736, %xor3A_744 : vector<16xi32>
      %shift_left3A_746 = arith.constant 26 : i32
      %shift_left3A_747 = vector.broadcast %shift_left3A_746 : i32 to vector<16xi32>
      %shift_left3A_748 = arith.shli %xor3A_744, %shift_left3A_747 : vector<16xi32>
      %shift_right_logical3A_749 = arith.constant 6 : i32
      %shift_right_logical3A_750 = vector.broadcast %shift_right_logical3A_749 : i32 to vector<16xi32>
      %shift_right_logical3A_751 = arith.shrui %xor3A_744, %shift_right_logical3A_750 : vector<16xi32>
      %or3A_752 = arith.ori %shift_left3A_748, %shift_right_logical3A_751 : vector<16xi32>
      %xor3A_753 = arith.xori %add3A_745, %or3A_752 : vector<16xi32>
      %add3A_754 = arith.addi %add3A_745, %xor3A_753 : vector<16xi32>
      %shift_left3A_755 = arith.constant 6 : i32
      %shift_left3A_756 = vector.broadcast %shift_left3A_755 : i32 to vector<16xi32>
      %shift_left3A_757 = arith.shli %xor3A_753, %shift_left3A_756 : vector<16xi32>
      %shift_right_logical3A_758 = arith.constant 26 : i32
      %shift_right_logical3A_759 = vector.broadcast %shift_right_logical3A_758 : i32 to vector<16xi32>
      %shift_right_logical3A_760 = arith.shrui %xor3A_753, %shift_right_logical3A_759 : vector<16xi32>
      %or3A_761 = arith.ori %shift_left3A_757, %shift_right_logical3A_760 : vector<16xi32>
      %xor3A_762 = arith.xori %add3A_754, %or3A_761 : vector<16xi32>
      %add3A_763 = arith.constant 42 : i32
      %add3A_764 = vector.broadcast %add3A_763 : i32 to vector<16xi32>
      %add3A_765 = arith.addi %add3A_754, %add3A_764 : vector<16xi32>
      %add3A_766 = arith.constant 466689009 : i32
      %add3A_767 = vector.broadcast %add3A_766 : i32 to vector<16xi32>
      %add3A_768 = arith.addi %xor3A_762, %add3A_767 : vector<16xi32>
      %add3A_769 = arith.addi %add3A_765, %add3A_768 : vector<16xi32>
      %shift_left3A_770 = arith.constant 17 : i32
      %shift_left3A_771 = vector.broadcast %shift_left3A_770 : i32 to vector<16xi32>
      %shift_left3A_772 = arith.shli %add3A_768, %shift_left3A_771 : vector<16xi32>
      %shift_right_logical3A_773 = arith.constant 15 : i32
      %shift_right_logical3A_774 = vector.broadcast %shift_right_logical3A_773 : i32 to vector<16xi32>
      %shift_right_logical3A_775 = arith.shrui %add3A_768, %shift_right_logical3A_774 : vector<16xi32>
      %or3A_776 = arith.ori %shift_left3A_772, %shift_right_logical3A_775 : vector<16xi32>
      %xor3A_777 = arith.xori %add3A_769, %or3A_776 : vector<16xi32>
      %add3A_778 = arith.addi %add3A_769, %xor3A_777 : vector<16xi32>
      %shift_left3A_779 = arith.constant 29 : i32
      %shift_left3A_780 = vector.broadcast %shift_left3A_779 : i32 to vector<16xi32>
      %shift_left3A_781 = arith.shli %xor3A_777, %shift_left3A_780 : vector<16xi32>
      %shift_right_logical3A_782 = arith.constant 3 : i32
      %shift_right_logical3A_783 = vector.broadcast %shift_right_logical3A_782 : i32 to vector<16xi32>
      %shift_right_logical3A_784 = arith.shrui %xor3A_777, %shift_right_logical3A_783 : vector<16xi32>
      %or3A_785 = arith.ori %shift_left3A_781, %shift_right_logical3A_784 : vector<16xi32>
      %xor3A_786 = arith.xori %add3A_778, %or3A_785 : vector<16xi32>
      %add3A_787 = arith.addi %add3A_778, %xor3A_786 : vector<16xi32>
      %shift_left3A_788 = arith.constant 16 : i32
      %shift_left3A_789 = vector.broadcast %shift_left3A_788 : i32 to vector<16xi32>
      %shift_left3A_790 = arith.shli %xor3A_786, %shift_left3A_789 : vector<16xi32>
      %shift_right_logical3A_791 = arith.constant 16 : i32
      %shift_right_logical3A_792 = vector.broadcast %shift_right_logical3A_791 : i32 to vector<16xi32>
      %shift_right_logical3A_793 = arith.shrui %xor3A_786, %shift_right_logical3A_792 : vector<16xi32>
      %or3A_794 = arith.ori %shift_left3A_790, %shift_right_logical3A_793 : vector<16xi32>
      %xor3A_795 = arith.xori %add3A_787, %or3A_794 : vector<16xi32>
      %add3A_796 = arith.addi %add3A_787, %xor3A_795 : vector<16xi32>
      %shift_left3A_797 = arith.constant 24 : i32
      %shift_left3A_798 = vector.broadcast %shift_left3A_797 : i32 to vector<16xi32>
      %shift_left3A_799 = arith.shli %xor3A_795, %shift_left3A_798 : vector<16xi32>
      %shift_right_logical3A_800 = arith.constant 8 : i32
      %shift_right_logical3A_801 = vector.broadcast %shift_right_logical3A_800 : i32 to vector<16xi32>
      %shift_right_logical3A_802 = arith.shrui %xor3A_795, %shift_right_logical3A_801 : vector<16xi32>
      %or3A_803 = arith.ori %shift_left3A_799, %shift_right_logical3A_802 : vector<16xi32>
      %xor3A_804 = arith.xori %add3A_796, %or3A_803 : vector<16xi32>
      %add3A_805 = arith.constant 466689008 : i32
      %add3A_806 = vector.broadcast %add3A_805 : i32 to vector<16xi32>
      %add3A_807 = arith.addi %add3A_796, %add3A_806 : vector<16xi32>
      %add3A_808 = arith.constant 2 : i32
      %add3A_809 = vector.broadcast %add3A_808 : i32 to vector<16xi32>
      %add3A_810 = arith.addi %xor3A_804, %add3A_809 : vector<16xi32>
      %add3A_811 = arith.addi %add3A_807, %add3A_810 : vector<16xi32>
      %shift_left3A_812 = arith.constant 13 : i32
      %shift_left3A_813 = vector.broadcast %shift_left3A_812 : i32 to vector<16xi32>
      %shift_left3A_814 = arith.shli %add3A_810, %shift_left3A_813 : vector<16xi32>
      %shift_right_logical3A_815 = arith.constant 19 : i32
      %shift_right_logical3A_816 = vector.broadcast %shift_right_logical3A_815 : i32 to vector<16xi32>
      %shift_right_logical3A_817 = arith.shrui %add3A_810, %shift_right_logical3A_816 : vector<16xi32>
      %or3A_818 = arith.ori %shift_left3A_814, %shift_right_logical3A_817 : vector<16xi32>
      %xor3A_819 = arith.xori %add3A_811, %or3A_818 : vector<16xi32>
      %add3A_820 = arith.addi %add3A_811, %xor3A_819 : vector<16xi32>
      %shift_left3A_821 = arith.constant 15 : i32
      %shift_left3A_822 = vector.broadcast %shift_left3A_821 : i32 to vector<16xi32>
      %shift_left3A_823 = arith.shli %xor3A_819, %shift_left3A_822 : vector<16xi32>
      %shift_right_logical3A_824 = arith.constant 17 : i32
      %shift_right_logical3A_825 = vector.broadcast %shift_right_logical3A_824 : i32 to vector<16xi32>
      %shift_right_logical3A_826 = arith.shrui %xor3A_819, %shift_right_logical3A_825 : vector<16xi32>
      %or3A_827 = arith.ori %shift_left3A_823, %shift_right_logical3A_826 : vector<16xi32>
      %xor3A_828 = arith.xori %add3A_820, %or3A_827 : vector<16xi32>
      %add3A_829 = arith.addi %add3A_820, %xor3A_828 : vector<16xi32>
      %shift_left3A_830 = arith.constant 26 : i32
      %shift_left3A_831 = vector.broadcast %shift_left3A_830 : i32 to vector<16xi32>
      %shift_left3A_832 = arith.shli %xor3A_828, %shift_left3A_831 : vector<16xi32>
      %shift_right_logical3A_833 = arith.constant 6 : i32
      %shift_right_logical3A_834 = vector.broadcast %shift_right_logical3A_833 : i32 to vector<16xi32>
      %shift_right_logical3A_835 = arith.shrui %xor3A_828, %shift_right_logical3A_834 : vector<16xi32>
      %or3A_836 = arith.ori %shift_left3A_832, %shift_right_logical3A_835 : vector<16xi32>
      %xor3A_837 = arith.xori %add3A_829, %or3A_836 : vector<16xi32>
      %add3A_838 = arith.addi %add3A_829, %xor3A_837 : vector<16xi32>
      %shift_left3A_839 = arith.constant 6 : i32
      %shift_left3A_840 = vector.broadcast %shift_left3A_839 : i32 to vector<16xi32>
      %shift_left3A_841 = arith.shli %xor3A_837, %shift_left3A_840 : vector<16xi32>
      %shift_right_logical3A_842 = arith.constant 26 : i32
      %shift_right_logical3A_843 = vector.broadcast %shift_right_logical3A_842 : i32 to vector<16xi32>
      %shift_right_logical3A_844 = arith.shrui %xor3A_837, %shift_right_logical3A_843 : vector<16xi32>
      %or3A_845 = arith.ori %shift_left3A_841, %shift_right_logical3A_844 : vector<16xi32>
      %xor3A_846 = arith.xori %add3A_838, %or3A_845 : vector<16xi32>
      %add3A_847 = arith.constant 0 : i32
      %add3A_848 = vector.broadcast %add3A_847 : i32 to vector<16xi32>
      %add3A_849 = arith.addi %add3A_838, %add3A_848 : vector<16xi32>
      %add3A_850 = arith.constant 45 : i32
      %add3A_851 = vector.broadcast %add3A_850 : i32 to vector<16xi32>
      %add3A_852 = arith.addi %xor3A_846, %add3A_851 : vector<16xi32>
      %add3A_853 = arith.addi %add3A_849, %add3A_852 : vector<16xi32>
      %shift_left3A_854 = arith.constant 17 : i32
      %shift_left3A_855 = vector.broadcast %shift_left3A_854 : i32 to vector<16xi32>
      %shift_left3A_856 = arith.shli %add3A_852, %shift_left3A_855 : vector<16xi32>
      %shift_right_logical3A_857 = arith.constant 15 : i32
      %shift_right_logical3A_858 = vector.broadcast %shift_right_logical3A_857 : i32 to vector<16xi32>
      %shift_right_logical3A_859 = arith.shrui %add3A_852, %shift_right_logical3A_858 : vector<16xi32>
      %or3A_860 = arith.ori %shift_left3A_856, %shift_right_logical3A_859 : vector<16xi32>
      %xor3A_861 = arith.xori %add3A_853, %or3A_860 : vector<16xi32>
      %add3A_862 = arith.addi %add3A_853, %xor3A_861 : vector<16xi32>
      %shift_left3A_863 = arith.constant 29 : i32
      %shift_left3A_864 = vector.broadcast %shift_left3A_863 : i32 to vector<16xi32>
      %shift_left3A_865 = arith.shli %xor3A_861, %shift_left3A_864 : vector<16xi32>
      %shift_right_logical3A_866 = arith.constant 3 : i32
      %shift_right_logical3A_867 = vector.broadcast %shift_right_logical3A_866 : i32 to vector<16xi32>
      %shift_right_logical3A_868 = arith.shrui %xor3A_861, %shift_right_logical3A_867 : vector<16xi32>
      %or3A_869 = arith.ori %shift_left3A_865, %shift_right_logical3A_868 : vector<16xi32>
      %xor3A_870 = arith.xori %add3A_862, %or3A_869 : vector<16xi32>
      %add3A_871 = arith.addi %add3A_862, %xor3A_870 : vector<16xi32>
      %shift_left3A_872 = arith.constant 16 : i32
      %shift_left3A_873 = vector.broadcast %shift_left3A_872 : i32 to vector<16xi32>
      %shift_left3A_874 = arith.shli %xor3A_870, %shift_left3A_873 : vector<16xi32>
      %shift_right_logical3A_875 = arith.constant 16 : i32
      %shift_right_logical3A_876 = vector.broadcast %shift_right_logical3A_875 : i32 to vector<16xi32>
      %shift_right_logical3A_877 = arith.shrui %xor3A_870, %shift_right_logical3A_876 : vector<16xi32>
      %or3A_878 = arith.ori %shift_left3A_874, %shift_right_logical3A_877 : vector<16xi32>
      %xor3A_879 = arith.xori %add3A_871, %or3A_878 : vector<16xi32>
      %add3A_880 = arith.addi %add3A_871, %xor3A_879 : vector<16xi32>
      %shift_left3A_881 = arith.constant 24 : i32
      %shift_left3A_882 = vector.broadcast %shift_left3A_881 : i32 to vector<16xi32>
      %shift_left3A_883 = arith.shli %xor3A_879, %shift_left3A_882 : vector<16xi32>
      %shift_right_logical3A_884 = arith.constant 8 : i32
      %shift_right_logical3A_885 = vector.broadcast %shift_right_logical3A_884 : i32 to vector<16xi32>
      %shift_right_logical3A_886 = arith.shrui %xor3A_879, %shift_right_logical3A_885 : vector<16xi32>
      %or3A_887 = arith.ori %shift_left3A_883, %shift_right_logical3A_886 : vector<16xi32>
      %xor3A_888 = arith.xori %add3A_880, %or3A_887 : vector<16xi32>
      %add3A_889 = arith.constant 42 : i32
      %add3A_890 = vector.broadcast %add3A_889 : i32 to vector<16xi32>
      %add3A_891 = arith.addi %add3A_880, %add3A_890 : vector<16xi32>
      %add3A_892 = arith.constant 466689012 : i32
      %add3A_893 = vector.broadcast %add3A_892 : i32 to vector<16xi32>
      %add3A_894 = arith.addi %xor3A_888, %add3A_893 : vector<16xi32>
      %add3A_895 = arith.addi %add3A_891, %add3A_894 : vector<16xi32>
      %shift_left3A_896 = arith.constant 13 : i32
      %shift_left3A_897 = vector.broadcast %shift_left3A_896 : i32 to vector<16xi32>
      %shift_left3A_898 = arith.shli %add3A_894, %shift_left3A_897 : vector<16xi32>
      %shift_right_logical3A_899 = arith.constant 19 : i32
      %shift_right_logical3A_900 = vector.broadcast %shift_right_logical3A_899 : i32 to vector<16xi32>
      %shift_right_logical3A_901 = arith.shrui %add3A_894, %shift_right_logical3A_900 : vector<16xi32>
      %or3A_902 = arith.ori %shift_left3A_898, %shift_right_logical3A_901 : vector<16xi32>
      %xor3A_903 = arith.xori %add3A_895, %or3A_902 : vector<16xi32>
      %add3A_904 = arith.addi %add3A_895, %xor3A_903 : vector<16xi32>
      %shift_left3A_905 = arith.constant 15 : i32
      %shift_left3A_906 = vector.broadcast %shift_left3A_905 : i32 to vector<16xi32>
      %shift_left3A_907 = arith.shli %xor3A_903, %shift_left3A_906 : vector<16xi32>
      %shift_right_logical3A_908 = arith.constant 17 : i32
      %shift_right_logical3A_909 = vector.broadcast %shift_right_logical3A_908 : i32 to vector<16xi32>
      %shift_right_logical3A_910 = arith.shrui %xor3A_903, %shift_right_logical3A_909 : vector<16xi32>
      %or3A_911 = arith.ori %shift_left3A_907, %shift_right_logical3A_910 : vector<16xi32>
      %xor3A_912 = arith.xori %add3A_904, %or3A_911 : vector<16xi32>
      %add3A_913 = arith.addi %add3A_904, %xor3A_912 : vector<16xi32>
      %shift_left3A_914 = arith.constant 26 : i32
      %shift_left3A_915 = vector.broadcast %shift_left3A_914 : i32 to vector<16xi32>
      %shift_left3A_916 = arith.shli %xor3A_912, %shift_left3A_915 : vector<16xi32>
      %shift_right_logical3A_917 = arith.constant 6 : i32
      %shift_right_logical3A_918 = vector.broadcast %shift_right_logical3A_917 : i32 to vector<16xi32>
      %shift_right_logical3A_919 = arith.shrui %xor3A_912, %shift_right_logical3A_918 : vector<16xi32>
      %or3A_920 = arith.ori %shift_left3A_916, %shift_right_logical3A_919 : vector<16xi32>
      %xor3A_921 = arith.xori %add3A_913, %or3A_920 : vector<16xi32>
      %add3A_922 = arith.addi %add3A_913, %xor3A_921 : vector<16xi32>
      %shift_left3A_923 = arith.constant 6 : i32
      %shift_left3A_924 = vector.broadcast %shift_left3A_923 : i32 to vector<16xi32>
      %shift_left3A_925 = arith.shli %xor3A_921, %shift_left3A_924 : vector<16xi32>
      %shift_right_logical3A_926 = arith.constant 26 : i32
      %shift_right_logical3A_927 = vector.broadcast %shift_right_logical3A_926 : i32 to vector<16xi32>
      %shift_right_logical3A_928 = arith.shrui %xor3A_921, %shift_right_logical3A_927 : vector<16xi32>
      %or3A_929 = arith.ori %shift_left3A_925, %shift_right_logical3A_928 : vector<16xi32>
      %xor3A_930 = arith.xori %add3A_922, %or3A_929 : vector<16xi32>
      %add3A_931 = arith.constant 466689008 : i32
      %add3A_932 = vector.broadcast %add3A_931 : i32 to vector<16xi32>
      %add3A_933 = arith.addi %add3A_922, %add3A_932 : vector<16xi32>
      %lt3A_934 = arith.constant -2147483648 : i32
      %lt3A_935 = vector.broadcast %lt3A_934 : i32 to vector<16xi32>
      %lt3A_936 = arith.cmpi ult, %add3A_933, %lt3A_935 : vector<16xi32>
      %select_n3A_937 = arith.select %lt3A_936, %get3A_5, %get3A_8 : vector<16xi1>, vector<16xf32>
      %mul3A_938 = arith.mulf %get3A_718, %select_n3A_937 : vector<16xf32>
      %swap3A_939 = arith.index_cast %add3A_715 : i32 to index
      %swap3A_940 = tpu.vector_load %arg5[%swap3A_939] {strides = array<i32>} : memref<83904xf32, #tpu.memory_space<vmem>>, vector<16xf32>,
      %swap3A_941 = vector.shape_cast %swap3A_940 : vector<16xf32> to vector<16xf32>
      %swap3A_942 = vector.shape_cast %mul3A_938 : vector<16xf32> to vector<16xf32>
      tpu.vector_store %arg5[%swap3A_939], %swap3A_942 {strides = array<i32>} : memref<83904xf32, #tpu.memory_space<vmem>>, vector<16xf32>,
    }
    %while3A_23 = arith.constant 1 : i32
    scf.for %while3A_32 = %while3A_21 to %while3A_17 step %while3A_23  : i32 {
      %mul3A_33 = arith.constant 64 : i32
      %mul3A_34 = arith.muli %while3A_32, %mul3A_33 : i32
      %add3A_35 = arith.constant 0 : i32
      %add3A_36 = arith.addi %mul3A_34, %add3A_35 : i32
      %get3A_37 = arith.index_cast %add3A_36 : i32 to index
      %get3A_38 = tpu.vector_load %arg5[%get3A_37] {strides = array<i32>} : memref<83904xf32, #tpu.memory_space<vmem>>, vector<16xf32>,
      %get3A_39 = vector.shape_cast %get3A_38 : vector<16xf32> to vector<16xf32>
      %add3A_40 = arith.addi %mul3A_2, %add3A_36 : i32
      %add3A_41 = vector.broadcast %add3A_40 : i32 to vector<16xi32>
      %add3A_42 = arith.addi %add3A_41, %iota3A : vector<16xi32>
      %broadcast_in_dim3A = arith.constant 0 : i32
      %broadcast_in_dim3A_43 = vector.broadcast %broadcast_in_dim3A : i32 to vector<16xi32>
      %add3A_44 = arith.constant 42 : i32
      %add3A_45 = vector.broadcast %add3A_44 : i32 to vector<16xi32>
      %add3A_46 = arith.addi %add3A_42, %add3A_45 : vector<16xi32>
      %add3A_47 = arith.addi %broadcast_in_dim3A_43, %add3A_46 : vector<16xi32>
      %shift_left3A = arith.constant 13 : i32
      %shift_left3A_48 = vector.broadcast %shift_left3A : i32 to vector<16xi32>
      %shift_left3A_49 = arith.shli %add3A_46, %shift_left3A_48 : vector<16xi32>
      %shift_right_logical3A = arith.constant 19 : i32
      %shift_right_logical3A_50 = vector.broadcast %shift_right_logical3A : i32 to vector<16xi32>
      %shift_right_logical3A_51 = arith.shrui %add3A_46, %shift_right_logical3A_50 : vector<16xi32>
      %or3A = arith.ori %shift_left3A_49, %shift_right_logical3A_51 : vector<16xi32>
      %xor3A = arith.xori %add3A_47, %or3A : vector<16xi32>
      %add3A_52 = arith.addi %add3A_47, %xor3A : vector<16xi32>
      %shift_left3A_53 = arith.constant 15 : i32
      %shift_left3A_54 = vector.broadcast %shift_left3A_53 : i32 to vector<16xi32>
      %shift_left3A_55 = arith.shli %xor3A, %shift_left3A_54 : vector<16xi32>
      %shift_right_logical3A_56 = arith.constant 17 : i32
      %shift_right_logical3A_57 = vector.broadcast %shift_right_logical3A_56 : i32 to vector<16xi32>
      %shift_right_logical3A_58 = arith.shrui %xor3A, %shift_right_logical3A_57 : vector<16xi32>
      %or3A_59 = arith.ori %shift_left3A_55, %shift_right_logical3A_58 : vector<16xi32>
      %xor3A_60 = arith.xori %add3A_52, %or3A_59 : vector<16xi32>
      %add3A_61 = arith.addi %add3A_52, %xor3A_60 : vector<16xi32>
      %shift_left3A_62 = arith.constant 26 : i32
      %shift_left3A_63 = vector.broadcast %shift_left3A_62 : i32 to vector<16xi32>
      %shift_left3A_64 = arith.shli %xor3A_60, %shift_left3A_63 : vector<16xi32>
      %shift_right_logical3A_65 = arith.constant 6 : i32
      %shift_right_logical3A_66 = vector.broadcast %shift_right_logical3A_65 : i32 to vector<16xi32>
      %shift_right_logical3A_67 = arith.shrui %xor3A_60, %shift_right_logical3A_66 : vector<16xi32>
      %or3A_68 = arith.ori %shift_left3A_64, %shift_right_logical3A_67 : vector<16xi32>
      %xor3A_69 = arith.xori %add3A_61, %or3A_68 : vector<16xi32>
      %add3A_70 = arith.addi %add3A_61, %xor3A_69 : vector<16xi32>
      %shift_left3A_71 = arith.constant 6 : i32
      %shift_left3A_72 = vector.broadcast %shift_left3A_71 : i32 to vector<16xi32>
      %shift_left3A_73 = arith.shli %xor3A_69, %shift_left3A_72 : vector<16xi32>
      %shift_right_logical3A_74 = arith.constant 26 : i32
      %shift_right_logical3A_75 = vector.broadcast %shift_right_logical3A_74 : i32 to vector<16xi32>
      %shift_right_logical3A_76 = arith.shrui %xor3A_69, %shift_right_logical3A_75 : vector<16xi32>
      %or3A_77 = arith.ori %shift_left3A_73, %shift_right_logical3A_76 : vector<16xi32>
      %xor3A_78 = arith.xori %add3A_70, %or3A_77 : vector<16xi32>
      %add3A_79 = arith.constant 42 : i32
      %add3A_80 = vector.broadcast %add3A_79 : i32 to vector<16xi32>
      %add3A_81 = arith.addi %add3A_70, %add3A_80 : vector<16xi32>
      %add3A_82 = arith.constant 466689009 : i32
      %add3A_83 = vector.broadcast %add3A_82 : i32 to vector<16xi32>
      %add3A_84 = arith.addi %xor3A_78, %add3A_83 : vector<16xi32>
      %add3A_85 = arith.addi %add3A_81, %add3A_84 : vector<16xi32>
      %shift_left3A_86 = arith.constant 17 : i32
      %shift_left3A_87 = vector.broadcast %shift_left3A_86 : i32 to vector<16xi32>
      %shift_left3A_88 = arith.shli %add3A_84, %shift_left3A_87 : vector<16xi32>
      %shift_right_logical3A_89 = arith.constant 15 : i32
      %shift_right_logical3A_90 = vector.broadcast %shift_right_logical3A_89 : i32 to vector<16xi32>
      %shift_right_logical3A_91 = arith.shrui %add3A_84, %shift_right_logical3A_90 : vector<16xi32>
      %or3A_92 = arith.ori %shift_left3A_88, %shift_right_logical3A_91 : vector<16xi32>
      %xor3A_93 = arith.xori %add3A_85, %or3A_92 : vector<16xi32>
      %add3A_94 = arith.addi %add3A_85, %xor3A_93 : vector<16xi32>
      %shift_left3A_95 = arith.constant 29 : i32
      %shift_left3A_96 = vector.broadcast %shift_left3A_95 : i32 to vector<16xi32>
      %shift_left3A_97 = arith.shli %xor3A_93, %shift_left3A_96 : vector<16xi32>
      %shift_right_logical3A_98 = arith.constant 3 : i32
      %shift_right_logical3A_99 = vector.broadcast %shift_right_logical3A_98 : i32 to vector<16xi32>
      %shift_right_logical3A_100 = arith.shrui %xor3A_93, %shift_right_logical3A_99 : vector<16xi32>
      %or3A_101 = arith.ori %shift_left3A_97, %shift_right_logical3A_100 : vector<16xi32>
      %xor3A_102 = arith.xori %add3A_94, %or3A_101 : vector<16xi32>
      %add3A_103 = arith.addi %add3A_94, %xor3A_102 : vector<16xi32>
      %shift_left3A_104 = arith.constant 16 : i32
      %shift_left3A_105 = vector.broadcast %shift_left3A_104 : i32 to vector<16xi32>
      %shift_left3A_106 = arith.shli %xor3A_102, %shift_left3A_105 : vector<16xi32>
      %shift_right_logical3A_107 = arith.constant 16 : i32
      %shift_right_logical3A_108 = vector.broadcast %shift_right_logical3A_107 : i32 to vector<16xi32>
      %shift_right_logical3A_109 = arith.shrui %xor3A_102, %shift_right_logical3A_108 : vector<16xi32>
      %or3A_110 = arith.ori %shift_left3A_106, %shift_right_logical3A_109 : vector<16xi32>
      %xor3A_111 = arith.xori %add3A_103, %or3A_110 : vector<16xi32>
      %add3A_112 = arith.addi %add3A_103, %xor3A_111 : vector<16xi32>
      %shift_left3A_113 = arith.constant 24 : i32
      %shift_left3A_114 = vector.broadcast %shift_left3A_113 : i32 to vector<16xi32>
      %shift_left3A_115 = arith.shli %xor3A_111, %shift_left3A_114 : vector<16xi32>
      %shift_right_logical3A_116 = arith.constant 8 : i32
      %shift_right_logical3A_117 = vector.broadcast %shift_right_logical3A_116 : i32 to vector<16xi32>
      %shift_right_logical3A_118 = arith.shrui %xor3A_111, %shift_right_logical3A_117 : vector<16xi32>
      %or3A_119 = arith.ori %shift_left3A_115, %shift_right_logical3A_118 : vector<16xi32>
      %xor3A_120 = arith.xori %add3A_112, %or3A_119 : vector<16xi32>
      %add3A_121 = arith.constant 466689008 : i32
      %add3A_122 = vector.broadcast %add3A_121 : i32 to vector<16xi32>
      %add3A_123 = arith.addi %add3A_112, %add3A_122 : vector<16xi32>
      %add3A_124 = arith.constant 2 : i32
      %add3A_125 = vector.broadcast %add3A_124 : i32 to vector<16xi32>
      %add3A_126 = arith.addi %xor3A_120, %add3A_125 : vector<16xi32>
      %add3A_127 = arith.addi %add3A_123, %add3A_126 : vector<16xi32>
      %shift_left3A_128 = arith.constant 13 : i32
      %shift_left3A_129 = vector.broadcast %shift_left3A_128 : i32 to vector<16xi32>
      %shift_left3A_130 = arith.shli %add3A_126, %shift_left3A_129 : vector<16xi32>
      %shift_right_logical3A_131 = arith.constant 19 : i32
      %shift_right_logical3A_132 = vector.broadcast %shift_right_logical3A_131 : i32 to vector<16xi32>
      %shift_right_logical3A_133 = arith.shrui %add3A_126, %shift_right_logical3A_132 : vector<16xi32>
      %or3A_134 = arith.ori %shift_left3A_130, %shift_right_logical3A_133 : vector<16xi32>
      %xor3A_135 = arith.xori %add3A_127, %or3A_134 : vector<16xi32>
      %add3A_136 = arith.addi %add3A_127, %xor3A_135 : vector<16xi32>
      %shift_left3A_137 = arith.constant 15 : i32
      %shift_left3A_138 = vector.broadcast %shift_left3A_137 : i32 to vector<16xi32>
      %shift_left3A_139 = arith.shli %xor3A_135, %shift_left3A_138 : vector<16xi32>
      %shift_right_logical3A_140 = arith.constant 17 : i32
      %shift_right_logical3A_141 = vector.broadcast %shift_right_logical3A_140 : i32 to vector<16xi32>
      %shift_right_logical3A_142 = arith.shrui %xor3A_135, %shift_right_logical3A_141 : vector<16xi32>
      %or3A_143 = arith.ori %shift_left3A_139, %shift_right_logical3A_142 : vector<16xi32>
      %xor3A_144 = arith.xori %add3A_136, %or3A_143 : vector<16xi32>
      %add3A_145 = arith.addi %add3A_136, %xor3A_144 : vector<16xi32>
      %shift_left3A_146 = arith.constant 26 : i32
      %shift_left3A_147 = vector.broadcast %shift_left3A_146 : i32 to vector<16xi32>
      %shift_left3A_148 = arith.shli %xor3A_144, %shift_left3A_147 : vector<16xi32>
      %shift_right_logical3A_149 = arith.constant 6 : i32
      %shift_right_logical3A_150 = vector.broadcast %shift_right_logical3A_149 : i32 to vector<16xi32>
      %shift_right_logical3A_151 = arith.shrui %xor3A_144, %shift_right_logical3A_150 : vector<16xi32>
      %or3A_152 = arith.ori %shift_left3A_148, %shift_right_logical3A_151 : vector<16xi32>
      %xor3A_153 = arith.xori %add3A_145, %or3A_152 : vector<16xi32>
      %add3A_154 = arith.addi %add3A_145, %xor3A_153 : vector<16xi32>
      %shift_left3A_155 = arith.constant 6 : i32
      %shift_left3A_156 = vector.broadcast %shift_left3A_155 : i32 to vector<16xi32>
      %shift_left3A_157 = arith.shli %xor3A_153, %shift_left3A_156 : vector<16xi32>
      %shift_right_logical3A_158 = arith.constant 26 : i32
      %shift_right_logical3A_159 = vector.broadcast %shift_right_logical3A_158 : i32 to vector<16xi32>
      %shift_right_logical3A_160 = arith.shrui %xor3A_153, %shift_right_logical3A_159 : vector<16xi32>
      %or3A_161 = arith.ori %shift_left3A_157, %shift_right_logical3A_160 : vector<16xi32>
      %xor3A_162 = arith.xori %add3A_154, %or3A_161 : vector<16xi32>
      %add3A_163 = arith.constant 0 : i32
      %add3A_164 = vector.broadcast %add3A_163 : i32 to vector<16xi32>
      %add3A_165 = arith.addi %add3A_154, %add3A_164 : vector<16xi32>
      %add3A_166 = arith.constant 45 : i32
      %add3A_167 = vector.broadcast %add3A_166 : i32 to vector<16xi32>
      %add3A_168 = arith.addi %xor3A_162, %add3A_167 : vector<16xi32>
      %add3A_169 = arith.addi %add3A_165, %add3A_168 : vector<16xi32>
      %shift_left3A_170 = arith.constant 17 : i32
      %shift_left3A_171 = vector.broadcast %shift_left3A_170 : i32 to vector<16xi32>
      %shift_left3A_172 = arith.shli %add3A_168, %shift_left3A_171 : vector<16xi32>
      %shift_right_logical3A_173 = arith.constant 15 : i32
      %shift_right_logical3A_174 = vector.broadcast %shift_right_logical3A_173 : i32 to vector<16xi32>
      %shift_right_logical3A_175 = arith.shrui %add3A_168, %shift_right_logical3A_174 : vector<16xi32>
      %or3A_176 = arith.ori %shift_left3A_172, %shift_right_logical3A_175 : vector<16xi32>
      %xor3A_177 = arith.xori %add3A_169, %or3A_176 : vector<16xi32>
      %add3A_178 = arith.addi %add3A_169, %xor3A_177 : vector<16xi32>
      %shift_left3A_179 = arith.constant 29 : i32
      %shift_left3A_180 = vector.broadcast %shift_left3A_179 : i32 to vector<16xi32>
      %shift_left3A_181 = arith.shli %xor3A_177, %shift_left3A_180 : vector<16xi32>
      %shift_right_logical3A_182 = arith.constant 3 : i32
      %shift_right_logical3A_183 = vector.broadcast %shift_right_logical3A_182 : i32 to vector<16xi32>
      %shift_right_logical3A_184 = arith.shrui %xor3A_177, %shift_right_logical3A_183 : vector<16xi32>
      %or3A_185 = arith.ori %shift_left3A_181, %shift_right_logical3A_184 : vector<16xi32>
      %xor3A_186 = arith.xori %add3A_178, %or3A_185 : vector<16xi32>
      %add3A_187 = arith.addi %add3A_178, %xor3A_186 : vector<16xi32>
      %shift_left3A_188 = arith.constant 16 : i32
      %shift_left3A_189 = vector.broadcast %shift_left3A_188 : i32 to vector<16xi32>
      %shift_left3A_190 = arith.shli %xor3A_186, %shift_left3A_189 : vector<16xi32>
      %shift_right_logical3A_191 = arith.constant 16 : i32
      %shift_right_logical3A_192 = vector.broadcast %shift_right_logical3A_191 : i32 to vector<16xi32>
      %shift_right_logical3A_193 = arith.shrui %xor3A_186, %shift_right_logical3A_192 : vector<16xi32>
      %or3A_194 = arith.ori %shift_left3A_190, %shift_right_logical3A_193 : vector<16xi32>
      %xor3A_195 = arith.xori %add3A_187, %or3A_194 : vector<16xi32>
      %add3A_196 = arith.addi %add3A_187, %xor3A_195 : vector<16xi32>
      %shift_left3A_197 = arith.constant 24 : i32
      %shift_left3A_198 = vector.broadcast %shift_left3A_197 : i32 to vector<16xi32>
      %shift_left3A_199 = arith.shli %xor3A_195, %shift_left3A_198 : vector<16xi32>
      %shift_right_logical3A_200 = arith.constant 8 : i32
      %shift_right_logical3A_201 = vector.broadcast %shift_right_logical3A_200 : i32 to vector<16xi32>
      %shift_right_logical3A_202 = arith.shrui %xor3A_195, %shift_right_logical3A_201 : vector<16xi32>
      %or3A_203 = arith.ori %shift_left3A_199, %shift_right_logical3A_202 : vector<16xi32>
      %xor3A_204 = arith.xori %add3A_196, %or3A_203 : vector<16xi32>
      %add3A_205 = arith.constant 42 : i32
      %add3A_206 = vector.broadcast %add3A_205 : i32 to vector<16xi32>
      %add3A_207 = arith.addi %add3A_196, %add3A_206 : vector<16xi32>
      %add3A_208 = arith.constant 466689012 : i32
      %add3A_209 = vector.broadcast %add3A_208 : i32 to vector<16xi32>
      %add3A_210 = arith.addi %xor3A_204, %add3A_209 : vector<16xi32>
      %add3A_211 = arith.addi %add3A_207, %add3A_210 : vector<16xi32>
      %shift_left3A_212 = arith.constant 13 : i32
      %shift_left3A_213 = vector.broadcast %shift_left3A_212 : i32 to vector<16xi32>
      %shift_left3A_214 = arith.shli %add3A_210, %shift_left3A_213 : vector<16xi32>
      %shift_right_logical3A_215 = arith.constant 19 : i32
      %shift_right_logical3A_216 = vector.broadcast %shift_right_logical3A_215 : i32 to vector<16xi32>
      %shift_right_logical3A_217 = arith.shrui %add3A_210, %shift_right_logical3A_216 : vector<16xi32>
      %or3A_218 = arith.ori %shift_left3A_214, %shift_right_logical3A_217 : vector<16xi32>
      %xor3A_219 = arith.xori %add3A_211, %or3A_218 : vector<16xi32>
      %add3A_220 = arith.addi %add3A_211, %xor3A_219 : vector<16xi32>
      %shift_left3A_221 = arith.constant 15 : i32
      %shift_left3A_222 = vector.broadcast %shift_left3A_221 : i32 to vector<16xi32>
      %shift_left3A_223 = arith.shli %xor3A_219, %shift_left3A_222 : vector<16xi32>
      %shift_right_logical3A_224 = arith.constant 17 : i32
      %shift_right_logical3A_225 = vector.broadcast %shift_right_logical3A_224 : i32 to vector<16xi32>
      %shift_right_logical3A_226 = arith.shrui %xor3A_219, %shift_right_logical3A_225 : vector<16xi32>
      %or3A_227 = arith.ori %shift_left3A_223, %shift_right_logical3A_226 : vector<16xi32>
      %xor3A_228 = arith.xori %add3A_220, %or3A_227 : vector<16xi32>
      %add3A_229 = arith.addi %add3A_220, %xor3A_228 : vector<16xi32>
      %shift_left3A_230 = arith.constant 26 : i32
      %shift_left3A_231 = vector.broadcast %shift_left3A_230 : i32 to vector<16xi32>
      %shift_left3A_232 = arith.shli %xor3A_228, %shift_left3A_231 : vector<16xi32>
      %shift_right_logical3A_233 = arith.constant 6 : i32
      %shift_right_logical3A_234 = vector.broadcast %shift_right_logical3A_233 : i32 to vector<16xi32>
      %shift_right_logical3A_235 = arith.shrui %xor3A_228, %shift_right_logical3A_234 : vector<16xi32>
      %or3A_236 = arith.ori %shift_left3A_232, %shift_right_logical3A_235 : vector<16xi32>
      %xor3A_237 = arith.xori %add3A_229, %or3A_236 : vector<16xi32>
      %add3A_238 = arith.addi %add3A_229, %xor3A_237 : vector<16xi32>
      %shift_left3A_239 = arith.constant 6 : i32
      %shift_left3A_240 = vector.broadcast %shift_left3A_239 : i32 to vector<16xi32>
      %shift_left3A_241 = arith.shli %xor3A_237, %shift_left3A_240 : vector<16xi32>
      %shift_right_logical3A_242 = arith.constant 26 : i32
      %shift_right_logical3A_243 = vector.broadcast %shift_right_logical3A_242 : i32 to vector<16xi32>
      %shift_right_logical3A_244 = arith.shrui %xor3A_237, %shift_right_logical3A_243 : vector<16xi32>
      %or3A_245 = arith.ori %shift_left3A_241, %shift_right_logical3A_244 : vector<16xi32>
      %xor3A_246 = arith.xori %add3A_238, %or3A_245 : vector<16xi32>
      %add3A_247 = arith.constant 466689008 : i32
      %add3A_248 = vector.broadcast %add3A_247 : i32 to vector<16xi32>
      %add3A_249 = arith.addi %add3A_238, %add3A_248 : vector<16xi32>
      %lt3A = arith.constant -2147483648 : i32
      %lt3A_250 = vector.broadcast %lt3A : i32 to vector<16xi32>
      %lt3A_251 = arith.cmpi ult, %add3A_249, %lt3A_250 : vector<16xi32>
      %select_n3A = arith.select %lt3A_251, %get3A_5, %get3A_8 : vector<16xi1>, vector<16xf32>
      %mul3A_252 = arith.mulf %get3A_39, %select_n3A : vector<16xf32>
      %swap3A = arith.index_cast %add3A_36 : i32 to index
      %swap3A_253 = tpu.vector_load %arg5[%swap3A] {strides = array<i32>} : memref<83904xf32, #tpu.memory_space<vmem>>, vector<16xf32>,
      %swap3A_254 = vector.shape_cast %swap3A_253 : vector<16xf32> to vector<16xf32>
      %swap3A_255 = vector.shape_cast %mul3A_252 : vector<16xf32> to vector<16xf32>
      tpu.vector_store %arg5[%swap3A], %swap3A_255 {strides = array<i32>} : memref<83904xf32, #tpu.memory_space<vmem>>, vector<16xf32>,
      %add3A_256 = arith.constant 16 : i32
      %add3A_257 = arith.addi %mul3A_34, %add3A_256 : i32
      %get3A_258 = arith.index_cast %add3A_257 : i32 to index
      %get3A_259 = tpu.vector_load %arg5[%get3A_258] {strides = array<i32>} : memref<83904xf32, #tpu.memory_space<vmem>>, vector<16xf32>,
      %get3A_260 = vector.shape_cast %get3A_259 : vector<16xf32> to vector<16xf32>
      %add3A_261 = arith.addi %mul3A_2, %add3A_257 : i32
      %add3A_262 = vector.broadcast %add3A_261 : i32 to vector<16xi32>
      %add3A_263 = arith.addi %add3A_262, %iota3A : vector<16xi32>
      %broadcast_in_dim3A_264 = arith.constant 0 : i32
      %broadcast_in_dim3A_265 = vector.broadcast %broadcast_in_dim3A_264 : i32 to vector<16xi32>
      %add3A_266 = arith.constant 42 : i32
      %add3A_267 = vector.broadcast %add3A_266 : i32 to vector<16xi32>
      %add3A_268 = arith.addi %add3A_263, %add3A_267 : vector<16xi32>
      %add3A_269 = arith.addi %broadcast_in_dim3A_265, %add3A_268 : vector<16xi32>
      %shift_left3A_270 = arith.constant 13 : i32
      %shift_left3A_271 = vector.broadcast %shift_left3A_270 : i32 to vector<16xi32>
      %shift_left3A_272 = arith.shli %add3A_268, %shift_left3A_271 : vector<16xi32>
      %shift_right_logical3A_273 = arith.constant 19 : i32
      %shift_right_logical3A_274 = vector.broadcast %shift_right_logical3A_273 : i32 to vector<16xi32>
      %shift_right_logical3A_275 = arith.shrui %add3A_268, %shift_right_logical3A_274 : vector<16xi32>
      %or3A_276 = arith.ori %shift_left3A_272, %shift_right_logical3A_275 : vector<16xi32>
      %xor3A_277 = arith.xori %add3A_269, %or3A_276 : vector<16xi32>
      %add3A_278 = arith.addi %add3A_269, %xor3A_277 : vector<16xi32>
      %shift_left3A_279 = arith.constant 15 : i32
      %shift_left3A_280 = vector.broadcast %shift_left3A_279 : i32 to vector<16xi32>
      %shift_left3A_281 = arith.shli %xor3A_277, %shift_left3A_280 : vector<16xi32>
      %shift_right_logical3A_282 = arith.constant 17 : i32
      %shift_right_logical3A_283 = vector.broadcast %shift_right_logical3A_282 : i32 to vector<16xi32>
      %shift_right_logical3A_284 = arith.shrui %xor3A_277, %shift_right_logical3A_283 : vector<16xi32>
      %or3A_285 = arith.ori %shift_left3A_281, %shift_right_logical3A_284 : vector<16xi32>
      %xor3A_286 = arith.xori %add3A_278, %or3A_285 : vector<16xi32>
      %add3A_287 = arith.addi %add3A_278, %xor3A_286 : vector<16xi32>
      %shift_left3A_288 = arith.constant 26 : i32
      %shift_left3A_289 = vector.broadcast %shift_left3A_288 : i32 to vector<16xi32>
      %shift_left3A_290 = arith.shli %xor3A_286, %shift_left3A_289 : vector<16xi32>
      %shift_right_logical3A_291 = arith.constant 6 : i32
      %shift_right_logical3A_292 = vector.broadcast %shift_right_logical3A_291 : i32 to vector<16xi32>
      %shift_right_logical3A_293 = arith.shrui %xor3A_286, %shift_right_logical3A_292 : vector<16xi32>
      %or3A_294 = arith.ori %shift_left3A_290, %shift_right_logical3A_293 : vector<16xi32>
      %xor3A_295 = arith.xori %add3A_287, %or3A_294 : vector<16xi32>
      %add3A_296 = arith.addi %add3A_287, %xor3A_295 : vector<16xi32>
      %shift_left3A_297 = arith.constant 6 : i32
      %shift_left3A_298 = vector.broadcast %shift_left3A_297 : i32 to vector<16xi32>
      %shift_left3A_299 = arith.shli %xor3A_295, %shift_left3A_298 : vector<16xi32>
      %shift_right_logical3A_300 = arith.constant 26 : i32
      %shift_right_logical3A_301 = vector.broadcast %shift_right_logical3A_300 : i32 to vector<16xi32>
      %shift_right_logical3A_302 = arith.shrui %xor3A_295, %shift_right_logical3A_301 : vector<16xi32>
      %or3A_303 = arith.ori %shift_left3A_299, %shift_right_logical3A_302 : vector<16xi32>
      %xor3A_304 = arith.xori %add3A_296, %or3A_303 : vector<16xi32>
      %add3A_305 = arith.constant 42 : i32
      %add3A_306 = vector.broadcast %add3A_305 : i32 to vector<16xi32>
      %add3A_307 = arith.addi %add3A_296, %add3A_306 : vector<16xi32>
      %add3A_308 = arith.constant 466689009 : i32
      %add3A_309 = vector.broadcast %add3A_308 : i32 to vector<16xi32>
      %add3A_310 = arith.addi %xor3A_304, %add3A_309 : vector<16xi32>
      %add3A_311 = arith.addi %add3A_307, %add3A_310 : vector<16xi32>
      %shift_left3A_312 = arith.constant 17 : i32
      %shift_left3A_313 = vector.broadcast %shift_left3A_312 : i32 to vector<16xi32>
      %shift_left3A_314 = arith.shli %add3A_310, %shift_left3A_313 : vector<16xi32>
      %shift_right_logical3A_315 = arith.constant 15 : i32
      %shift_right_logical3A_316 = vector.broadcast %shift_right_logical3A_315 : i32 to vector<16xi32>
      %shift_right_logical3A_317 = arith.shrui %add3A_310, %shift_right_logical3A_316 : vector<16xi32>
      %or3A_318 = arith.ori %shift_left3A_314, %shift_right_logical3A_317 : vector<16xi32>
      %xor3A_319 = arith.xori %add3A_311, %or3A_318 : vector<16xi32>
      %add3A_320 = arith.addi %add3A_311, %xor3A_319 : vector<16xi32>
      %shift_left3A_321 = arith.constant 29 : i32
      %shift_left3A_322 = vector.broadcast %shift_left3A_321 : i32 to vector<16xi32>
      %shift_left3A_323 = arith.shli %xor3A_319, %shift_left3A_322 : vector<16xi32>
      %shift_right_logical3A_324 = arith.constant 3 : i32
      %shift_right_logical3A_325 = vector.broadcast %shift_right_logical3A_324 : i32 to vector<16xi32>
      %shift_right_logical3A_326 = arith.shrui %xor3A_319, %shift_right_logical3A_325 : vector<16xi32>
      %or3A_327 = arith.ori %shift_left3A_323, %shift_right_logical3A_326 : vector<16xi32>
      %xor3A_328 = arith.xori %add3A_320, %or3A_327 : vector<16xi32>
      %add3A_329 = arith.addi %add3A_320, %xor3A_328 : vector<16xi32>
      %shift_left3A_330 = arith.constant 16 : i32
      %shift_left3A_331 = vector.broadcast %shift_left3A_330 : i32 to vector<16xi32>
      %shift_left3A_332 = arith.shli %xor3A_328, %shift_left3A_331 : vector<16xi32>
      %shift_right_logical3A_333 = arith.constant 16 : i32
      %shift_right_logical3A_334 = vector.broadcast %shift_right_logical3A_333 : i32 to vector<16xi32>
      %shift_right_logical3A_335 = arith.shrui %xor3A_328, %shift_right_logical3A_334 : vector<16xi32>
      %or3A_336 = arith.ori %shift_left3A_332, %shift_right_logical3A_335 : vector<16xi32>
      %xor3A_337 = arith.xori %add3A_329, %or3A_336 : vector<16xi32>
      %add3A_338 = arith.addi %add3A_329, %xor3A_337 : vector<16xi32>
      %shift_left3A_339 = arith.constant 24 : i32
      %shift_left3A_340 = vector.broadcast %shift_left3A_339 : i32 to vector<16xi32>
      %shift_left3A_341 = arith.shli %xor3A_337, %shift_left3A_340 : vector<16xi32>
      %shift_right_logical3A_342 = arith.constant 8 : i32
      %shift_right_logical3A_343 = vector.broadcast %shift_right_logical3A_342 : i32 to vector<16xi32>
      %shift_right_logical3A_344 = arith.shrui %xor3A_337, %shift_right_logical3A_343 : vector<16xi32>
      %or3A_345 = arith.ori %shift_left3A_341, %shift_right_logical3A_344 : vector<16xi32>
      %xor3A_346 = arith.xori %add3A_338, %or3A_345 : vector<16xi32>
      %add3A_347 = arith.constant 466689008 : i32
      %add3A_348 = vector.broadcast %add3A_347 : i32 to vector<16xi32>
      %add3A_349 = arith.addi %add3A_338, %add3A_348 : vector<16xi32>
      %add3A_350 = arith.constant 2 : i32
      %add3A_351 = vector.broadcast %add3A_350 : i32 to vector<16xi32>
      %add3A_352 = arith.addi %xor3A_346, %add3A_351 : vector<16xi32>
      %add3A_353 = arith.addi %add3A_349, %add3A_352 : vector<16xi32>
      %shift_left3A_354 = arith.constant 13 : i32
      %shift_left3A_355 = vector.broadcast %shift_left3A_354 : i32 to vector<16xi32>
      %shift_left3A_356 = arith.shli %add3A_352, %shift_left3A_355 : vector<16xi32>
      %shift_right_logical3A_357 = arith.constant 19 : i32
      %shift_right_logical3A_358 = vector.broadcast %shift_right_logical3A_357 : i32 to vector<16xi32>
      %shift_right_logical3A_359 = arith.shrui %add3A_352, %shift_right_logical3A_358 : vector<16xi32>
      %or3A_360 = arith.ori %shift_left3A_356, %shift_right_logical3A_359 : vector<16xi32>
      %xor3A_361 = arith.xori %add3A_353, %or3A_360 : vector<16xi32>
      %add3A_362 = arith.addi %add3A_353, %xor3A_361 : vector<16xi32>
      %shift_left3A_363 = arith.constant 15 : i32
      %shift_left3A_364 = vector.broadcast %shift_left3A_363 : i32 to vector<16xi32>
      %shift_left3A_365 = arith.shli %xor3A_361, %shift_left3A_364 : vector<16xi32>
      %shift_right_logical3A_366 = arith.constant 17 : i32
      %shift_right_logical3A_367 = vector.broadcast %shift_right_logical3A_366 : i32 to vector<16xi32>
      %shift_right_logical3A_368 = arith.shrui %xor3A_361, %shift_right_logical3A_367 : vector<16xi32>
      %or3A_369 = arith.ori %shift_left3A_365, %shift_right_logical3A_368 : vector<16xi32>
      %xor3A_370 = arith.xori %add3A_362, %or3A_369 : vector<16xi32>
      %add3A_371 = arith.addi %add3A_362, %xor3A_370 : vector<16xi32>
      %shift_left3A_372 = arith.constant 26 : i32
      %shift_left3A_373 = vector.broadcast %shift_left3A_372 : i32 to vector<16xi32>
      %shift_left3A_374 = arith.shli %xor3A_370, %shift_left3A_373 : vector<16xi32>
      %shift_right_logical3A_375 = arith.constant 6 : i32
      %shift_right_logical3A_376 = vector.broadcast %shift_right_logical3A_375 : i32 to vector<16xi32>
      %shift_right_logical3A_377 = arith.shrui %xor3A_370, %shift_right_logical3A_376 : vector<16xi32>
      %or3A_378 = arith.ori %shift_left3A_374, %shift_right_logical3A_377 : vector<16xi32>
      %xor3A_379 = arith.xori %add3A_371, %or3A_378 : vector<16xi32>
      %add3A_380 = arith.addi %add3A_371, %xor3A_379 : vector<16xi32>
      %shift_left3A_381 = arith.constant 6 : i32
      %shift_left3A_382 = vector.broadcast %shift_left3A_381 : i32 to vector<16xi32>
      %shift_left3A_383 = arith.shli %xor3A_379, %shift_left3A_382 : vector<16xi32>
      %shift_right_logical3A_384 = arith.constant 26 : i32
      %shift_right_logical3A_385 = vector.broadcast %shift_right_logical3A_384 : i32 to vector<16xi32>
      %shift_right_logical3A_386 = arith.shrui %xor3A_379, %shift_right_logical3A_385 : vector<16xi32>
      %or3A_387 = arith.ori %shift_left3A_383, %shift_right_logical3A_386 : vector<16xi32>
      %xor3A_388 = arith.xori %add3A_380, %or3A_387 : vector<16xi32>
      %add3A_389 = arith.constant 0 : i32
      %add3A_390 = vector.broadcast %add3A_389 : i32 to vector<16xi32>
      %add3A_391 = arith.addi %add3A_380, %add3A_390 : vector<16xi32>
      %add3A_392 = arith.constant 45 : i32
      %add3A_393 = vector.broadcast %add3A_392 : i32 to vector<16xi32>
      %add3A_394 = arith.addi %xor3A_388, %add3A_393 : vector<16xi32>
      %add3A_395 = arith.addi %add3A_391, %add3A_394 : vector<16xi32>
      %shift_left3A_396 = arith.constant 17 : i32
      %shift_left3A_397 = vector.broadcast %shift_left3A_396 : i32 to vector<16xi32>
      %shift_left3A_398 = arith.shli %add3A_394, %shift_left3A_397 : vector<16xi32>
      %shift_right_logical3A_399 = arith.constant 15 : i32
      %shift_right_logical3A_400 = vector.broadcast %shift_right_logical3A_399 : i32 to vector<16xi32>
      %shift_right_logical3A_401 = arith.shrui %add3A_394, %shift_right_logical3A_400 : vector<16xi32>
      %or3A_402 = arith.ori %shift_left3A_398, %shift_right_logical3A_401 : vector<16xi32>
      %xor3A_403 = arith.xori %add3A_395, %or3A_402 : vector<16xi32>
      %add3A_404 = arith.addi %add3A_395, %xor3A_403 : vector<16xi32>
      %shift_left3A_405 = arith.constant 29 : i32
      %shift_left3A_406 = vector.broadcast %shift_left3A_405 : i32 to vector<16xi32>
      %shift_left3A_407 = arith.shli %xor3A_403, %shift_left3A_406 : vector<16xi32>
      %shift_right_logical3A_408 = arith.constant 3 : i32
      %shift_right_logical3A_409 = vector.broadcast %shift_right_logical3A_408 : i32 to vector<16xi32>
      %shift_right_logical3A_410 = arith.shrui %xor3A_403, %shift_right_logical3A_409 : vector<16xi32>
      %or3A_411 = arith.ori %shift_left3A_407, %shift_right_logical3A_410 : vector<16xi32>
      %xor3A_412 = arith.xori %add3A_404, %or3A_411 : vector<16xi32>
      %add3A_413 = arith.addi %add3A_404, %xor3A_412 : vector<16xi32>
      %shift_left3A_414 = arith.constant 16 : i32
      %shift_left3A_415 = vector.broadcast %shift_left3A_414 : i32 to vector<16xi32>
      %shift_left3A_416 = arith.shli %xor3A_412, %shift_left3A_415 : vector<16xi32>
      %shift_right_logical3A_417 = arith.constant 16 : i32
      %shift_right_logical3A_418 = vector.broadcast %shift_right_logical3A_417 : i32 to vector<16xi32>
      %shift_right_logical3A_419 = arith.shrui %xor3A_412, %shift_right_logical3A_418 : vector<16xi32>
      %or3A_420 = arith.ori %shift_left3A_416, %shift_right_logical3A_419 : vector<16xi32>
      %xor3A_421 = arith.xori %add3A_413, %or3A_420 : vector<16xi32>
      %add3A_422 = arith.addi %add3A_413, %xor3A_421 : vector<16xi32>
      %shift_left3A_423 = arith.constant 24 : i32
      %shift_left3A_424 = vector.broadcast %shift_left3A_423 : i32 to vector<16xi32>
      %shift_left3A_425 = arith.shli %xor3A_421, %shift_left3A_424 : vector<16xi32>
      %shift_right_logical3A_426 = arith.constant 8 : i32
      %shift_right_logical3A_427 = vector.broadcast %shift_right_logical3A_426 : i32 to vector<16xi32>
      %shift_right_logical3A_428 = arith.shrui %xor3A_421, %shift_right_logical3A_427 : vector<16xi32>
      %or3A_429 = arith.ori %shift_left3A_425, %shift_right_logical3A_428 : vector<16xi32>
      %xor3A_430 = arith.xori %add3A_422, %or3A_429 : vector<16xi32>
      %add3A_431 = arith.constant 42 : i32
      %add3A_432 = vector.broadcast %add3A_431 : i32 to vector<16xi32>
      %add3A_433 = arith.addi %add3A_422, %add3A_432 : vector<16xi32>
      %add3A_434 = arith.constant 466689012 : i32
      %add3A_435 = vector.broadcast %add3A_434 : i32 to vector<16xi32>
      %add3A_436 = arith.addi %xor3A_430, %add3A_435 : vector<16xi32>
      %add3A_437 = arith.addi %add3A_433, %add3A_436 : vector<16xi32>
      %shift_left3A_438 = arith.constant 13 : i32
      %shift_left3A_439 = vector.broadcast %shift_left3A_438 : i32 to vector<16xi32>
      %shift_left3A_440 = arith.shli %add3A_436, %shift_left3A_439 : vector<16xi32>
      %shift_right_logical3A_441 = arith.constant 19 : i32
      %shift_right_logical3A_442 = vector.broadcast %shift_right_logical3A_441 : i32 to vector<16xi32>
      %shift_right_logical3A_443 = arith.shrui %add3A_436, %shift_right_logical3A_442 : vector<16xi32>
      %or3A_444 = arith.ori %shift_left3A_440, %shift_right_logical3A_443 : vector<16xi32>
      %xor3A_445 = arith.xori %add3A_437, %or3A_444 : vector<16xi32>
      %add3A_446 = arith.addi %add3A_437, %xor3A_445 : vector<16xi32>
      %shift_left3A_447 = arith.constant 15 : i32
      %shift_left3A_448 = vector.broadcast %shift_left3A_447 : i32 to vector<16xi32>
      %shift_left3A_449 = arith.shli %xor3A_445, %shift_left3A_448 : vector<16xi32>
      %shift_right_logical3A_450 = arith.constant 17 : i32
      %shift_right_logical3A_451 = vector.broadcast %shift_right_logical3A_450 : i32 to vector<16xi32>
      %shift_right_logical3A_452 = arith.shrui %xor3A_445, %shift_right_logical3A_451 : vector<16xi32>
      %or3A_453 = arith.ori %shift_left3A_449, %shift_right_logical3A_452 : vector<16xi32>
      %xor3A_454 = arith.xori %add3A_446, %or3A_453 : vector<16xi32>
      %add3A_455 = arith.addi %add3A_446, %xor3A_454 : vector<16xi32>
      %shift_left3A_456 = arith.constant 26 : i32
      %shift_left3A_457 = vector.broadcast %shift_left3A_456 : i32 to vector<16xi32>
      %shift_left3A_458 = arith.shli %xor3A_454, %shift_left3A_457 : vector<16xi32>
      %shift_right_logical3A_459 = arith.constant 6 : i32
      %shift_right_logical3A_460 = vector.broadcast %shift_right_logical3A_459 : i32 to vector<16xi32>
      %shift_right_logical3A_461 = arith.shrui %xor3A_454, %shift_right_logical3A_460 : vector<16xi32>
      %or3A_462 = arith.ori %shift_left3A_458, %shift_right_logical3A_461 : vector<16xi32>
      %xor3A_463 = arith.xori %add3A_455, %or3A_462 : vector<16xi32>
      %add3A_464 = arith.addi %add3A_455, %xor3A_463 : vector<16xi32>
      %shift_left3A_465 = arith.constant 6 : i32
      %shift_left3A_466 = vector.broadcast %shift_left3A_465 : i32 to vector<16xi32>
      %shift_left3A_467 = arith.shli %xor3A_463, %shift_left3A_466 : vector<16xi32>
      %shift_right_logical3A_468 = arith.constant 26 : i32
      %shift_right_logical3A_469 = vector.broadcast %shift_right_logical3A_468 : i32 to vector<16xi32>
      %shift_right_logical3A_470 = arith.shrui %xor3A_463, %shift_right_logical3A_469 : vector<16xi32>
      %or3A_471 = arith.ori %shift_left3A_467, %shift_right_logical3A_470 : vector<16xi32>
      %xor3A_472 = arith.xori %add3A_464, %or3A_471 : vector<16xi32>
      %add3A_473 = arith.constant 466689008 : i32
      %add3A_474 = vector.broadcast %add3A_473 : i32 to vector<16xi32>
      %add3A_475 = arith.addi %add3A_464, %add3A_474 : vector<16xi32>
      %lt3A_476 = arith.constant -2147483648 : i32
      %lt3A_477 = vector.broadcast %lt3A_476 : i32 to vector<16xi32>
      %lt3A_478 = arith.cmpi ult, %add3A_475, %lt3A_477 : vector<16xi32>
      %select_n3A_479 = arith.select %lt3A_478, %get3A_5, %get3A_8 : vector<16xi1>, vector<16xf32>
      %mul3A_480 = arith.mulf %get3A_260, %select_n3A_479 : vector<16xf32>
      %swap3A_481 = arith.index_cast %add3A_257 : i32 to index
      %swap3A_482 = tpu.vector_load %arg5[%swap3A_481] {strides = array<i32>} : memref<83904xf32, #tpu.memory_space<vmem>>, vector<16xf32>,
      %swap3A_483 = vector.shape_cast %swap3A_482 : vector<16xf32> to vector<16xf32>
      %swap3A_484 = vector.shape_cast %mul3A_480 : vector<16xf32> to vector<16xf32>
      tpu.vector_store %arg5[%swap3A_481], %swap3A_484 {strides = array<i32>} : memref<83904xf32, #tpu.memory_space<vmem>>, vector<16xf32>,
      %add3A_485 = arith.constant 32 : i32
      %add3A_486 = arith.addi %mul3A_34, %add3A_485 : i32
      %get3A_487 = arith.index_cast %add3A_486 : i32 to index
      %get3A_488 = tpu.vector_load %arg5[%get3A_487] {strides = array<i32>} : memref<83904xf32, #tpu.memory_space<vmem>>, vector<16xf32>,
      %get3A_489 = vector.shape_cast %get3A_488 : vector<16xf32> to vector<16xf32>
      %add3A_490 = arith.addi %mul3A_2, %add3A_486 : i32
      %add3A_491 = vector.broadcast %add3A_490 : i32 to vector<16xi32>
      %add3A_492 = arith.addi %add3A_491, %iota3A : vector<16xi32>
      %broadcast_in_dim3A_493 = arith.constant 0 : i32
      %broadcast_in_dim3A_494 = vector.broadcast %broadcast_in_dim3A_493 : i32 to vector<16xi32>
      %add3A_495 = arith.constant 42 : i32
      %add3A_496 = vector.broadcast %add3A_495 : i32 to vector<16xi32>
      %add3A_497 = arith.addi %add3A_492, %add3A_496 : vector<16xi32>
      %add3A_498 = arith.addi %broadcast_in_dim3A_494, %add3A_497 : vector<16xi32>
      %shift_left3A_499 = arith.constant 13 : i32
      %shift_left3A_500 = vector.broadcast %shift_left3A_499 : i32 to vector<16xi32>
      %shift_left3A_501 = arith.shli %add3A_497, %shift_left3A_500 : vector<16xi32>
      %shift_right_logical3A_502 = arith.constant 19 : i32
      %shift_right_logical3A_503 = vector.broadcast %shift_right_logical3A_502 : i32 to vector<16xi32>
      %shift_right_logical3A_504 = arith.shrui %add3A_497, %shift_right_logical3A_503 : vector<16xi32>
      %or3A_505 = arith.ori %shift_left3A_501, %shift_right_logical3A_504 : vector<16xi32>
      %xor3A_506 = arith.xori %add3A_498, %or3A_505 : vector<16xi32>
      %add3A_507 = arith.addi %add3A_498, %xor3A_506 : vector<16xi32>
      %shift_left3A_508 = arith.constant 15 : i32
      %shift_left3A_509 = vector.broadcast %shift_left3A_508 : i32 to vector<16xi32>
      %shift_left3A_510 = arith.shli %xor3A_506, %shift_left3A_509 : vector<16xi32>
      %shift_right_logical3A_511 = arith.constant 17 : i32
      %shift_right_logical3A_512 = vector.broadcast %shift_right_logical3A_511 : i32 to vector<16xi32>
      %shift_right_logical3A_513 = arith.shrui %xor3A_506, %shift_right_logical3A_512 : vector<16xi32>
      %or3A_514 = arith.ori %shift_left3A_510, %shift_right_logical3A_513 : vector<16xi32>
      %xor3A_515 = arith.xori %add3A_507, %or3A_514 : vector<16xi32>
      %add3A_516 = arith.addi %add3A_507, %xor3A_515 : vector<16xi32>
      %shift_left3A_517 = arith.constant 26 : i32
      %shift_left3A_518 = vector.broadcast %shift_left3A_517 : i32 to vector<16xi32>
      %shift_left3A_519 = arith.shli %xor3A_515, %shift_left3A_518 : vector<16xi32>
      %shift_right_logical3A_520 = arith.constant 6 : i32
      %shift_right_logical3A_521 = vector.broadcast %shift_right_logical3A_520 : i32 to vector<16xi32>
      %shift_right_logical3A_522 = arith.shrui %xor3A_515, %shift_right_logical3A_521 : vector<16xi32>
      %or3A_523 = arith.ori %shift_left3A_519, %shift_right_logical3A_522 : vector<16xi32>
      %xor3A_524 = arith.xori %add3A_516, %or3A_523 : vector<16xi32>
      %add3A_525 = arith.addi %add3A_516, %xor3A_524 : vector<16xi32>
      %shift_left3A_526 = arith.constant 6 : i32
      %shift_left3A_527 = vector.broadcast %shift_left3A_526 : i32 to vector<16xi32>
      %shift_left3A_528 = arith.shli %xor3A_524, %shift_left3A_527 : vector<16xi32>
      %shift_right_logical3A_529 = arith.constant 26 : i32
      %shift_right_logical3A_530 = vector.broadcast %shift_right_logical3A_529 : i32 to vector<16xi32>
      %shift_right_logical3A_531 = arith.shrui %xor3A_524, %shift_right_logical3A_530 : vector<16xi32>
      %or3A_532 = arith.ori %shift_left3A_528, %shift_right_logical3A_531 : vector<16xi32>
      %xor3A_533 = arith.xori %add3A_525, %or3A_532 : vector<16xi32>
      %add3A_534 = arith.constant 42 : i32
      %add3A_535 = vector.broadcast %add3A_534 : i32 to vector<16xi32>
      %add3A_536 = arith.addi %add3A_525, %add3A_535 : vector<16xi32>
      %add3A_537 = arith.constant 466689009 : i32
      %add3A_538 = vector.broadcast %add3A_537 : i32 to vector<16xi32>
      %add3A_539 = arith.addi %xor3A_533, %add3A_538 : vector<16xi32>
      %add3A_540 = arith.addi %add3A_536, %add3A_539 : vector<16xi32>
      %shift_left3A_541 = arith.constant 17 : i32
      %shift_left3A_542 = vector.broadcast %shift_left3A_541 : i32 to vector<16xi32>
      %shift_left3A_543 = arith.shli %add3A_539, %shift_left3A_542 : vector<16xi32>
      %shift_right_logical3A_544 = arith.constant 15 : i32
      %shift_right_logical3A_545 = vector.broadcast %shift_right_logical3A_544 : i32 to vector<16xi32>
      %shift_right_logical3A_546 = arith.shrui %add3A_539, %shift_right_logical3A_545 : vector<16xi32>
      %or3A_547 = arith.ori %shift_left3A_543, %shift_right_logical3A_546 : vector<16xi32>
      %xor3A_548 = arith.xori %add3A_540, %or3A_547 : vector<16xi32>
      %add3A_549 = arith.addi %add3A_540, %xor3A_548 : vector<16xi32>
      %shift_left3A_550 = arith.constant 29 : i32
      %shift_left3A_551 = vector.broadcast %shift_left3A_550 : i32 to vector<16xi32>
      %shift_left3A_552 = arith.shli %xor3A_548, %shift_left3A_551 : vector<16xi32>
      %shift_right_logical3A_553 = arith.constant 3 : i32
      %shift_right_logical3A_554 = vector.broadcast %shift_right_logical3A_553 : i32 to vector<16xi32>
      %shift_right_logical3A_555 = arith.shrui %xor3A_548, %shift_right_logical3A_554 : vector<16xi32>
      %or3A_556 = arith.ori %shift_left3A_552, %shift_right_logical3A_555 : vector<16xi32>
      %xor3A_557 = arith.xori %add3A_549, %or3A_556 : vector<16xi32>
      %add3A_558 = arith.addi %add3A_549, %xor3A_557 : vector<16xi32>
      %shift_left3A_559 = arith.constant 16 : i32
      %shift_left3A_560 = vector.broadcast %shift_left3A_559 : i32 to vector<16xi32>
      %shift_left3A_561 = arith.shli %xor3A_557, %shift_left3A_560 : vector<16xi32>
      %shift_right_logical3A_562 = arith.constant 16 : i32
      %shift_right_logical3A_563 = vector.broadcast %shift_right_logical3A_562 : i32 to vector<16xi32>
      %shift_right_logical3A_564 = arith.shrui %xor3A_557, %shift_right_logical3A_563 : vector<16xi32>
      %or3A_565 = arith.ori %shift_left3A_561, %shift_right_logical3A_564 : vector<16xi32>
      %xor3A_566 = arith.xori %add3A_558, %or3A_565 : vector<16xi32>
      %add3A_567 = arith.addi %add3A_558, %xor3A_566 : vector<16xi32>
      %shift_left3A_568 = arith.constant 24 : i32
      %shift_left3A_569 = vector.broadcast %shift_left3A_568 : i32 to vector<16xi32>
      %shift_left3A_570 = arith.shli %xor3A_566, %shift_left3A_569 : vector<16xi32>
      %shift_right_logical3A_571 = arith.constant 8 : i32
      %shift_right_logical3A_572 = vector.broadcast %shift_right_logical3A_571 : i32 to vector<16xi32>
      %shift_right_logical3A_573 = arith.shrui %xor3A_566, %shift_right_logical3A_572 : vector<16xi32>
      %or3A_574 = arith.ori %shift_left3A_570, %shift_right_logical3A_573 : vector<16xi32>
      %xor3A_575 = arith.xori %add3A_567, %or3A_574 : vector<16xi32>
      %add3A_576 = arith.constant 466689008 : i32
      %add3A_577 = vector.broadcast %add3A_576 : i32 to vector<16xi32>
      %add3A_578 = arith.addi %add3A_567, %add3A_577 : vector<16xi32>
      %add3A_579 = arith.constant 2 : i32
      %add3A_580 = vector.broadcast %add3A_579 : i32 to vector<16xi32>
      %add3A_581 = arith.addi %xor3A_575, %add3A_580 : vector<16xi32>
      %add3A_582 = arith.addi %add3A_578, %add3A_581 : vector<16xi32>
      %shift_left3A_583 = arith.constant 13 : i32
      %shift_left3A_584 = vector.broadcast %shift_left3A_583 : i32 to vector<16xi32>
      %shift_left3A_585 = arith.shli %add3A_581, %shift_left3A_584 : vector<16xi32>
      %shift_right_logical3A_586 = arith.constant 19 : i32
      %shift_right_logical3A_587 = vector.broadcast %shift_right_logical3A_586 : i32 to vector<16xi32>
      %shift_right_logical3A_588 = arith.shrui %add3A_581, %shift_right_logical3A_587 : vector<16xi32>
      %or3A_589 = arith.ori %shift_left3A_585, %shift_right_logical3A_588 : vector<16xi32>
      %xor3A_590 = arith.xori %add3A_582, %or3A_589 : vector<16xi32>
      %add3A_591 = arith.addi %add3A_582, %xor3A_590 : vector<16xi32>
      %shift_left3A_592 = arith.constant 15 : i32
      %shift_left3A_593 = vector.broadcast %shift_left3A_592 : i32 to vector<16xi32>
      %shift_left3A_594 = arith.shli %xor3A_590, %shift_left3A_593 : vector<16xi32>
      %shift_right_logical3A_595 = arith.constant 17 : i32
      %shift_right_logical3A_596 = vector.broadcast %shift_right_logical3A_595 : i32 to vector<16xi32>
      %shift_right_logical3A_597 = arith.shrui %xor3A_590, %shift_right_logical3A_596 : vector<16xi32>
      %or3A_598 = arith.ori %shift_left3A_594, %shift_right_logical3A_597 : vector<16xi32>
      %xor3A_599 = arith.xori %add3A_591, %or3A_598 : vector<16xi32>
      %add3A_600 = arith.addi %add3A_591, %xor3A_599 : vector<16xi32>
      %shift_left3A_601 = arith.constant 26 : i32
      %shift_left3A_602 = vector.broadcast %shift_left3A_601 : i32 to vector<16xi32>
      %shift_left3A_603 = arith.shli %xor3A_599, %shift_left3A_602 : vector<16xi32>
      %shift_right_logical3A_604 = arith.constant 6 : i32
      %shift_right_logical3A_605 = vector.broadcast %shift_right_logical3A_604 : i32 to vector<16xi32>
      %shift_right_logical3A_606 = arith.shrui %xor3A_599, %shift_right_logical3A_605 : vector<16xi32>
      %or3A_607 = arith.ori %shift_left3A_603, %shift_right_logical3A_606 : vector<16xi32>
      %xor3A_608 = arith.xori %add3A_600, %or3A_607 : vector<16xi32>
      %add3A_609 = arith.addi %add3A_600, %xor3A_608 : vector<16xi32>
      %shift_left3A_610 = arith.constant 6 : i32
      %shift_left3A_611 = vector.broadcast %shift_left3A_610 : i32 to vector<16xi32>
      %shift_left3A_612 = arith.shli %xor3A_608, %shift_left3A_611 : vector<16xi32>
      %shift_right_logical3A_613 = arith.constant 26 : i32
      %shift_right_logical3A_614 = vector.broadcast %shift_right_logical3A_613 : i32 to vector<16xi32>
      %shift_right_logical3A_615 = arith.shrui %xor3A_608, %shift_right_logical3A_614 : vector<16xi32>
      %or3A_616 = arith.ori %shift_left3A_612, %shift_right_logical3A_615 : vector<16xi32>
      %xor3A_617 = arith.xori %add3A_609, %or3A_616 : vector<16xi32>
      %add3A_618 = arith.constant 0 : i32
      %add3A_619 = vector.broadcast %add3A_618 : i32 to vector<16xi32>
      %add3A_620 = arith.addi %add3A_609, %add3A_619 : vector<16xi32>
      %add3A_621 = arith.constant 45 : i32
      %add3A_622 = vector.broadcast %add3A_621 : i32 to vector<16xi32>
      %add3A_623 = arith.addi %xor3A_617, %add3A_622 : vector<16xi32>
      %add3A_624 = arith.addi %add3A_620, %add3A_623 : vector<16xi32>
      %shift_left3A_625 = arith.constant 17 : i32
      %shift_left3A_626 = vector.broadcast %shift_left3A_625 : i32 to vector<16xi32>
      %shift_left3A_627 = arith.shli %add3A_623, %shift_left3A_626 : vector<16xi32>
      %shift_right_logical3A_628 = arith.constant 15 : i32
      %shift_right_logical3A_629 = vector.broadcast %shift_right_logical3A_628 : i32 to vector<16xi32>
      %shift_right_logical3A_630 = arith.shrui %add3A_623, %shift_right_logical3A_629 : vector<16xi32>
      %or3A_631 = arith.ori %shift_left3A_627, %shift_right_logical3A_630 : vector<16xi32>
      %xor3A_632 = arith.xori %add3A_624, %or3A_631 : vector<16xi32>
      %add3A_633 = arith.addi %add3A_624, %xor3A_632 : vector<16xi32>
      %shift_left3A_634 = arith.constant 29 : i32
      %shift_left3A_635 = vector.broadcast %shift_left3A_634 : i32 to vector<16xi32>
      %shift_left3A_636 = arith.shli %xor3A_632, %shift_left3A_635 : vector<16xi32>
      %shift_right_logical3A_637 = arith.constant 3 : i32
      %shift_right_logical3A_638 = vector.broadcast %shift_right_logical3A_637 : i32 to vector<16xi32>
      %shift_right_logical3A_639 = arith.shrui %xor3A_632, %shift_right_logical3A_638 : vector<16xi32>
      %or3A_640 = arith.ori %shift_left3A_636, %shift_right_logical3A_639 : vector<16xi32>
      %xor3A_641 = arith.xori %add3A_633, %or3A_640 : vector<16xi32>
      %add3A_642 = arith.addi %add3A_633, %xor3A_641 : vector<16xi32>
      %shift_left3A_643 = arith.constant 16 : i32
      %shift_left3A_644 = vector.broadcast %shift_left3A_643 : i32 to vector<16xi32>
      %shift_left3A_645 = arith.shli %xor3A_641, %shift_left3A_644 : vector<16xi32>
      %shift_right_logical3A_646 = arith.constant 16 : i32
      %shift_right_logical3A_647 = vector.broadcast %shift_right_logical3A_646 : i32 to vector<16xi32>
      %shift_right_logical3A_648 = arith.shrui %xor3A_641, %shift_right_logical3A_647 : vector<16xi32>
      %or3A_649 = arith.ori %shift_left3A_645, %shift_right_logical3A_648 : vector<16xi32>
      %xor3A_650 = arith.xori %add3A_642, %or3A_649 : vector<16xi32>
      %add3A_651 = arith.addi %add3A_642, %xor3A_650 : vector<16xi32>
      %shift_left3A_652 = arith.constant 24 : i32
      %shift_left3A_653 = vector.broadcast %shift_left3A_652 : i32 to vector<16xi32>
      %shift_left3A_654 = arith.shli %xor3A_650, %shift_left3A_653 : vector<16xi32>
      %shift_right_logical3A_655 = arith.constant 8 : i32
      %shift_right_logical3A_656 = vector.broadcast %shift_right_logical3A_655 : i32 to vector<16xi32>
      %shift_right_logical3A_657 = arith.shrui %xor3A_650, %shift_right_logical3A_656 : vector<16xi32>
      %or3A_658 = arith.ori %shift_left3A_654, %shift_right_logical3A_657 : vector<16xi32>
      %xor3A_659 = arith.xori %add3A_651, %or3A_658 : vector<16xi32>
      %add3A_660 = arith.constant 42 : i32
      %add3A_661 = vector.broadcast %add3A_660 : i32 to vector<16xi32>
      %add3A_662 = arith.addi %add3A_651, %add3A_661 : vector<16xi32>
      %add3A_663 = arith.constant 466689012 : i32
      %add3A_664 = vector.broadcast %add3A_663 : i32 to vector<16xi32>
      %add3A_665 = arith.addi %xor3A_659, %add3A_664 : vector<16xi32>
      %add3A_666 = arith.addi %add3A_662, %add3A_665 : vector<16xi32>
      %shift_left3A_667 = arith.constant 13 : i32
      %shift_left3A_668 = vector.broadcast %shift_left3A_667 : i32 to vector<16xi32>
      %shift_left3A_669 = arith.shli %add3A_665, %shift_left3A_668 : vector<16xi32>
      %shift_right_logical3A_670 = arith.constant 19 : i32
      %shift_right_logical3A_671 = vector.broadcast %shift_right_logical3A_670 : i32 to vector<16xi32>
      %shift_right_logical3A_672 = arith.shrui %add3A_665, %shift_right_logical3A_671 : vector<16xi32>
      %or3A_673 = arith.ori %shift_left3A_669, %shift_right_logical3A_672 : vector<16xi32>
      %xor3A_674 = arith.xori %add3A_666, %or3A_673 : vector<16xi32>
      %add3A_675 = arith.addi %add3A_666, %xor3A_674 : vector<16xi32>
      %shift_left3A_676 = arith.constant 15 : i32
      %shift_left3A_677 = vector.broadcast %shift_left3A_676 : i32 to vector<16xi32>
      %shift_left3A_678 = arith.shli %xor3A_674, %shift_left3A_677 : vector<16xi32>
      %shift_right_logical3A_679 = arith.constant 17 : i32
      %shift_right_logical3A_680 = vector.broadcast %shift_right_logical3A_679 : i32 to vector<16xi32>
      %shift_right_logical3A_681 = arith.shrui %xor3A_674, %shift_right_logical3A_680 : vector<16xi32>
      %or3A_682 = arith.ori %shift_left3A_678, %shift_right_logical3A_681 : vector<16xi32>
      %xor3A_683 = arith.xori %add3A_675, %or3A_682 : vector<16xi32>
      %add3A_684 = arith.addi %add3A_675, %xor3A_683 : vector<16xi32>
      %shift_left3A_685 = arith.constant 26 : i32
      %shift_left3A_686 = vector.broadcast %shift_left3A_685 : i32 to vector<16xi32>
      %shift_left3A_687 = arith.shli %xor3A_683, %shift_left3A_686 : vector<16xi32>
      %shift_right_logical3A_688 = arith.constant 6 : i32
      %shift_right_logical3A_689 = vector.broadcast %shift_right_logical3A_688 : i32 to vector<16xi32>
      %shift_right_logical3A_690 = arith.shrui %xor3A_683, %shift_right_logical3A_689 : vector<16xi32>
      %or3A_691 = arith.ori %shift_left3A_687, %shift_right_logical3A_690 : vector<16xi32>
      %xor3A_692 = arith.xori %add3A_684, %or3A_691 : vector<16xi32>
      %add3A_693 = arith.addi %add3A_684, %xor3A_692 : vector<16xi32>
      %shift_left3A_694 = arith.constant 6 : i32
      %shift_left3A_695 = vector.broadcast %shift_left3A_694 : i32 to vector<16xi32>
      %shift_left3A_696 = arith.shli %xor3A_692, %shift_left3A_695 : vector<16xi32>
      %shift_right_logical3A_697 = arith.constant 26 : i32
      %shift_right_logical3A_698 = vector.broadcast %shift_right_logical3A_697 : i32 to vector<16xi32>
      %shift_right_logical3A_699 = arith.shrui %xor3A_692, %shift_right_logical3A_698 : vector<16xi32>
      %or3A_700 = arith.ori %shift_left3A_696, %shift_right_logical3A_699 : vector<16xi32>
      %xor3A_701 = arith.xori %add3A_693, %or3A_700 : vector<16xi32>
      %add3A_702 = arith.constant 466689008 : i32
      %add3A_703 = vector.broadcast %add3A_702 : i32 to vector<16xi32>
      %add3A_704 = arith.addi %add3A_693, %add3A_703 : vector<16xi32>
      %lt3A_705 = arith.constant -2147483648 : i32
      %lt3A_706 = vector.broadcast %lt3A_705 : i32 to vector<16xi32>
      %lt3A_707 = arith.cmpi ult, %add3A_704, %lt3A_706 : vector<16xi32>
      %select_n3A_708 = arith.select %lt3A_707, %get3A_5, %get3A_8 : vector<16xi1>, vector<16xf32>
      %mul3A_709 = arith.mulf %get3A_489, %select_n3A_708 : vector<16xf32>
      %swap3A_710 = arith.index_cast %add3A_486 : i32 to index
      %swap3A_711 = tpu.vector_load %arg5[%swap3A_710] {strides = array<i32>} : memref<83904xf32, #tpu.memory_space<vmem>>, vector<16xf32>,
      %swap3A_712 = vector.shape_cast %swap3A_711 : vector<16xf32> to vector<16xf32>
      %swap3A_713 = vector.shape_cast %mul3A_709 : vector<16xf32> to vector<16xf32>
      tpu.vector_store %arg5[%swap3A_710], %swap3A_713 {strides = array<i32>} : memref<83904xf32, #tpu.memory_space<vmem>>, vector<16xf32>,
      %add3A_714 = arith.constant 48 : i32
      %add3A_715 = arith.addi %mul3A_34, %add3A_714 : i32
      %get3A_716 = arith.index_cast %add3A_715 : i32 to index
      %get3A_717 = tpu.vector_load %arg5[%get3A_716] {strides = array<i32>} : memref<83904xf32, #tpu.memory_space<vmem>>, vector<16xf32>,
      %get3A_718 = vector.shape_cast %get3A_717 : vector<16xf32> to vector<16xf32>
      %add3A_719 = arith.addi %mul3A_2, %add3A_715 : i32
      %add3A_720 = vector.broadcast %add3A_719 : i32 to vector<16xi32>
      %add3A_721 = arith.addi %add3A_720, %iota3A : vector<16xi32>
      %broadcast_in_dim3A_722 = arith.constant 0 : i32
      %broadcast_in_dim3A_723 = vector.broadcast %broadcast_in_dim3A_722 : i32 to vector<16xi32>
      %add3A_724 = arith.constant 42 : i32
      %add3A_725 = vector.broadcast %add3A_724 : i32 to vector<16xi32>
      %add3A_726 = arith.addi %add3A_721, %add3A_725 : vector<16xi32>
      %add3A_727 = arith.addi %broadcast_in_dim3A_723, %add3A_726 : vector<16xi32>
      %shift_left3A_728 = arith.constant 13 : i32
      %shift_left3A_729 = vector.broadcast %shift_left3A_728 : i32 to vector<16xi32>
      %shift_left3A_730 = arith.shli %add3A_726, %shift_left3A_729 : vector<16xi32>
      %shift_right_logical3A_731 = arith.constant 19 : i32
      %shift_right_logical3A_732 = vector.broadcast %shift_right_logical3A_731 : i32 to vector<16xi32>
      %shift_right_logical3A_733 = arith.shrui %add3A_726, %shift_right_logical3A_732 : vector<16xi32>
      %or3A_734 = arith.ori %shift_left3A_730, %shift_right_logical3A_733 : vector<16xi32>
      %xor3A_735 = arith.xori %add3A_727, %or3A_734 : vector<16xi32>
      %add3A_736 = arith.addi %add3A_727, %xor3A_735 : vector<16xi32>
      %shift_left3A_737 = arith.constant 15 : i32
      %shift_left3A_738 = vector.broadcast %shift_left3A_737 : i32 to vector<16xi32>
      %shift_left3A_739 = arith.shli %xor3A_735, %shift_left3A_738 : vector<16xi32>
      %shift_right_logical3A_740 = arith.constant 17 : i32
      %shift_right_logical3A_741 = vector.broadcast %shift_right_logical3A_740 : i32 to vector<16xi32>
      %shift_right_logical3A_742 = arith.shrui %xor3A_735, %shift_right_logical3A_741 : vector<16xi32>
      %or3A_743 = arith.ori %shift_left3A_739, %shift_right_logical3A_742 : vector<16xi32>
      %xor3A_744 = arith.xori %add3A_736, %or3A_743 : vector<16xi32>
      %add3A_745 = arith.addi %add3A_736, %xor3A_744 : vector<16xi32>
      %shift_left3A_746 = arith.constant 26 : i32
      %shift_left3A_747 = vector.broadcast %shift_left3A_746 : i32 to vector<16xi32>
      %shift_left3A_748 = arith.shli %xor3A_744, %shift_left3A_747 : vector<16xi32>
      %shift_right_logical3A_749 = arith.constant 6 : i32
      %shift_right_logical3A_750 = vector.broadcast %shift_right_logical3A_749 : i32 to vector<16xi32>
      %shift_right_logical3A_751 = arith.shrui %xor3A_744, %shift_right_logical3A_750 : vector<16xi32>
      %or3A_752 = arith.ori %shift_left3A_748, %shift_right_logical3A_751 : vector<16xi32>
      %xor3A_753 = arith.xori %add3A_745, %or3A_752 : vector<16xi32>
      %add3A_754 = arith.addi %add3A_745, %xor3A_753 : vector<16xi32>
      %shift_left3A_755 = arith.constant 6 : i32
      %shift_left3A_756 = vector.broadcast %shift_left3A_755 : i32 to vector<16xi32>
      %shift_left3A_757 = arith.shli %xor3A_753, %shift_left3A_756 : vector<16xi32>
      %shift_right_logical3A_758 = arith.constant 26 : i32
      %shift_right_logical3A_759 = vector.broadcast %shift_right_logical3A_758 : i32 to vector<16xi32>
      %shift_right_logical3A_760 = arith.shrui %xor3A_753, %shift_right_logical3A_759 : vector<16xi32>
      %or3A_761 = arith.ori %shift_left3A_757, %shift_right_logical3A_760 : vector<16xi32>
      %xor3A_762 = arith.xori %add3A_754, %or3A_761 : vector<16xi32>
      %add3A_763 = arith.constant 42 : i32
      %add3A_764 = vector.broadcast %add3A_763 : i32 to vector<16xi32>
      %add3A_765 = arith.addi %add3A_754, %add3A_764 : vector<16xi32>
      %add3A_766 = arith.constant 466689009 : i32
      %add3A_767 = vector.broadcast %add3A_766 : i32 to vector<16xi32>
      %add3A_768 = arith.addi %xor3A_762, %add3A_767 : vector<16xi32>
      %add3A_769 = arith.addi %add3A_765, %add3A_768 : vector<16xi32>
      %shift_left3A_770 = arith.constant 17 : i32
      %shift_left3A_771 = vector.broadcast %shift_left3A_770 : i32 to vector<16xi32>
      %shift_left3A_772 = arith.shli %add3A_768, %shift_left3A_771 : vector<16xi32>
      %shift_right_logical3A_773 = arith.constant 15 : i32
      %shift_right_logical3A_774 = vector.broadcast %shift_right_logical3A_773 : i32 to vector<16xi32>
      %shift_right_logical3A_775 = arith.shrui %add3A_768, %shift_right_logical3A_774 : vector<16xi32>
      %or3A_776 = arith.ori %shift_left3A_772, %shift_right_logical3A_775 : vector<16xi32>
      %xor3A_777 = arith.xori %add3A_769, %or3A_776 : vector<16xi32>
      %add3A_778 = arith.addi %add3A_769, %xor3A_777 : vector<16xi32>
      %shift_left3A_779 = arith.constant 29 : i32
      %shift_left3A_780 = vector.broadcast %shift_left3A_779 : i32 to vector<16xi32>
      %shift_left3A_781 = arith.shli %xor3A_777, %shift_left3A_780 : vector<16xi32>
      %shift_right_logical3A_782 = arith.constant 3 : i32
      %shift_right_logical3A_783 = vector.broadcast %shift_right_logical3A_782 : i32 to vector<16xi32>
      %shift_right_logical3A_784 = arith.shrui %xor3A_777, %shift_right_logical3A_783 : vector<16xi32>
      %or3A_785 = arith.ori %shift_left3A_781, %shift_right_logical3A_784 : vector<16xi32>
      %xor3A_786 = arith.xori %add3A_778, %or3A_785 : vector<16xi32>
      %add3A_787 = arith.addi %add3A_778, %xor3A_786 : vector<16xi32>
      %shift_left3A_788 = arith.constant 16 : i32
      %shift_left3A_789 = vector.broadcast %shift_left3A_788 : i32 to vector<16xi32>
      %shift_left3A_790 = arith.shli %xor3A_786, %shift_left3A_789 : vector<16xi32>
      %shift_right_logical3A_791 = arith.constant 16 : i32
      %shift_right_logical3A_792 = vector.broadcast %shift_right_logical3A_791 : i32 to vector<16xi32>
      %shift_right_logical3A_793 = arith.shrui %xor3A_786, %shift_right_logical3A_792 : vector<16xi32>
      %or3A_794 = arith.ori %shift_left3A_790, %shift_right_logical3A_793 : vector<16xi32>
      %xor3A_795 = arith.xori %add3A_787, %or3A_794 : vector<16xi32>
      %add3A_796 = arith.addi %add3A_787, %xor3A_795 : vector<16xi32>
      %shift_left3A_797 = arith.constant 24 : i32
      %shift_left3A_798 = vector.broadcast %shift_left3A_797 : i32 to vector<16xi32>
      %shift_left3A_799 = arith.shli %xor3A_795, %shift_left3A_798 : vector<16xi32>
      %shift_right_logical3A_800 = arith.constant 8 : i32
      %shift_right_logical3A_801 = vector.broadcast %shift_right_logical3A_800 : i32 to vector<16xi32>
      %shift_right_logical3A_802 = arith.shrui %xor3A_795, %shift_right_logical3A_801 : vector<16xi32>
      %or3A_803 = arith.ori %shift_left3A_799, %shift_right_logical3A_802 : vector<16xi32>
      %xor3A_804 = arith.xori %add3A_796, %or3A_803 : vector<16xi32>
      %add3A_805 = arith.constant 466689008 : i32
      %add3A_806 = vector.broadcast %add3A_805 : i32 to vector<16xi32>
      %add3A_807 = arith.addi %add3A_796, %add3A_806 : vector<16xi32>
      %add3A_808 = arith.constant 2 : i32
      %add3A_809 = vector.broadcast %add3A_808 : i32 to vector<16xi32>
      %add3A_810 = arith.addi %xor3A_804, %add3A_809 : vector<16xi32>
      %add3A_811 = arith.addi %add3A_807, %add3A_810 : vector<16xi32>
      %shift_left3A_812 = arith.constant 13 : i32
      %shift_left3A_813 = vector.broadcast %shift_left3A_812 : i32 to vector<16xi32>
      %shift_left3A_814 = arith.shli %add3A_810, %shift_left3A_813 : vector<16xi32>
      %shift_right_logical3A_815 = arith.constant 19 : i32
      %shift_right_logical3A_816 = vector.broadcast %shift_right_logical3A_815 : i32 to vector<16xi32>
      %shift_right_logical3A_817 = arith.shrui %add3A_810, %shift_right_logical3A_816 : vector<16xi32>
      %or3A_818 = arith.ori %shift_left3A_814, %shift_right_logical3A_817 : vector<16xi32>
      %xor3A_819 = arith.xori %add3A_811, %or3A_818 : vector<16xi32>
      %add3A_820 = arith.addi %add3A_811, %xor3A_819 : vector<16xi32>
      %shift_left3A_821 = arith.constant 15 : i32
      %shift_left3A_822 = vector.broadcast %shift_left3A_821 : i32 to vector<16xi32>
      %shift_left3A_823 = arith.shli %xor3A_819, %shift_left3A_822 : vector<16xi32>
      %shift_right_logical3A_824 = arith.constant 17 : i32
      %shift_right_logical3A_825 = vector.broadcast %shift_right_logical3A_824 : i32 to vector<16xi32>
      %shift_right_logical3A_826 = arith.shrui %xor3A_819, %shift_right_logical3A_825 : vector<16xi32>
      %or3A_827 = arith.ori %shift_left3A_823, %shift_right_logical3A_826 : vector<16xi32>
      %xor3A_828 = arith.xori %add3A_820, %or3A_827 : vector<16xi32>
      %add3A_829 = arith.addi %add3A_820, %xor3A_828 : vector<16xi32>
      %shift_left3A_830 = arith.constant 26 : i32
      %shift_left3A_831 = vector.broadcast %shift_left3A_830 : i32 to vector<16xi32>
      %shift_left3A_832 = arith.shli %xor3A_828, %shift_left3A_831 : vector<16xi32>
      %shift_right_logical3A_833 = arith.constant 6 : i32
      %shift_right_logical3A_834 = vector.broadcast %shift_right_logical3A_833 : i32 to vector<16xi32>
      %shift_right_logical3A_835 = arith.shrui %xor3A_828, %shift_right_logical3A_834 : vector<16xi32>
      %or3A_836 = arith.ori %shift_left3A_832, %shift_right_logical3A_835 : vector<16xi32>
      %xor3A_837 = arith.xori %add3A_829, %or3A_836 : vector<16xi32>
      %add3A_838 = arith.addi %add3A_829, %xor3A_837 : vector<16xi32>
      %shift_left3A_839 = arith.constant 6 : i32
      %shift_left3A_840 = vector.broadcast %shift_left3A_839 : i32 to vector<16xi32>
      %shift_left3A_841 = arith.shli %xor3A_837, %shift_left3A_840 : vector<16xi32>
      %shift_right_logical3A_842 = arith.constant 26 : i32
      %shift_right_logical3A_843 = vector.broadcast %shift_right_logical3A_842 : i32 to vector<16xi32>
      %shift_right_logical3A_844 = arith.shrui %xor3A_837, %shift_right_logical3A_843 : vector<16xi32>
      %or3A_845 = arith.ori %shift_left3A_841, %shift_right_logical3A_844 : vector<16xi32>
      %xor3A_846 = arith.xori %add3A_838, %or3A_845 : vector<16xi32>
      %add3A_847 = arith.constant 0 : i32
      %add3A_848 = vector.broadcast %add3A_847 : i32 to vector<16xi32>
      %add3A_849 = arith.addi %add3A_838, %add3A_848 : vector<16xi32>
      %add3A_850 = arith.constant 45 : i32
      %add3A_851 = vector.broadcast %add3A_850 : i32 to vector<16xi32>
      %add3A_852 = arith.addi %xor3A_846, %add3A_851 : vector<16xi32>
      %add3A_853 = arith.addi %add3A_849, %add3A_852 : vector<16xi32>
      %shift_left3A_854 = arith.constant 17 : i32
      %shift_left3A_855 = vector.broadcast %shift_left3A_854 : i32 to vector<16xi32>
      %shift_left3A_856 = arith.shli %add3A_852, %shift_left3A_855 : vector<16xi32>
      %shift_right_logical3A_857 = arith.constant 15 : i32
      %shift_right_logical3A_858 = vector.broadcast %shift_right_logical3A_857 : i32 to vector<16xi32>
      %shift_right_logical3A_859 = arith.shrui %add3A_852, %shift_right_logical3A_858 : vector<16xi32>
      %or3A_860 = arith.ori %shift_left3A_856, %shift_right_logical3A_859 : vector<16xi32>
      %xor3A_861 = arith.xori %add3A_853, %or3A_860 : vector<16xi32>
      %add3A_862 = arith.addi %add3A_853, %xor3A_861 : vector<16xi32>
      %shift_left3A_863 = arith.constant 29 : i32
      %shift_left3A_864 = vector.broadcast %shift_left3A_863 : i32 to vector<16xi32>
      %shift_left3A_865 = arith.shli %xor3A_861, %shift_left3A_864 : vector<16xi32>
      %shift_right_logical3A_866 = arith.constant 3 : i32
      %shift_right_logical3A_867 = vector.broadcast %shift_right_logical3A_866 : i32 to vector<16xi32>
      %shift_right_logical3A_868 = arith.shrui %xor3A_861, %shift_right_logical3A_867 : vector<16xi32>
      %or3A_869 = arith.ori %shift_left3A_865, %shift_right_logical3A_868 : vector<16xi32>
      %xor3A_870 = arith.xori %add3A_862, %or3A_869 : vector<16xi32>
      %add3A_871 = arith.addi %add3A_862, %xor3A_870 : vector<16xi32>
      %shift_left3A_872 = arith.constant 16 : i32
      %shift_left3A_873 = vector.broadcast %shift_left3A_872 : i32 to vector<16xi32>
      %shift_left3A_874 = arith.shli %xor3A_870, %shift_left3A_873 : vector<16xi32>
      %shift_right_logical3A_875 = arith.constant 16 : i32
      %shift_right_logical3A_876 = vector.broadcast %shift_right_logical3A_875 : i32 to vector<16xi32>
      %shift_right_logical3A_877 = arith.shrui %xor3A_870, %shift_right_logical3A_876 : vector<16xi32>
      %or3A_878 = arith.ori %shift_left3A_874, %shift_right_logical3A_877 : vector<16xi32>
      %xor3A_879 = arith.xori %add3A_871, %or3A_878 : vector<16xi32>
      %add3A_880 = arith.addi %add3A_871, %xor3A_879 : vector<16xi32>
      %shift_left3A_881 = arith.constant 24 : i32
      %shift_left3A_882 = vector.broadcast %shift_left3A_881 : i32 to vector<16xi32>
      %shift_left3A_883 = arith.shli %xor3A_879, %shift_left3A_882 : vector<16xi32>
      %shift_right_logical3A_884 = arith.constant 8 : i32
      %shift_right_logical3A_885 = vector.broadcast %shift_right_logical3A_884 : i32 to vector<16xi32>
      %shift_right_logical3A_886 = arith.shrui %xor3A_879, %shift_right_logical3A_885 : vector<16xi32>
      %or3A_887 = arith.ori %shift_left3A_883, %shift_right_logical3A_886 : vector<16xi32>
      %xor3A_888 = arith.xori %add3A_880, %or3A_887 : vector<16xi32>
      %add3A_889 = arith.constant 42 : i32
      %add3A_890 = vector.broadcast %add3A_889 : i32 to vector<16xi32>
      %add3A_891 = arith.addi %add3A_880, %add3A_890 : vector<16xi32>
      %add3A_892 = arith.constant 466689012 : i32
      %add3A_893 = vector.broadcast %add3A_892 : i32 to vector<16xi32>
      %add3A_894 = arith.addi %xor3A_888, %add3A_893 : vector<16xi32>
      %add3A_895 = arith.addi %add3A_891, %add3A_894 : vector<16xi32>
      %shift_left3A_896 = arith.constant 13 : i32
      %shift_left3A_897 = vector.broadcast %shift_left3A_896 : i32 to vector<16xi32>
      %shift_left3A_898 = arith.shli %add3A_894, %shift_left3A_897 : vector<16xi32>
      %shift_right_logical3A_899 = arith.constant 19 : i32
      %shift_right_logical3A_900 = vector.broadcast %shift_right_logical3A_899 : i32 to vector<16xi32>
      %shift_right_logical3A_901 = arith.shrui %add3A_894, %shift_right_logical3A_900 : vector<16xi32>
      %or3A_902 = arith.ori %shift_left3A_898, %shift_right_logical3A_901 : vector<16xi32>
      %xor3A_903 = arith.xori %add3A_895, %or3A_902 : vector<16xi32>
      %add3A_904 = arith.addi %add3A_895, %xor3A_903 : vector<16xi32>
      %shift_left3A_905 = arith.constant 15 : i32
      %shift_left3A_906 = vector.broadcast %shift_left3A_905 : i32 to vector<16xi32>
      %shift_left3A_907 = arith.shli %xor3A_903, %shift_left3A_906 : vector<16xi32>
      %shift_right_logical3A_908 = arith.constant 17 : i32
      %shift_right_logical3A_909 = vector.broadcast %shift_right_logical3A_908 : i32 to vector<16xi32>
      %shift_right_logical3A_910 = arith.shrui %xor3A_903, %shift_right_logical3A_909 : vector<16xi32>
      %or3A_911 = arith.ori %shift_left3A_907, %shift_right_logical3A_910 : vector<16xi32>
      %xor3A_912 = arith.xori %add3A_904, %or3A_911 : vector<16xi32>
      %add3A_913 = arith.addi %add3A_904, %xor3A_912 : vector<16xi32>
      %shift_left3A_914 = arith.constant 26 : i32
      %shift_left3A_915 = vector.broadcast %shift_left3A_914 : i32 to vector<16xi32>
      %shift_left3A_916 = arith.shli %xor3A_912, %shift_left3A_915 : vector<16xi32>
      %shift_right_logical3A_917 = arith.constant 6 : i32
      %shift_right_logical3A_918 = vector.broadcast %shift_right_logical3A_917 : i32 to vector<16xi32>
      %shift_right_logical3A_919 = arith.shrui %xor3A_912, %shift_right_logical3A_918 : vector<16xi32>
      %or3A_920 = arith.ori %shift_left3A_916, %shift_right_logical3A_919 : vector<16xi32>
      %xor3A_921 = arith.xori %add3A_913, %or3A_920 : vector<16xi32>
      %add3A_922 = arith.addi %add3A_913, %xor3A_921 : vector<16xi32>
      %shift_left3A_923 = arith.constant 6 : i32
      %shift_left3A_924 = vector.broadcast %shift_left3A_923 : i32 to vector<16xi32>
      %shift_left3A_925 = arith.shli %xor3A_921, %shift_left3A_924 : vector<16xi32>
      %shift_right_logical3A_926 = arith.constant 26 : i32
      %shift_right_logical3A_927 = vector.broadcast %shift_right_logical3A_926 : i32 to vector<16xi32>
      %shift_right_logical3A_928 = arith.shrui %xor3A_921, %shift_right_logical3A_927 : vector<16xi32>
      %or3A_929 = arith.ori %shift_left3A_925, %shift_right_logical3A_928 : vector<16xi32>
      %xor3A_930 = arith.xori %add3A_922, %or3A_929 : vector<16xi32>
      %add3A_931 = arith.constant 466689008 : i32
      %add3A_932 = vector.broadcast %add3A_931 : i32 to vector<16xi32>
      %add3A_933 = arith.addi %add3A_922, %add3A_932 : vector<16xi32>
      %lt3A_934 = arith.constant -2147483648 : i32
      %lt3A_935 = vector.broadcast %lt3A_934 : i32 to vector<16xi32>
      %lt3A_936 = arith.cmpi ult, %add3A_933, %lt3A_935 : vector<16xi32>
      %select_n3A_937 = arith.select %lt3A_936, %get3A_5, %get3A_8 : vector<16xi1>, vector<16xf32>
      %mul3A_938 = arith.mulf %get3A_718, %select_n3A_937 : vector<16xf32>
      %swap3A_939 = arith.index_cast %add3A_715 : i32 to index
      %swap3A_940 = tpu.vector_load %arg5[%swap3A_939] {strides = array<i32>} : memref<83904xf32, #tpu.memory_space<vmem>>, vector<16xf32>,
      %swap3A_941 = vector.shape_cast %swap3A_940 : vector<16xf32> to vector<16xf32>
      %swap3A_942 = vector.shape_cast %mul3A_938 : vector<16xf32> to vector<16xf32>
      tpu.vector_store %arg5[%swap3A_939], %swap3A_942 {strides = array<i32>} : memref<83904xf32, #tpu.memory_space<vmem>>, vector<16xf32>,
    }
    %not3A_24 = arith.constant true
    %not3A_25 = arith.xori %eq3A_3, %not3A_24 : i1
    %convert_element_type3A_26 = arith.extui %not3A_25 : i1 to i32
    %cond3A_27 = arith.constant 0 : i32
    %cond3A_28 = arith.cmpi ne, %convert_element_type3A_26, %cond3A_27 : i32
    scf.if %cond3A_28 {
      "tpu.region"() ({
        %run_scoped3A = tpu.sem_alloc : memref<!tpu.dma_semaphore, #tpu.memory_space<semaphore_mem>>
        %dma_start3A = arith.constant 0 : i32
        %dma_start3A_32 = tpu.memref_slice %arg5[%dma_start3A] : memref<83904xf32, #tpu.memory_space<vmem>> -> memref<83904xf32, #tpu.memory_space<vmem>>
        %dma_start3A_33 = tpu.memref_slice %arg4[%mul3A_2] : memref<2684354xf32, #tpu.memory_space<hbm>> -> memref<83904xf32, #tpu.memory_space<hbm>>
        %dma_start3A_34 = tpu.memref_slice %arg4[%mul3A_2] : memref<2684354xf32, #tpu.memory_space<hbm>> -> memref<83904xf32, #tpu.memory_space<hbm>>
        %dma_start3A_35 = arith.constant 0 : i32
        %dma_start3A_36 = tpu.memref_slice %arg5[%dma_start3A_35] : memref<83904xf32, #tpu.memory_space<vmem>> -> memref<83904xf32, #tpu.memory_space<vmem>>
        tpu.enqueue_dma source(%dma_start3A_36 : memref<83904xf32, #tpu.memory_space<vmem>>) target(%dma_start3A_34 : memref<83904xf32, #tpu.memory_space<hbm>>) target_semaphore(%run_scoped3A : memref<!tpu.dma_semaphore, #tpu.memory_space<semaphore_mem>>)
        %dma_wait3A = arith.constant 0 : i32
        %dma_wait3A_37 = tpu.memref_slice %arg5[%dma_wait3A] : memref<83904xf32, #tpu.memory_space<vmem>> -> memref<83904xf32, #tpu.memory_space<vmem>>
        %dma_wait3A_38 = tpu.memref_slice %arg4[%mul3A_2] : memref<2684354xf32, #tpu.memory_space<hbm>> -> memref<83904xf32, #tpu.memory_space<hbm>>
        %dma_wait3A_39 = tpu.memref_slice %arg4[%mul3A_2] : memref<2684354xf32, #tpu.memory_space<hbm>> -> memref<83904xf32, #tpu.memory_space<hbm>>
        %dma_wait3A_40 = arith.constant 0 : i32
        %dma_wait3A_41 = tpu.memref_slice %arg5[%dma_wait3A_40] : memref<83904xf32, #tpu.memory_space<vmem>> -> memref<83904xf32, #tpu.memory_space<vmem>>
        tpu.wait_dma2 semaphore(%run_scoped3A : memref<!tpu.dma_semaphore, #tpu.memory_space<semaphore_mem>>) src(%dma_wait3A_41 : memref<83904xf32, #tpu.memory_space<vmem>>) dst(%dma_wait3A_39 : memref<83904xf32, #tpu.memory_space<hbm>>)
        tpu.yield
      }) : () -> ()
    } else {
    }
    %convert_element_type3A_29 = arith.extui %eq3A_3 : i1 to i32
    %cond3A_30 = arith.constant 0 : i32
    %cond3A_31 = arith.cmpi ne, %convert_element_type3A_29, %cond3A_30 : i32
    scf.if %cond3A_31 {
      "tpu.region"() ({
        %run_scoped3A = tpu.sem_alloc : memref<!tpu.dma_semaphore, #tpu.memory_space<semaphore_mem>>
        %dma_start3A = arith.constant 0 : i32
        %dma_start3A_32 = tpu.memref_slice %arg5[%dma_start3A] : memref<83904xf32, #tpu.memory_space<vmem>> -> memref<83330xf32, #tpu.memory_space<vmem>>
        %dma_start3A_33 = tpu.memref_slice %arg4[%mul3A_2] : memref<2684354xf32, #tpu.memory_space<hbm>> -> memref<83330xf32, #tpu.memory_space<hbm>>
        %dma_start3A_34 = tpu.memref_slice %arg4[%mul3A_2] : memref<2684354xf32, #tpu.memory_space<hbm>> -> memref<83330xf32, #tpu.memory_space<hbm>>
        %dma_start3A_35 = arith.constant 0 : i32
        %dma_start3A_36 = tpu.memref_slice %arg5[%dma_start3A_35] : memref<83904xf32, #tpu.memory_space<vmem>> -> memref<83330xf32, #tpu.memory_space<vmem>>
        tpu.enqueue_dma source(%dma_start3A_36 : memref<83330xf32, #tpu.memory_space<vmem>>) target(%dma_start3A_34 : memref<83330xf32, #tpu.memory_space<hbm>>) target_semaphore(%run_scoped3A : memref<!tpu.dma_semaphore, #tpu.memory_space<semaphore_mem>>)
        %dma_wait3A = arith.constant 0 : i32
        %dma_wait3A_37 = tpu.memref_slice %arg5[%dma_wait3A] : memref<83904xf32, #tpu.memory_space<vmem>> -> memref<83330xf32, #tpu.memory_space<vmem>>
        %dma_wait3A_38 = tpu.memref_slice %arg4[%mul3A_2] : memref<2684354xf32, #tpu.memory_space<hbm>> -> memref<83330xf32, #tpu.memory_space<hbm>>
        %dma_wait3A_39 = tpu.memref_slice %arg4[%mul3A_2] : memref<2684354xf32, #tpu.memory_space<hbm>> -> memref<83330xf32, #tpu.memory_space<hbm>>
        %dma_wait3A_40 = arith.constant 0 : i32
        %dma_wait3A_41 = tpu.memref_slice %arg5[%dma_wait3A_40] : memref<83904xf32, #tpu.memory_space<vmem>> -> memref<83330xf32, #tpu.memory_space<vmem>>
        tpu.wait_dma2 semaphore(%run_scoped3A : memref<!tpu.dma_semaphore, #tpu.memory_space<semaphore_mem>>) src(%dma_wait3A_41 : memref<83330xf32, #tpu.memory_space<vmem>>) dst(%dma_wait3A_39 : memref<83330xf32, #tpu.memory_space<hbm>>)
        tpu.yield
      }) : () -> ()
    } else {
    }
    return
  }
}

</mosaic_0001>

<sc_bundles>
// kernel: kernel.3.cloned.1.call-start
scs
__scs_entry_jumppad:
0x0: {  	(pc) =	sbr.rel $0x88, $3  }
0x1: {  	(tag) =	ssettag $0x0;
	lr =	simm.s32 $0x1  }
0x2: {  	[smem:$0x3F9E] =	sst lr;
	_ =	strace $0xD0000000  }
0x3: {  	_ = 	snop  }
0x4: {  	_ = 	snop  }
0x5: {  	_ = 	snop  }
0x6: {  	_ = 	snop  }
0x7: {  	_ = 	snop  }
__scs_overlays_trampoline_lowered:
0x8: {  	[smem:$0x3FAD] =	sst s0  }
0x9: {  	[smem:$0x3FAE] =	sst s1  }
0xa: {  	[smem:$0x3FAF] =	sst s2  }
0xb: {  	[smem:$0x3FB0] =	sst s3  }
0xc: {  	[smem:$0x3FB1] =	sst s4  }
0xd: {  	[smem:$0x3FB2] =	sst s5  }
0xe: {  	[smem:$0x3FB3] =	sst s6  }
0xf: {  	[smem:$0x3FB4] =	sst s7  }
0x10: {  	[smem:$0x3FB5] =	sst s8  }
0x11: {  	[smem:$0x3FB6] =	sst s9;
	s0 =	simm.s32 @!p0 $0x0  }
0x12: {  	s1 =	sld [smem:$0x3F9C];
	s0 =	simm.s32 @p0 $0x1  }
0x13: {  	[smem:$0x3FB7] =	sst s0;
	s0 =	simm.s32 @!p1 $0x0  }
0x14: {  	s2 =	sld [smem:$0x3F9B];
	s0 =	simm.s32 @p1 $0x1  }
0x15: {  	[smem:$0x3FB8] =	sst s0;
	s0 =	simm.s32 @!p2 $0x0  }
0x16: {  	s3 =	sld [smem:$0x3FDB];
	s0 =	simm.s32 @p2 $0x1  }
0x17: {  	s4 =	simm.s32 $0x1BF5;
	[smem:$0x3FBA] =	sst s0  }
0x18: {  	s0 =	sld [smem:$0x3F9D];
	_ =	swait.ge [sflag:s4], $0x0  }
0x19: {  	s7 =	sld [smem:$0x3F9E]  }
0x1a: {  	s8 =	sadd.s32 $0xFFFFE003, lr  }
0x1b: {  	s9 =	sadd.s32 $0xFFFFFEF7, lr;
	s5 =	simm.s32 $0xFFFFFFFF;
	p2 =	slt.u32 s8, $0xFFFFF086  }
0x1c: {  	p1 =	slt.u32 s9, $0xF7A;
	s5 =	simm.s32 @!p2 $0x0  }
0x1d: {  	s5 =	simm.s32 @p1 $0x1;
	p0 =	seq.s32 s7, s2  }
0x1e: {  	s7 =	smul.u32 @!p0 $0xF7A, s2;
	p2 =	seq.s32 @!p0 s5, $0x0  }
0x1f: {  	s9 =	smul.u32 $0xF7A, s1;
	s8 =	simm.s32 @!p0 $0x1BF5;
	p2 =	por !p2, p0  }
0x20: {  	[sflag:s8] =	ssyncset.s32 @!p0 $0xFFFFF086;
	s6 =	sadd.s32 @!p0 s3, s7;
	s7 =	simm.s32 @!p0 $0x108  }
0x21: {  	s3 =	sadd.s32 s3, s9;
	s6 =	sadd.s32 @!p0 $0x88, s6;
	s7 =	simm.s32 @p2 $0x1082  }
0x22: {  	[simem:s7], [sflag:s8] =	dma.local @!p0 [hbm:s6], $0xF7A  }
0x23: {  	s9 =	sor.u32 $0xD0000000, s2;
	s6 =	simm.s32 $0x108;
	_ =	swait.ge @!p0 [sflag:s8], $0x0  }
0x24: {  	s3 =	sadd.s32 $0x88, s3;
	s6 =	simm.s32 @!p1 $0x1082;
	[sflag:s4] =	ssyncset.s32 $0xFFFFF086  }
0x25: {  	[simem:s6], [sflag:s4] =	dma.local [hbm:s3], $0xF7A  }
0x26: {  	[smem:$0x3F9E] =	sst s1;
	(tag) =	ssettag s2;
	_ =	strace s9  }
0x27: {  	s1 =	sld [smem:$0x3FAE]  }
0x28: {  	s2 =	sld [smem:$0x3FAF]  }
0x29: {  	s4 =	sld [smem:$0x3FB1]  }
0x2a: {  	p0 =	seq.s32 s5, $0x0;
	s5 =	sld [smem:$0x3FB2]  }
0x2b: {  	s6 =	sld [smem:$0x3FB3]  }
0x2c: {  	s7 =	sld [smem:$0x3FB4]  }
0x2d: {  	s3 =	simm.s32 $0x108;
	s8 =	sld [smem:$0x3FB5]  }
0x2e: {  	s3 =	simm.s32 @!p0 $0x1082;
	s9 =	sld [smem:$0x3FB6]  }
0x2f: {  	lr =	sadd.s32 s0, s3;
	s0 =	sld [smem:$0x3FAD]  }
0x30: {  	s3 =	sld [smem:$0x3FB0]  }
0x31: {  	[smem:$0x3FB9] =	sst s10  }
0x32: {  	s10 =	sld [smem:$0x3FB7];
	_ =	sdelay $0x3  }
0x33: {  	p0 =	seq.s32 s10, $0x1;
	s10 =	sld [smem:$0x3FB9];
	_ =	sdelay $0x3  }
0x34: {  	[smem:$0x3FB9] =	sst s10  }
0x35: {  	s10 =	sld [smem:$0x3FB8];
	_ =	sdelay $0x3  }
0x36: {  	p1 =	seq.s32 s10, $0x1;
	s10 =	sld [smem:$0x3FB9];
	_ =	sdelay $0x3  }
0x37: {  	[smem:$0x3FB9] =	sst s10  }
0x38: {  	s10 =	sld [smem:$0x3FBA]  }
0x39: {  	_ = 	snop;
	(pc) =	sbr.ind lr, $3  }
0x3a: {  	_ = 	snop  }
0x3b: {  	_ = 	snop  }
0x3c: {  	p2 =	seq.s32 s10, $0x1;
	s10 =	sld [smem:$0x3FB9]  }
0x3d: {  	_ =	shalt  }
0x3e: {  	_ =	shalt  }
0x3f: {  	_ =	shalt  }
0x40: {  	_ =	shalt  }
0x41: {  	_ =	shalt  }
0x42: {  	_ =	shalt  }
0x43: {  	_ =	shalt  }
0x44: {  	_ =	shalt  }
0x45: {  	_ =	shalt  }
0x46: {  	_ =	shalt  }
0x47: {  	_ =	shalt  }
0x48: {  	_ =	shalt  }
0x49: {  	_ =	shalt  }
0x4a: {  	_ =	shalt  }
0x4b: {  	_ =	shalt  }
0x4c: {  	_ =	shalt  }
0x4d: {  	_ =	shalt  }
0x4e: {  	_ =	shalt  }
0x4f: {  	_ =	shalt  }
0x50: {  	_ =	shalt  }
0x51: {  	_ =	shalt  }
0x52: {  	_ =	shalt  }
0x53: {  	_ =	shalt  }
0x54: {  	_ =	shalt  }
0x55: {  	_ =	shalt  }
0x56: {  	_ =	shalt  }
0x57: {  	_ =	shalt  }
0x58: {  	_ =	shalt  }
0x59: {  	_ =	shalt  }
0x5a: {  	_ =	shalt  }
0x5b: {  	_ =	shalt  }
0x5c: {  	_ =	shalt  }
0x5d: {  	_ =	shalt  }
0x5e: {  	_ =	shalt  }
0x5f: {  	_ =	shalt  }
0x60: {  	_ =	shalt  }
0x61: {  	_ =	shalt  }
0x62: {  	_ =	shalt  }
0x63: {  	_ =	shalt  }
0x64: {  	_ =	shalt  }
0x65: {  	_ =	shalt  }
0x66: {  	_ =	shalt  }
0x67: {  	_ =	shalt  }
0x68: {  	_ =	shalt  }
0x69: {  	_ =	shalt  }
0x6a: {  	_ =	shalt  }
0x6b: {  	_ =	shalt  }
0x6c: {  	_ =	shalt  }
0x6d: {  	_ =	shalt  }
0x6e: {  	_ =	shalt  }
0x6f: {  	_ =	shalt  }
0x70: {  	_ =	shalt  }
0x71: {  	_ =	shalt  }
0x72: {  	_ =	shalt  }
0x73: {  	_ =	shalt  }
0x74: {  	_ =	shalt  }
0x75: {  	_ =	shalt  }
0x76: {  	_ =	shalt  }
0x77: {  	_ =	shalt  }
0x78: {  	_ =	shalt  }
0x79: {  	_ =	shalt  }
0x7a: {  	_ =	shalt  }
0x7b: {  	_ =	shalt  }
0x7c: {  	_ =	shalt  }
0x7d: {  	_ =	shalt  }
0x7e: {  	_ =	shalt  }
0x7f: {  	_ =	shalt  }
0x80: {  	_ =	shalt  }
0x81: {  	_ =	shalt  }
0x82: {  	_ =	shalt  }
0x83: {  	_ =	shalt  }
0x84: {  	_ =	shalt  }
0x85: {  	_ =	shalt  }
0x86: {  	_ =	shalt  }
0x87: {  	_ =	shalt  }
.Lfunc_end0:
.L_simem_size_0:
called_computation_lowered:
.L_overlay_start_0:
0x88: {  	s2 =	sld [smem:$0x3FD9]  }
0x89: {  	s3 =	sld [smem:$0x3FFE];
	_ =	sdelay $0x1  }
0x8a: {  	s1 =	srdreg.scid  }
0x8b: {  	s0 =	sand.u32 $0x1, s1  }
0x8c: {  	s14 =	sshll.u32 s0, $0xA;
	s2 =	sadd.s32 s3, s2  }
0x8d: {  	s2 =	sadd.s32 s2, s14  }
0x8e: {  	[smem:$0x3FC5] =	sst s2  }
0x8f: {  	_ = 	snop  }
0x90: {  	s2 =	sld [smem:$0x3FD0];
	_ =	sdelay $0x2  }
0x91: {  	s4 =	simm.s32 $0xA;
	s5 =	simm.s32 $0x10;
	s15 =	sld [smem:$0x3FC8]  }
0x92: {  	[smem:s5], [sflag:s4] =	dma.local [hbm:s2], $0x1  }
0x93: {  	_ =	swait.eq [sflag:s4], $0x1  }
0x94: {  	[sflag:s4] =	ssyncset.done $0x0  }
0x95: {  	[sflag:s4] =	ssyncadd.s32 $0xFFFFFFFF  }
0x96: {  	s16 =	sld [smem:$0x11];
	(tm) =	ssettm $0x1  }
0x97: {  	s17 =	sld [smem:$0x3FFB];
	_ =	sdelay $0x3  }
0x98: {  	_ =	strace s17  }
0x99: {  	s4 =	sld [smem:$0x3FFC];
	_ =	sdelay $0x3  }
0x9a: {  	_ =	strace s4  }
0x9b: {  	s4 =	sld [smem:$0x3FFD];
	_ =	sdelay $0x3  }
0x9c: {  	_ =	strace s4  }
0x9d: {  	_ =	strace $0x8FFFFFFF  }
0x9e: {  	s18 =	sld [smem:$0x3FDB];
	_ =	sdelay $0x1  }
0x9f: {  	s19 =	simm.s32 $_scs_section_size  }
0xa0: {  	s6 =	simm.s32 $_size__tile_overlayer_lowered;
	s7 =	simm.s32 $_tile_overlayer_lowered  }
0xa1: {  	s22 =	simm.s32 $0x1BFF;
	s21 =	sshll.u32 s7, $0x1;
	s4 =	sadd.s32 s19, s18  }
0xa2: {  	s8 =	simm.s32 $0x0;
	s20 =	sshll.u32 s6, $0x1;
	s6 =	sadd.s32 s21, s4  }
0xa3: {  	[timem:s8], [sflag:s22] =	dma.local [hbm:s6], s20  }
0xa4: {  	_ =	swait.ge [sflag:s22], s20  }
0xa5: {  	s5 =	ssub.s32 $0x0, s20;
	[sflag:s22] =	ssyncset.done $0x0  }
0xa6: {  	[sflag:s22] =	ssyncadd.s32 s5;
	_ =	sdelay $0x1  }
0xa7: {  	s23 =	simm.s32 $0x1B8B  }
0xa8: {  	_ =	swait.ge [sflag:s23], $0x1  }
0xa9: {  	[sflag:s23] =	ssyncset.done $0x0  }
0xaa: {  	s25 =	simm.s32 $0x1B8E;
	s24 =	sld [smem:$0x3FFE];
	[sflag:s23] =	ssyncadd.s32 $0xFFFFFFFF  }
0xab: {  	s26 =	simm.s32 $execute0_lowered;
	[smem:$0x3FD2] =	sst s25  }
0xac: {  	s6 =	sshll.u32 s26, $0x1;
	_ =	strace $0x80000046;
	[dreg:$0x1] =	wrdreg $0xFFFFFFFF  }
0xad: {  	s28 =	simm.s32 $_size_execute0_lowered;
	s4 =	sadd.s32 s4, s6;
	[dreg:$0x0] =	wrdreg $0x0  }
0xae: {  	s6 =	sshll.u32 s28, $0x1;
	[dreg:$0x2] =	wrdreg s4  }
0xaf: {  	[dreg:$0x3] =	wrdreg s6  }
0xb0: {  	[dreg:$0x4] =	wrdreg $0xC0  }
0xb1: {  	_ =	task [dreg:s8], $0x5FFFF  }
0xb2: {  	[dreg:$0x1] =	wrdreg $0xFFFFFFFF  }
0xb3: {  	[dreg:$0x0] =	wrdreg $0x60  }
0xb4: {  	[dreg:$0x2] =	wrdreg s15  }
0xb5: {  	[dreg:$0x3] =	wrdreg s24  }
0xb6: {  	[dreg:$0x4] =	wrdreg s16  }
0xb7: {  	[dreg:$0x5] =	wrdreg $0x9  }
0xb8: {  	_ =	task.clear_ibuf [dreg:s8], $0x6FFFF;
	_ =	strace $0x90000046  }
0xb9: {  	s29 =	simm.s32 $0x9;
	_ =	strace $0x80000048  }
0xba: {  	_ =	swait.ge [sflag:s29], $0x1  }
0xbb: {  	[sflag:s29] =	ssyncadd.s32 $0xFFFFFFFF  }
0xbc: {  	_ =	strace $0x90000048  }
0xbd: {  	_ =	sfence  }
0xbe: {  	s30 =	sld [smem:$0x0];
	_ =	sdelay $0x2  }
0xbf: {  	s31 =	sshll.u32 s1, $0xD;
	s1 =	sshrl.u32 s1, $0x2  }
0xc0: {  	s3 =	sand.u32 $0x4000, s31;
	s1 =	sadd.s32 s1, s30  }
0xc1: {  	s0 =	sor.u32 s3, s0;
	s1 =	sshll.u32 s1, $0x11  }
0xc2: {  	s0 =	sor.u32 s1, s0  }
0xc3: {  	s0 =	sadd.s32 $0x8F2B, s0  }
0xc4: {  	[sflag:s0] =	ssyncadd.remote.s32 $0x1  }
0xc5: {  	_ =	sfence.sel $0xFFFF  }
0xc6: {  	[dreg:$0x0] =	wrdreg $0xFFFFFFFF;
	(pc) =	sbr.abs _section_cstart, $3  }
0xc7: {  	[dreg:$0x1] =	wrdreg $0xFFFFFFFF  }
0xc8: {  	_ =	task.clear_ibuf [dreg:s8], $0x2FFFF;
	_ =	strace $0x9FFFFFFF  }
0xc9: {  	(tm) =	ssettm $0x7FFFFFFF  }
tec
execute0_lowered:
.L_overlay_start_1:
0x0: {  	(tag) =	ssettag $0x1  }
0x1: {  	s5 =	rddreg [dreg:$0x0]  }
0x2: {  	s3 =	rddreg [dreg:$0x1];
	s1 =	srdreg.scid  }
0x3: {  	s0 =	stileid.u32;
	s7 =	rddreg [dreg:$0x2];
	s2 =	simm.s32 $0x0  }
0x4: {  	s6 =	sand.u32 $0x1, s1;
	s4 =	sshll.u32 s0, $0x1;
	s1 =	rddreg [dreg:$0x3]  }
0x5: {  	[smem:$0x7FF] =	sst s2;
	s3 =	sadd.s32 $0x400, s3;
	s12 =	smul.u32 $0x28F80, s0  }
0x6: {  	s10 =	sor.u32 s6, s4;
	s8 =	ssub.s32 $0x2, s6;
	s31 =	smul.u32 $0x147C0, s6  }
0x7: {  	_ =	strace $0x80000047;
	s4 =	smul.u32 $0x147C0, s10;
	s9 =	sshrl.u32 s8, $0x1  }
0x8: {  	p0 =	seq.s32 s10, $0x1F;
	s10 =	simm.s32 $0x14800;
	s8 =	ssub.s32 s8, s9  }
0x9: {  	s9 =	sadd.s32 s31, s12;
	s12 =	simm.s32 $0x0;
	s11 =	sshrl.u32 s4, $0x3  }
0xa: {  	v0 =	vlaneseq.u32;
	s8 =	smax.u32 s8, $0x1;
	s4 =	sadd.s32 s5, s11;
	s5 =	sadd.s32 $0x4F608, s5  }
0xb: {  	v0 =	vadd.s32 $0x2A, v0;
	s6 =	sadd.s32 s7, s11;
	s7 =	sadd.s32 $0x4F608, s7;
	s11 =	simm.s32 $0x1  }
.LBB2_1:
0xc: {  	s13 =	sadd.s32 $0x0, s9  }
0xd: {  	v1 =	vmov s13;
	v2 =	vor.u32 s13, v0;
	s14 =	sadd.s32 $0x10, s13  }
0xe: {  	s26 =	sadd.s32 $0x20, s13;
	s13 =	sadd.s32 $0x30, s13;
	v3 =	vshrl.u32 v1, $0x13;
	v4 =	vshll.u32 v2, $0xD;
	v1 =	vadd.s32 s14, v0  }
0xf: {  	v5 =	vadd.s32 s13, v0;
	v3 =	vor.u32 v3, v4;
	v4 =	vadd.s32 s26, v0  }
0x10: {  	v8 =	vshrl.u32 v5, $0x13;
	v6 =	vshrl.u32 v4, $0x13;
	v7 =	vshll.u32 v4, $0xD  }
0x11: {  	v10 =	vshll.u32 v1, $0xD;
	v3 =	vxor.u32 v2, v3;
	v6 =	vor.u32 v6, v7  }
0x12: {  	v7 =	vshll.u32 v5, $0xD;
	v2 =	vadd.s32 v2, v3;
	v9 =	vshrl.u32 v3, $0x11  }
0x13: {  	v3 =	vshll.u32 v3, $0xF;
	v7 =	vor.u32 v8, v7;
	v6 =	vxor.u32 v4, v6  }
0x14: {  	v3 =	vor.u32 v9, v3;
	v7 =	vxor.u32 v5, v7;
	v4 =	vadd.s32 v4, v6  }
0x15: {  	v8 =	vshrl.u32 v6, $0x11;
	v6 =	vshll.u32 v6, $0xF;
	v3 =	vxor.u32 v3, v2  }
0x16: {  	v5 =	vadd.s32 v5, v7;
	v9 =	vshrl.u32 v7, $0x11;
	v6 =	vor.u32 v8, v6  }
0x17: {  	v7 =	vshll.u32 v7, $0xF;
	v2 =	vadd.s32 v2, v3;
	v8 =	vshrl.u32 v3, $0x6  }
0x18: {  	v3 =	vshll.u32 v3, $0x1A;
	v7 =	vor.u32 v9, v7;
	v6 =	vxor.u32 v6, v4  }
0x19: {  	v3 =	vor.u32 v8, v3;
	v7 =	vxor.u32 v7, v5;
	v4 =	vadd.s32 v4, v6  }
0x1a: {  	v8 =	vshrl.u32 v6, $0x6;
	v6 =	vshll.u32 v6, $0x1A;
	v3 =	vxor.u32 v3, v2  }
0x1b: {  	v5 =	vadd.s32 v5, v7;
	v9 =	vshrl.u32 v7, $0x6;
	v6 =	vor.u32 v8, v6  }
0x1c: {  	v7 =	vshll.u32 v7, $0x1A;
	v2 =	vadd.s32 v2, v3;
	v8 =	vshrl.u32 v3, $0x1A  }
0x1d: {  	v3 =	vshll.u32 v3, $0x6;
	v7 =	vor.u32 v9, v7;
	v6 =	vxor.u32 v6, v4  }
0x1e: {  	v3 =	vor.u32 v8, v3;
	v7 =	vxor.u32 v7, v5;
	v4 =	vadd.s32 v4, v6  }
0x1f: {  	v8 =	vshrl.u32 v6, $0x1A;
	v6 =	vshll.u32 v6, $0x6;
	v3 =	vxor.u32 v3, v2  }
0x20: {  	v5 =	vadd.s32 v5, v7;
	v9 =	vshrl.u32 v7, $0x1A;
	v6 =	vor.u32 v8, v6  }
0x21: {  	v7 =	vshll.u32 v7, $0x6;
	v3 =	vadd.s32 $0x1BD11BF1, v3;
	v6 =	vxor.u32 v6, v4  }
0x22: {  	v7 =	vor.u32 v9, v7;
	v2 =	vadd.s32 v3, v2;
	v8 =	vshrl.u32 v3, $0xF  }
0x23: {  	v3 =	vshll.u32 v3, $0x11;
	v7 =	vxor.u32 v7, v5;
	v6 =	vadd.s32 $0x1BD11BF1, v6  }
0x24: {  	v2 =	vadd.s32 $0x2A, v2;
	v3 =	vor.u32 v8, v3;
	v7 =	vadd.s32 $0x1BD11BF1, v7  }
0x25: {  	v4 =	vadd.s32 v6, v4;
	v8 =	vshrl.u32 v6, $0xF;
	v6 =	vshll.u32 v6, $0x11  }
0x26: {  	v3 =	vxor.u32 v3, v2;
	v5 =	vadd.s32 v7, v5;
	v9 =	vshrl.u32 v7, $0xF  }
0x27: {  	v7 =	vshll.u32 v7, $0x11;
	v4 =	vadd.s32 $0x2A, v4;
	v6 =	vor.u32 v8, v6  }
0x28: {  	v2 =	vadd.s32 v2, v3;
	v8 =	vshrl.u32 v3, $0x3;
	v3 =	vshll.u32 v3, $0x1D  }
0x29: {  	v5 =	vadd.s32 $0x2A, v5;
	v7 =	vor.u32 v9, v7;
	v6 =	vxor.u32 v6, v4  }
0x2a: {  	v3 =	vor.u32 v8, v3;
	v7 =	vxor.u32 v7, v5;
	v4 =	vadd.s32 v4, v6  }
0x2b: {  	v8 =	vshrl.u32 v6, $0x3;
	v6 =	vshll.u32 v6, $0x1D;
	v3 =	vxor.u32 v3, v2  }
0x2c: {  	v5 =	vadd.s32 v5, v7;
	v9 =	vshrl.u32 v7, $0x3;
	v6 =	vor.u32 v8, v6  }
0x2d: {  	v7 =	vshll.u32 v7, $0x1D;
	v2 =	vadd.s32 v2, v3;
	v8 =	vshrl.u32 v3, $0x10  }
0x2e: {  	v3 =	vshll.u32 v3, $0x10;
	v7 =	vor.u32 v9, v7;
	v6 =	vxor.u32 v6, v4  }
0x2f: {  	v3 =	vor.u32 v8, v3;
	v7 =	vxor.u32 v7, v5;
	v4 =	vadd.s32 v4, v6  }
0x30: {  	v8 =	vshrl.u32 v6, $0x10;
	v6 =	vshll.u32 v6, $0x10;
	v3 =	vxor.u32 v3, v2  }
0x31: {  	v5 =	vadd.s32 v5, v7;
	v9 =	vshrl.u32 v7, $0x10;
	v6 =	vor.u32 v8, v6  }
0x32: {  	v7 =	vshll.u32 v7, $0x10;
	v2 =	vadd.s32 v2, v3;
	v8 =	vshrl.u32 v3, $0x8  }
0x33: {  	v3 =	vshll.u32 v3, $0x18;
	v7 =	vor.u32 v9, v7;
	v6 =	vxor.u32 v6, v4  }
0x34: {  	v3 =	vor.u32 v8, v3;
	v7 =	vxor.u32 v7, v5;
	v4 =	vadd.s32 v4, v6  }
0x35: {  	v8 =	vshrl.u32 v6, $0x8;
	v6 =	vshll.u32 v6, $0x18;
	v3 =	vxor.u32 v3, v2  }
0x36: {  	v5 =	vadd.s32 v5, v7;
	v9 =	vshrl.u32 v7, $0x8;
	v6 =	vor.u32 v8, v6  }
0x37: {  	v7 =	vshll.u32 v7, $0x18;
	v3 =	vadd.s32 $0x2, v3;
	v6 =	vxor.u32 v6, v4  }
0x38: {  	v7 =	vor.u32 v9, v7;
	v2 =	vadd.s32 v3, v2;
	v8 =	vshrl.u32 v3, $0x13  }
0x39: {  	v3 =	vshll.u32 v3, $0xD;
	v7 =	vxor.u32 v7, v5;
	v6 =	vadd.s32 $0x2, v6  }
0x3a: {  	v2 =	vadd.s32 $0x1BD11BF0, v2;
	v3 =	vor.u32 v8, v3;
	v7 =	vadd.s32 $0x2, v7  }
0x3b: {  	v4 =	vadd.s32 v6, v4;
	v8 =	vshrl.u32 v6, $0x13;
	v6 =	vshll.u32 v6, $0xD  }
0x3c: {  	v3 =	vxor.u32 v3, v2;
	v5 =	vadd.s32 v7, v5;
	v9 =	vshrl.u32 v7, $0x13  }
0x3d: {  	v7 =	vshll.u32 v7, $0xD;
	v4 =	vadd.s32 $0x1BD11BF0, v4;
	v6 =	vor.u32 v8, v6  }
0x3e: {  	v2 =	vadd.s32 v2, v3;
	v8 =	vshrl.u32 v3, $0x11;
	v3 =	vshll.u32 v3, $0xF  }
0x3f: {  	v5 =	vadd.s32 $0x1BD11BF0, v5;
	v7 =	vor.u32 v9, v7;
	v6 =	vxor.u32 v6, v4  }
0x40: {  	v3 =	vor.u32 v8, v3;
	v7 =	vxor.u32 v7, v5;
	v4 =	vadd.s32 v4, v6  }
0x41: {  	v8 =	vshrl.u32 v6, $0x11;
	v6 =	vshll.u32 v6, $0xF;
	v3 =	vxor.u32 v3, v2  }
0x42: {  	v5 =	vadd.s32 v5, v7;
	v9 =	vshrl.u32 v7, $0x11;
	v6 =	vor.u32 v8, v6  }
0x43: {  	v7 =	vshll.u32 v7, $0xF;
	v2 =	vadd.s32 v2, v3;
	v8 =	vshrl.u32 v3, $0x6  }
0x44: {  	v3 =	vshll.u32 v3, $0x1A;
	v7 =	vor.u32 v9, v7;
	v6 =	vxor.u32 v6, v4  }
0x45: {  	v3 =	vor.u32 v8, v3;
	v7 =	vxor.u32 v7, v5;
	v4 =	vadd.s32 v4, v6  }
0x46: {  	v8 =	vshrl.u32 v6, $0x6;
	v6 =	vshll.u32 v6, $0x1A;
	v3 =	vxor.u32 v3, v2  }
0x47: {  	v5 =	vadd.s32 v5, v7;
	v9 =	vshrl.u32 v7, $0x6;
	v6 =	vor.u32 v8, v6  }
0x48: {  	v7 =	vshll.u32 v7, $0x1A;
	v2 =	vadd.s32 v2, v3;
	v8 =	vshrl.u32 v3, $0x1A  }
0x49: {  	v3 =	vshll.u32 v3, $0x6;
	v7 =	vor.u32 v9, v7;
	v6 =	vxor.u32 v6, v4  }
0x4a: {  	v3 =	vor.u32 v8, v3;
	v7 =	vxor.u32 v7, v5;
	v4 =	vadd.s32 v4, v6  }
0x4b: {  	v8 =	vshrl.u32 v6, $0x1A;
	v6 =	vshll.u32 v6, $0x6;
	v3 =	vxor.u32 v3, v2  }
0x4c: {  	v5 =	vadd.s32 v5, v7;
	v9 =	vshrl.u32 v7, $0x1A;
	v6 =	vor.u32 v8, v6  }
0x4d: {  	v7 =	vshll.u32 v7, $0x6;
	v3 =	vadd.s32 $0x2D, v3;
	v6 =	vxor.u32 v6, v4  }
0x4e: {  	v7 =	vor.u32 v9, v7;
	v2 =	vadd.s32 v2, v3;
	v8 =	vshrl.u32 v3, $0xF  }
0x4f: {  	v3 =	vshll.u32 v3, $0x11;
	v7 =	vxor.u32 v7, v5;
	v6 =	vadd.s32 $0x2D, v6  }
0x50: {  	v3 =	vor.u32 v8, v3;
	v7 =	vadd.s32 $0x2D, v7;
	v4 =	vadd.s32 v4, v6  }
0x51: {  	v8 =	vshrl.u32 v6, $0xF;
	v6 =	vshll.u32 v6, $0x11;
	v3 =	vxor.u32 v3, v2  }
0x52: {  	v5 =	vadd.s32 v5, v7;
	v9 =	vshrl.u32 v7, $0xF;
	v6 =	vor.u32 v8, v6  }
0x53: {  	v7 =	vshll.u32 v7, $0x11;
	v2 =	vadd.s32 v2, v3;
	v8 =	vshrl.u32 v3, $0x3  }
0x54: {  	v3 =	vshll.u32 v3, $0x1D;
	v7 =	vor.u32 v9, v7;
	v6 =	vxor.u32 v6, v4  }
0x55: {  	v3 =	vor.u32 v8, v3;
	v7 =	vxor.u32 v7, v5;
	v4 =	vadd.s32 v4, v6  }
0x56: {  	v8 =	vshrl.u32 v6, $0x3;
	v6 =	vshll.u32 v6, $0x1D;
	v3 =	vxor.u32 v3, v2  }
0x57: {  	v5 =	vadd.s32 v5, v7;
	v9 =	vshrl.u32 v7, $0x3;
	v6 =	vor.u32 v8, v6  }
0x58: {  	v7 =	vshll.u32 v7, $0x1D;
	v2 =	vadd.s32 v2, v3;
	v8 =	vshrl.u32 v3, $0x10  }
0x59: {  	v3 =	vshll.u32 v3, $0x10;
	v7 =	vor.u32 v9, v7;
	v6 =	vxor.u32 v6, v4  }
0x5a: {  	v3 =	vor.u32 v8, v3;
	v7 =	vxor.u32 v7, v5;
	v4 =	vadd.s32 v4, v6  }
0x5b: {  	v8 =	vshrl.u32 v6, $0x10;
	v6 =	vshll.u32 v6, $0x10;
	v3 =	vxor.u32 v3, v2  }
0x5c: {  	v5 =	vadd.s32 v5, v7;
	v9 =	vshrl.u32 v7, $0x10;
	v6 =	vor.u32 v8, v6  }
0x5d: {  	v7 =	vshll.u32 v7, $0x10;
	v2 =	vadd.s32 v2, v3;
	v8 =	vshrl.u32 v3, $0x8  }
0x5e: {  	v3 =	vshll.u32 v3, $0x18;
	v7 =	vor.u32 v9, v7;
	v6 =	vxor.u32 v6, v4  }
0x5f: {  	v3 =	vor.u32 v8, v3;
	v7 =	vxor.u32 v7, v5;
	v4 =	vadd.s32 v4, v6  }
0x60: {  	v8 =	vshrl.u32 v6, $0x8;
	v6 =	vshll.u32 v6, $0x18;
	v3 =	vxor.u32 v3, v2  }
0x61: {  	v5 =	vadd.s32 v5, v7;
	v9 =	vshrl.u32 v7, $0x8;
	v6 =	vor.u32 v8, v6  }
0x62: {  	v7 =	vshll.u32 v7, $0x18;
	v3 =	vadd.s32 $0x1BD11BF4, v3;
	v6 =	vxor.u32 v6, v4  }
0x63: {  	v7 =	vor.u32 v9, v7;
	v2 =	vadd.s32 v3, v2;
	v8 =	vshrl.u32 v3, $0x13  }
0x64: {  	v3 =	vshll.u32 v3, $0xD;
	v7 =	vxor.u32 v7, v5;
	v6 =	vadd.s32 $0x1BD11BF4, v6  }
0x65: {  	v2 =	vadd.s32 $0x2A, v2;
	v3 =	vor.u32 v8, v3;
	v7 =	vadd.s32 $0x1BD11BF4, v7  }
0x66: {  	v4 =	vadd.s32 v6, v4;
	v8 =	vshrl.u32 v6, $0x13;
	v6 =	vshll.u32 v6, $0xD  }
0x67: {  	v3 =	vxor.u32 v3, v2;
	v5 =	vadd.s32 v7, v5;
	v9 =	vshrl.u32 v7, $0x13  }
0x68: {  	v7 =	vshll.u32 v7, $0xD;
	v4 =	vadd.s32 $0x2A, v4;
	v6 =	vor.u32 v8, v6  }
0x69: {  	v2 =	vadd.s32 v2, v3;
	v8 =	vshrl.u32 v3, $0x11;
	v3 =	vshll.u32 v3, $0xF  }
0x6a: {  	v5 =	vadd.s32 $0x2A, v5;
	v7 =	vor.u32 v9, v7;
	v9 =	vshrl.u32 v1, $0x13  }
0x6b: {  	v6 =	vxor.u32 v6, v4;
	v3 =	vor.u32 v8, v3;
	v7 =	vxor.u32 v7, v5  }
0x6c: {  	v9 =	vor.u32 v9, v10;
	v4 =	vadd.s32 v4, v6;
	v11 =	vshrl.u32 v6, $0x11  }
0x6d: {  	v6 =	vshll.u32 v6, $0xF;
	v3 =	vxor.u32 v3, v2;
	v8 =	vxor.u32 v1, v9  }
0x6e: {  	v5 =	vadd.s32 v5, v7;
	v9 =	vshrl.u32 v8, $0x11;
	v10 =	vshll.u32 v8, $0xF  }
0x6f: {  	v6 =	vor.u32 v11, v6;
	v1 =	vadd.s32 v1, v8;
	v8 =	vor.u32 v9, v10  }
0x70: {  	v9 =	vshrl.u32 v7, $0x11;
	v7 =	vshll.u32 v7, $0xF;
	v8 =	vxor.u32 v8, v1  }
0x71: {  	v7 =	vor.u32 v9, v7;
	v10 =	vshrl.u32 v8, $0x6;
	v12 =	vshll.u32 v8, $0x1A  }
0x72: {  	v1 =	vadd.s32 v1, v8;
	v7 =	vxor.u32 v7, v5;
	v8 =	vor.u32 v10, v12  }
0x73: {  	v10 =	vadd.s32 v2, v3;
	v5 =	vadd.s32 v5, v7;
	v2 =	vxor.u32 v8, v1  }
0x74: {  	[tilespmem:s10], [sflag:$0x1] =	stream.linear.gather [hbm4b:s3+s2], $0x80, $0x38;
	v14 =	vshrl.u32 v7, $0x6;
	v11 =	vshrl.u32 v2, $0x1A;
	v12 =	vshll.u32 v2, $0x6;
	[tilespmem:$0x14880] =	vst v63  }
0x75: {  	_ =	swait.ge [sflag:s11], $0x80;
	v8 =	vshrl.u32 v3, $0x6;
	v9 =	vadd.s32 v1, v2;
	v1 =	vor.u32 v11, v12  }
0x76: {  	[sflag:s11] =	ssyncset.done $0x0;
	v2 =	vshll.u32 v3, $0x1A;
	v3 =	vxor.u32 v6, v4;
	v6 =	vxor.u32 v1, v9  }
0x77: {  	[sflag:s11] =	ssyncadd.s32 $0xFFFFFF80;
	v7 =	vshll.u32 v7, $0x1A;
	v8 =	vor.u32 v8, v2;
	v6 =	vadd.s32 $0x1BD11BF1, v6  }
0x78: {  	s13 =	simm.s32 @p0 $0x0;
	v2 =	vld [tilespmem:$0x14810];
	v9 =	vadd.s32 v6, v9;
	v11 =	vshrl.u32 v6, $0xF;
	v6 =	vshll.u32 v6, $0x11  }
0x79: {  	v7 =	vor.u32 v14, v7;
	v1 =	vld [tilespmem:$0x14800];
	[tilespmem:s13], [sflag:$0x1] =	stream.linear.gather @p0 [hbm4b:s5+s13], $0x14582, $0x38;
	v9 =	vadd.s32 $0x2A, v9;
	v6 =	vor.u32 v11, v6  }
0x7a: {  	v7 =	vxor.u32 v7, v5;
	v4 =	vadd.s32 v4, v3;
	s13 =	simm.s32 @p0 $0x1;
	v6 =	vxor.u32 v6, v9  }
0x7b: {  	v8 =	vxor.u32 v8, v10;
	_ =	swait.ge @p0 [sflag:s13], $0x14582;
	v12 =	vshrl.u32 v6, $0x3;
	v13 =	vshll.u32 v6, $0x1D  }
0x7c: {  	v8 =	vadd.s32 v8, v10;
	[sflag:s13] =	ssyncset.done @p0 $0x0;
	v6 =	vadd.s32 v9, v6;
	v9 =	vor.u32 v12, v13  }
0x7d: {  	v11 =	vshrl.u32 v3, $0x6;
	v3 =	vshll.u32 v3, $0x1A;
	[sflag:s13] =	ssyncadd.s32 @p0 $0xFFFEBA7E;
	s13 =	simm.s32 @!p0 $0x0;
	v9 =	vxor.u32 v9, v6  }
0x7e: {  	v3 =	vor.u32 v11, v3;
	[tilespmem:s13], [sflag:$0x1] =	stream.linear.gather @!p0 [hbm4b:s4+s13], $0x147C0, $0x38;
	v11 =	vshrl.u32 v9, $0x10;
	v12 =	vshll.u32 v9, $0x10;
	[tilespmem:$0x14880] =	vst v63  }
0x7f: {  	v8 =	vadd.s32 $0x1BD11BF0, v8;
	s13 =	simm.s32 @!p0 $0x1;
	v6 =	vadd.s32 v6, v9;
	v9 =	vor.u32 v11, v12  }
0x80: {  	v5 =	vadd.s32 v7, v5;
	vm0 =	vlt.s32 v8, $0x0;
	_ =	swait.ge @!p0 [sflag:s13], $0x147C0;
	v9 =	vxor.u32 v9, v6  }
0x81: {  	s28 =	sadd.s32 $0x40, s9;
	v3 =	vxor.u32 v3, v4;
	[sflag:s13] =	ssyncset.done @!p0 $0x0;
	v10 =	vshrl.u32 v9, $0x8;
	v11 =	vshll.u32 v9, $0x18  }
0x82: {  	s14 =	sadd.s32 $0x30, s28;
	v3 =	vadd.s32 v3, v4;
	[sflag:s13] =	ssyncadd.s32 @!p0 $0xFFFEB840;
	s13 =	simm.s32 $0x20;
	v4 =	vadd.s32 v6, v9;
	v6 =	vor.u32 v10, v11  }
0x83: {  	v13 =	vadd.s32 s14, v0;
	v3 =	vadd.s32 $0x1BD11BF0, v3;
	v9 =	vld [tilespmem:s13+$0xFFFFFFE0];
	v6 =	vxor.u32 v6, v4  }
0x84: {  	v16 =	vshrl.u32 v13, $0x13;
	vm11 =	vlt.s32 v3, $0x0;
	v6 =	vadd.s32 $0x2, v6  }
0x85: {  	v7 =	vld [tilespmem:s13+$0x0];
	v4 =	vadd.s32 v6, v4;
	v8 =	vshrl.u32 v6, $0x13;
	v6 =	vshll.u32 v6, $0xD  }
0x86: {  	v3 =	vadd.s32 $0x1BD11BF0, v5;
	v11 =	vld [tilespmem:s13+$0x10];
	v4 =	vadd.s32 $0x1BD11BF0, v4;
	v6 =	vor.u32 v8, v6  }
0x87: {  	vm12 =	vlt.s32 v3, $0x0;
	v10 =	vsel vm0, v2, v1;
	v5 =	vxor.u32 v6, v4  }
0x88: {  	v8 =	vmul.f32 v9, v10;
	v6 =	vshrl.u32 v5, $0x11;
	v9 =	vshll.u32 v5, $0xF  }
0x89: {  	v10 =	vsel vm11, v2, v1;
	v4 =	vadd.s32 v4, v5;
	v5 =	vor.u32 v6, v9  }
0x8a: {  	v9 =	vmul.f32 v7, v10;
	v3 =	vxor.u32 v5, v4;
	v5 =	vsel vm12, v2, v1  }
0x8b: {  	v6 =	vshrl.u32 v3, $0x6;
	v7 =	vshll.u32 v3, $0x1A;
	v10 =	vmul.f32 v11, v5  }
0x8c: {  	v4 =	vadd.s32 v4, v3;
	v11 =	vor.u32 s28, v0;
	v3 =	vor.u32 v6, v7  }
0x8d: {  	s15 =	sadd.s32 $0x10, s28;
	v12 =	vshll.u32 v11, $0xD;
	v5 =	vxor.u32 v3, v4;
	v3 =	vmov s28  }
0x8e: {  	s16 =	sadd.s32 $0x20, s28;
	v7 =	vadd.s32 s15, v0;
	v6 =	vshrl.u32 v5, $0x1A;
	v3 =	vshrl.u32 v3, $0x13  }
0x8f: {  	v4 =	vadd.s32 v4, v5;
	v3 =	vor.u32 v3, v12;
	v12 =	vadd.s32 s16, v0  }
0x90: {  	v14 =	vshrl.u32 v12, $0x13;
	v15 =	vshll.u32 v12, $0xD;
	v3 =	vxor.u32 v11, v3  }
0x91: {  	v14 =	vor.u32 v14, v15;
	v15 =	vshll.u32 v13, $0xD;
	v11 =	vadd.s32 v11, v3  }
0x92: {  	v17 =	vshrl.u32 v3, $0x11;
	v3 =	vshll.u32 v3, $0xF;
	v15 =	vor.u32 v16, v15  }
0x93: {  	v14 =	vxor.u32 v12, v14;
	v3 =	vor.u32 v17, v3;
	v15 =	vxor.u32 v13, v15  }
0x94: {  	v12 =	vadd.s32 v12, v14;
	v16 =	vshrl.u32 v14, $0x11;
	v14 =	vshll.u32 v14, $0xF  }
0x95: {  	v3 =	vxor.u32 v3, v11;
	v13 =	vadd.s32 v13, v15;
	v17 =	vshrl.u32 v15, $0x11  }
0x96: {  	v14 =	vor.u32 v16, v14;
	v15 =	vshll.u32 v15, $0xF;
	v11 =	vadd.s32 v11, v3  }
0x97: {  	v16 =	vshrl.u32 v3, $0x6;
	v3 =	vshll.u32 v3, $0x1A;
	v15 =	vor.u32 v17, v15  }
0x98: {  	v14 =	vxor.u32 v14, v12;
	v3 =	vor.u32 v16, v3;
	v15 =	vxor.u32 v15, v13  }
0x99: {  	v12 =	vadd.s32 v12, v14;
	v16 =	vshrl.u32 v14, $0x6;
	v14 =	vshll.u32 v14, $0x1A  }
0x9a: {  	v3 =	vxor.u32 v3, v11;
	v13 =	vadd.s32 v13, v15;
	v17 =	vshrl.u32 v15, $0x6  }
0x9b: {  	v14 =	vor.u32 v16, v14;
	v15 =	vshll.u32 v15, $0x1A;
	v11 =	vadd.s32 v11, v3  }
0x9c: {  	v16 =	vshrl.u32 v3, $0x1A;
	v3 =	vshll.u32 v3, $0x6;
	v15 =	vor.u32 v17, v15  }
0x9d: {  	v14 =	vxor.u32 v14, v12;
	v3 =	vor.u32 v16, v3;
	v15 =	vxor.u32 v15, v13  }
0x9e: {  	v12 =	vadd.s32 v12, v14;
	v16 =	vshrl.u32 v14, $0x1A;
	v14 =	vshll.u32 v14, $0x6  }
0x9f: {  	v3 =	vxor.u32 v3, v11;
	v13 =	vadd.s32 v13, v15;
	v17 =	vshrl.u32 v15, $0x1A  }
0xa0: {  	v14 =	vor.u32 v16, v14;
	v15 =	vshll.u32 v15, $0x6;
	v3 =	vadd.s32 $0x1BD11BF1, v3  }
0xa1: {  	v14 =	vxor.u32 v14, v12;
	v15 =	vor.u32 v17, v15;
	v11 =	vadd.s32 v3, v11  }
0xa2: {  	v16 =	vshrl.u32 v3, $0xF;
	v3 =	vshll.u32 v3, $0x11;
	v15 =	vxor.u32 v15, v13  }
0xa3: {  	v14 =	vadd.s32 $0x1BD11BF1, v14;
	v11 =	vadd.s32 $0x2A, v11;
	v3 =	vor.u32 v16, v3  }
0xa4: {  	v15 =	vadd.s32 $0x1BD11BF1, v15;
	v12 =	vadd.s32 v14, v12;
	v16 =	vshrl.u32 v14, $0xF  }
0xa5: {  	v14 =	vshll.u32 v14, $0x11;
	v3 =	vxor.u32 v3, v11;
	v13 =	vadd.s32 v15, v13  }
0xa6: {  	v17 =	vshrl.u32 v15, $0xF;
	v15 =	vshll.u32 v15, $0x11;
	v12 =	vadd.s32 $0x2A, v12  }
0xa7: {  	v14 =	vor.u32 v16, v14;
	v11 =	vadd.s32 v11, v3;
	v16 =	vshrl.u32 v3, $0x3  }
0xa8: {  	v3 =	vshll.u32 v3, $0x1D;
	v13 =	vadd.s32 $0x2A, v13;
	v15 =	vor.u32 v17, v15  }
0xa9: {  	v14 =	vxor.u32 v14, v12;
	v3 =	vor.u32 v16, v3;
	v15 =	vxor.u32 v15, v13  }
0xaa: {  	v12 =	vadd.s32 v12, v14;
	v16 =	vshrl.u32 v14, $0x3;
	v14 =	vshll.u32 v14, $0x1D  }
0xab: {  	v3 =	vxor.u32 v3, v11;
	v13 =	vadd.s32 v13, v15;
	v17 =	vshrl.u32 v15, $0x3  }
0xac: {  	v14 =	vor.u32 v16, v14;
	v15 =	vshll.u32 v15, $0x1D;
	v11 =	vadd.s32 v11, v3  }
0xad: {  	v16 =	vshrl.u32 v3, $0x10;
	v3 =	vshll.u32 v3, $0x10;
	v15 =	vor.u32 v17, v15  }
0xae: {  	v14 =	vxor.u32 v14, v12;
	v3 =	vor.u32 v16, v3;
	v15 =	vxor.u32 v15, v13  }
0xaf: {  	v12 =	vadd.s32 v12, v14;
	v16 =	vshrl.u32 v14, $0x10;
	v14 =	vshll.u32 v14, $0x10  }
0xb0: {  	v3 =	vxor.u32 v3, v11;
	v13 =	vadd.s32 v13, v15;
	v17 =	vshrl.u32 v15, $0x10  }
0xb1: {  	v14 =	vor.u32 v16, v14;
	v15 =	vshll.u32 v15, $0x10;
	v11 =	vadd.s32 v11, v3  }
0xb2: {  	v16 =	vshrl.u32 v3, $0x8;
	v3 =	vshll.u32 v3, $0x18;
	v15 =	vor.u32 v17, v15  }
0xb3: {  	v14 =	vxor.u32 v14, v12;
	v3 =	vor.u32 v16, v3;
	v15 =	vxor.u32 v15, v13  }
0xb4: {  	v12 =	vadd.s32 v12, v14;
	v16 =	vshrl.u32 v14, $0x8;
	v14 =	vshll.u32 v14, $0x18  }
0xb5: {  	v3 =	vxor.u32 v3, v11;
	v13 =	vadd.s32 v13, v15;
	v17 =	vshrl.u32 v15, $0x8  }
0xb6: {  	v14 =	vor.u32 v16, v14;
	v15 =	vshll.u32 v15, $0x18;
	v3 =	vadd.s32 $0x2, v3  }
0xb7: {  	v14 =	vxor.u32 v14, v12;
	v15 =	vor.u32 v17, v15;
	v11 =	vadd.s32 v3, v11  }
0xb8: {  	v16 =	vshrl.u32 v3, $0x13;
	v3 =	vshll.u32 v3, $0xD;
	v15 =	vxor.u32 v15, v13  }
0xb9: {  	v14 =	vadd.s32 $0x2, v14;
	v11 =	vadd.s32 $0x1BD11BF0, v11;
	v3 =	vor.u32 v16, v3  }
0xba: {  	v15 =	vadd.s32 $0x2, v15;
	v12 =	vadd.s32 v14, v12;
	v16 =	vshrl.u32 v14, $0x13  }
0xbb: {  	v14 =	vshll.u32 v14, $0xD;
	v3 =	vxor.u32 v3, v11;
	v13 =	vadd.s32 v15, v13  }
0xbc: {  	v17 =	vshrl.u32 v15, $0x13;
	v15 =	vshll.u32 v15, $0xD;
	v12 =	vadd.s32 $0x1BD11BF0, v12  }
0xbd: {  	v14 =	vor.u32 v16, v14;
	v11 =	vadd.s32 v11, v3;
	v16 =	vshrl.u32 v3, $0x11  }
0xbe: {  	v3 =	vshll.u32 v3, $0xF;
	v13 =	vadd.s32 $0x1BD11BF0, v13;
	v15 =	vor.u32 v17, v15  }
0xbf: {  	v14 =	vxor.u32 v14, v12;
	v3 =	vor.u32 v16, v3;
	v15 =	vxor.u32 v15, v13  }
0xc0: {  	v12 =	vadd.s32 v12, v14;
	v16 =	vshrl.u32 v14, $0x11;
	v14 =	vshll.u32 v14, $0xF  }
0xc1: {  	v3 =	vxor.u32 v3, v11;
	v13 =	vadd.s32 v13, v15;
	v17 =	vshrl.u32 v15, $0x11  }
0xc2: {  	v14 =	vor.u32 v16, v14;
	v15 =	vshll.u32 v15, $0xF;
	v11 =	vadd.s32 v11, v3  }
0xc3: {  	v16 =	vshrl.u32 v3, $0x6;
	v3 =	vshll.u32 v3, $0x1A;
	v15 =	vor.u32 v17, v15  }
0xc4: {  	v14 =	vxor.u32 v14, v12;
	v3 =	vor.u32 v16, v3;
	v15 =	vxor.u32 v15, v13  }
0xc5: {  	v12 =	vadd.s32 v12, v14;
	v16 =	vshrl.u32 v14, $0x6;
	v14 =	vshll.u32 v14, $0x1A  }
0xc6: {  	v3 =	vxor.u32 v3, v11;
	v13 =	vadd.s32 v13, v15;
	v17 =	vshrl.u32 v15, $0x6  }
0xc7: {  	v14 =	vor.u32 v16, v14;
	v15 =	vshll.u32 v15, $0x1A;
	v11 =	vadd.s32 v11, v3  }
0xc8: {  	v16 =	vshrl.u32 v3, $0x1A;
	v3 =	vshll.u32 v3, $0x6;
	v15 =	vor.u32 v17, v15  }
0xc9: {  	v14 =	vxor.u32 v14, v12;
	v3 =	vor.u32 v16, v3;
	v15 =	vxor.u32 v15, v13  }
0xca: {  	v12 =	vadd.s32 v12, v14;
	v16 =	vshrl.u32 v14, $0x1A;
	v14 =	vshll.u32 v14, $0x6  }
0xcb: {  	v3 =	vxor.u32 v3, v11;
	v13 =	vadd.s32 v13, v15;
	v17 =	vshrl.u32 v15, $0x1A  }
0xcc: {  	v14 =	vor.u32 v16, v14;
	v15 =	vshll.u32 v15, $0x6;
	v3 =	vadd.s32 $0x2D, v3  }
0xcd: {  	v14 =	vxor.u32 v14, v12;
	v15 =	vor.u32 v17, v15;
	v11 =	vadd.s32 v11, v3  }
0xce: {  	v16 =	vshrl.u32 v3, $0xF;
	v3 =	vshll.u32 v3, $0x11;
	v15 =	vxor.u32 v15, v13  }
0xcf: {  	v14 =	vadd.s32 $0x2D, v14;
	v3 =	vor.u32 v16, v3;
	v15 =	vadd.s32 $0x2D, v15  }
0xd0: {  	v12 =	vadd.s32 v12, v14;
	v16 =	vshrl.u32 v14, $0xF;
	v14 =	vshll.u32 v14, $0x11  }
0xd1: {  	v3 =	vxor.u32 v3, v11;
	v13 =	vadd.s32 v13, v15;
	v17 =	vshrl.u32 v15, $0xF  }
0xd2: {  	v14 =	vor.u32 v16, v14;
	v15 =	vshll.u32 v15, $0x11;
	v11 =	vadd.s32 v11, v3  }
0xd3: {  	v16 =	vshrl.u32 v3, $0x3;
	v3 =	vshll.u32 v3, $0x1D;
	v15 =	vor.u32 v17, v15  }
0xd4: {  	v14 =	vxor.u32 v14, v12;
	v3 =	vor.u32 v16, v3;
	v15 =	vxor.u32 v15, v13  }
0xd5: {  	v12 =	vadd.s32 v12, v14;
	v16 =	vshrl.u32 v14, $0x3;
	v14 =	vshll.u32 v14, $0x1D  }
0xd6: {  	v3 =	vxor.u32 v3, v11;
	v13 =	vadd.s32 v13, v15;
	v17 =	vshrl.u32 v15, $0x3  }
0xd7: {  	v14 =	vor.u32 v16, v14;
	v15 =	vshll.u32 v15, $0x1D;
	v11 =	vadd.s32 v11, v3  }
0xd8: {  	v16 =	vshrl.u32 v3, $0x10;
	v3 =	vshll.u32 v3, $0x10;
	v15 =	vor.u32 v17, v15  }
0xd9: {  	v14 =	vxor.u32 v14, v12;
	v3 =	vor.u32 v16, v3;
	v15 =	vxor.u32 v15, v13  }
0xda: {  	v12 =	vadd.s32 v12, v14;
	v16 =	vshrl.u32 v14, $0x10;
	v14 =	vshll.u32 v14, $0x10  }
0xdb: {  	v3 =	vxor.u32 v3, v11;
	v13 =	vadd.s32 v13, v15;
	v17 =	vshrl.u32 v15, $0x10  }
0xdc: {  	v14 =	vor.u32 v16, v14;
	v15 =	vshll.u32 v15, $0x10;
	v11 =	vadd.s32 v11, v3  }
0xdd: {  	v16 =	vshrl.u32 v3, $0x8;
	v3 =	vshll.u32 v3, $0x18;
	v15 =	vor.u32 v17, v15  }
0xde: {  	v14 =	vxor.u32 v14, v12;
	v3 =	vor.u32 v16, v3;
	v15 =	vxor.u32 v15, v13  }
0xdf: {  	v12 =	vadd.s32 v12, v14;
	v16 =	vshrl.u32 v14, $0x8;
	v14 =	vshll.u32 v14, $0x18  }
0xe0: {  	v3 =	vxor.u32 v3, v11;
	v13 =	vadd.s32 v13, v15;
	v17 =	vshrl.u32 v15, $0x8  }
0xe1: {  	v14 =	vor.u32 v16, v14;
	v15 =	vshll.u32 v15, $0x18;
	v3 =	vadd.s32 $0x1BD11BF4, v3  }
0xe2: {  	v14 =	vxor.u32 v14, v12;
	v15 =	vor.u32 v17, v15;
	v11 =	vadd.s32 v3, v11  }
0xe3: {  	v16 =	vshrl.u32 v3, $0x13;
	v3 =	vshll.u32 v3, $0xD;
	v15 =	vxor.u32 v15, v13  }
0xe4: {  	v14 =	vadd.s32 $0x1BD11BF4, v14;
	v11 =	vadd.s32 $0x2A, v11;
	v3 =	vor.u32 v16, v3  }
0xe5: {  	v15 =	vadd.s32 $0x1BD11BF4, v15;
	v12 =	vadd.s32 v14, v12;
	v16 =	vshrl.u32 v14, $0x13  }
0xe6: {  	v14 =	vshll.u32 v14, $0xD;
	v3 =	vxor.u32 v3, v11;
	v13 =	vadd.s32 v15, v13  }
0xe7: {  	v17 =	vshrl.u32 v15, $0x13;
	v15 =	vshll.u32 v15, $0xD;
	v12 =	vadd.s32 $0x2A, v12  }
0xe8: {  	v14 =	vor.u32 v16, v14;
	v11 =	vadd.s32 v11, v3;
	v16 =	vshrl.u32 v3, $0x11  }
0xe9: {  	v3 =	vshll.u32 v3, $0xF;
	v13 =	vadd.s32 $0x2A, v13;
	v15 =	vor.u32 v17, v15  }
0xea: {  	v14 =	vxor.u32 v14, v12;
	v3 =	vor.u32 v16, v3;
	v15 =	vxor.u32 v15, v13  }
0xeb: {  	v12 =	vadd.s32 v12, v14;
	v16 =	vshrl.u32 v14, $0x11;
	v14 =	vshll.u32 v14, $0xF  }
0xec: {  	v3 =	vxor.u32 v3, v11;
	v13 =	vadd.s32 v13, v15;
	v17 =	vshrl.u32 v15, $0x11  }
0xed: {  	v14 =	vor.u32 v16, v14;
	v15 =	vshll.u32 v15, $0xF;
	v11 =	vadd.s32 v11, v3  }
0xee: {  	v16 =	vshrl.u32 v3, $0x6;
	v3 =	vshll.u32 v3, $0x1A;
	v15 =	vor.u32 v17, v15  }
0xef: {  	v14 =	vxor.u32 v14, v12;
	v16 =	vor.u32 v16, v3;
	v15 =	vxor.u32 v15, v13  }
0xf0: {  	v12 =	vadd.s32 v12, v14;
	v17 =	vshrl.u32 v14, $0x6;
	v14 =	vshll.u32 v14, $0x1A  }
0xf1: {  	s29 =	sadd.s32 $0x80, s9;
	v16 =	vxor.u32 v16, v11;
	v13 =	vadd.s32 v13, v15;
	v18 =	vshrl.u32 v15, $0x6  }
0xf2: {  	[tilespmem:s13+$0xFFFFFFE0] =	vst v8;
	s15 =	sadd.s32 $0x30, s29;
	v14 =	vor.u32 v17, v14;
	v8 =	vshll.u32 v15, $0x1A;
	v11 =	vadd.s32 v16, v11  }
0xf3: {  	[tilespmem:s13+$0x0] =	vst v9;
	v16 =	vadd.s32 s15, v0;
	v14 =	vxor.u32 v14, v12;
	v9 =	vadd.s32 $0x1BD11BF0, v11  }
0xf4: {  	s14 =	simm.s32 $0x60;
	[tilespmem:s13+$0x10] =	vst v10;
	v8 =	vor.u32 v18, v8;
	v11 =	vadd.s32 v14, v12;
	vm13 =	vlt.s32 v9, $0x0  }
0xf5: {  	v10 =	vld [tilespmem:s14+$0xFFFFFFE0];
	v12 =	vshll.u32 v7, $0xD;
	v9 =	vadd.s32 $0x1BD11BF0, v11;
	v11 =	vshrl.u32 v7, $0x13  }
0xf6: {  	v8 =	vxor.u32 v8, v13;
	vm14 =	vlt.s32 v9, $0x0;
	v9 =	vor.u32 v11, v12  }
0xf7: {  	v8 =	vadd.s32 v8, v13;
	v13 =	vsel vm13, v2, v1;
	v9 =	vxor.u32 v7, v9  }
0xf8: {  	v11 =	vshll.u32 v5, $0x6;
	v5 =	vshrl.u32 v9, $0x11;
	v12 =	vshll.u32 v9, $0xF  }
0xf9: {  	v6 =	vor.u32 v6, v11;
	v7 =	vadd.s32 v7, v9;
	v5 =	vor.u32 v5, v12  }
0xfa: {  	v11 =	vmul.f32 v10, v13;
	v6 =	vxor.u32 v6, v4;
	v5 =	vxor.u32 v5, v7  }
0xfb: {  	v6 =	vadd.s32 $0x2D, v6;
	v9 =	vshrl.u32 v5, $0x6;
	v10 =	vshll.u32 v5, $0x1A  }
0xfc: {  	v12 =	vshrl.u32 v6, $0xF;
	v5 =	vadd.s32 v7, v5;
	v7 =	vor.u32 v9, v10  }
0xfd: {  	v4 =	vadd.s32 v4, v6;
	v9 =	vshll.u32 v6, $0x11;
	v6 =	vxor.u32 v7, v5  }
0xfe: {  	v7 =	vor.u32 v12, v9;
	v9 =	vshrl.u32 v6, $0x1A;
	v10 =	vshll.u32 v6, $0x6  }
0xff: {  	v7 =	vxor.u32 v7, v4;
	v5 =	vadd.s32 v5, v6;
	v6 =	vor.u32 v9, v10  }
0x100: {  	v8 =	vadd.s32 $0x1BD11BF0, v8;
	v10 =	vshrl.u32 v7, $0x3;
	v6 =	vxor.u32 v6, v5  }
0x101: {  	v12 =	vshll.u32 v7, $0x1D;
	v4 =	vadd.s32 v4, v7;
	v6 =	vadd.s32 $0x1BD11BF1, v6  }
0x102: {  	v5 =	vadd.s32 v6, v5;
	v7 =	vshrl.u32 v6, $0xF;
	v6 =	vshll.u32 v6, $0x11  }
0x103: {  	v10 =	vor.u32 v10, v12;
	v5 =	vadd.s32 $0x2A, v5;
	v6 =	vor.u32 v7, v6  }
0x104: {  	vm15 =	vlt.s32 v8, $0x0;
	v7 =	vxor.u32 v10, v4;
	v6 =	vxor.u32 v6, v5  }
0x105: {  	v8 =	vshrl.u32 v7, $0x10;
	v10 =	vshrl.u32 v6, $0x3;
	v12 =	vshll.u32 v6, $0x1D  }
0x106: {  	v13 =	vshll.u32 v7, $0x10;
	v5 =	vadd.s32 v5, v6;
	v6 =	vor.u32 v10, v12  }
0x107: {  	v4 =	vadd.s32 v4, v7;
	v7 =	vor.u32 v8, v13;
	v6 =	vxor.u32 v6, v5  }
0x108: {  	v7 =	vxor.u32 v7, v4;
	v10 =	vshrl.u32 v6, $0x10;
	v12 =	vshll.u32 v6, $0x10  }
0x109: {  	v8 =	vld [tilespmem:s14+$0x0];
	v4 =	vadd.s32 v4, v7;
	v5 =	vadd.s32 v5, v6;
	v6 =	vor.u32 v10, v12  }
0x10a: {  	v10 =	vshrl.u32 v7, $0x8;
	v12 =	vshll.u32 v7, $0x18;
	v6 =	vxor.u32 v6, v5  }
0x10b: {  	v7 =	vor.u32 v10, v12;
	v10 =	vshrl.u32 v6, $0x8;
	v12 =	vshll.u32 v6, $0x18  }
0x10c: {  	v5 =	vadd.s32 v5, v6;
	v7 =	vxor.u32 v7, v4;
	v6 =	vor.u32 v10, v12  }
0x10d: {  	v9 =	vsel vm14, v2, v1;
	v7 =	vadd.s32 $0x1BD11BF4, v7;
	v6 =	vxor.u32 v6, v5  }
0x10e: {  	v12 =	vmul.f32 v8, v9;
	v4 =	vadd.s32 v7, v4;
	v6 =	vadd.s32 $0x2, v6  }
0x10f: {  	v5 =	vadd.s32 v6, v5;
	v9 =	vshrl.u32 v6, $0x13;
	v6 =	vshll.u32 v6, $0xD  }
0x110: {  	v10 =	vshrl.u32 v7, $0x13;
	v5 =	vadd.s32 $0x1BD11BF0, v5;
	v6 =	vor.u32 v9, v6  }
0x111: {  	v7 =	vshll.u32 v7, $0xD;
	v4 =	vadd.s32 $0x2A, v4;
	v6 =	vxor.u32 v6, v5  }
0x112: {  	v7 =	vor.u32 v10, v7;
	v9 =	vld [tilespmem:s14+$0x10];
	v10 =	vshrl.u32 v6, $0x11;
	v13 =	vshll.u32 v6, $0xF  }
0x113: {  	v5 =	vadd.s32 v5, v6;
	v6 =	vor.u32 v10, v13;
	v10 =	vxor.u32 v7, v4  }
0x114: {  	v8 =	vsel vm15, v2, v1;
	v6 =	vxor.u32 v6, v5;
	v13 =	vshrl.u32 v10, $0x11  }
0x115: {  	v7 =	vadd.s32 v5, v6;
	v5 =	vshrl.u32 v6, $0x6;
	v6 =	vshll.u32 v6, $0x1A  }
0x116: {  	v14 =	vshll.u32 v10, $0xF;
	v6 =	vor.u32 v5, v6;
	v5 =	vadd.s32 v4, v10  }
0x117: {  	v4 =	vor.u32 v13, v14;
	v13 =	vmul.f32 v9, v8;
	v14 =	vor.u32 s29, v0  }
0x118: {  	v8 =	vxor.u32 v6, v7;
	v6 =	vxor.u32 v4, v5;
	v4 =	vmov s29  }
0x119: {  	s30 =	sadd.s32 $0x10, s29;
	s31 =	sadd.s32 $0x20, s29;
	v19 =	vshrl.u32 v16, $0x13;
	v15 =	vshll.u32 v14, $0xD;
	v4 =	vshrl.u32 v4, $0x13  }
0x11a: {  	v10 =	vadd.s32 s30, v0;
	v4 =	vor.u32 v4, v15;
	v15 =	vadd.s32 s31, v0  }
0x11b: {  	v9 =	vshrl.u32 v8, $0x1A;
	v17 =	vshrl.u32 v15, $0x13;
	v18 =	vshll.u32 v15, $0xD  }
0x11c: {  	v4 =	vxor.u32 v14, v4;
	v17 =	vor.u32 v17, v18;
	v18 =	vshll.u32 v16, $0xD  }
0x11d: {  	v14 =	vadd.s32 v14, v4;
	v20 =	vshrl.u32 v4, $0x11;
	v4 =	vshll.u32 v4, $0xF  }
0x11e: {  	v18 =	vor.u32 v19, v18;
	v17 =	vxor.u32 v15, v17;
	v4 =	vor.u32 v20, v4  }
0x11f: {  	v18 =	vxor.u32 v16, v18;
	v15 =	vadd.s32 v15, v17;
	v19 =	vshrl.u32 v17, $0x11  }
0x120: {  	v17 =	vshll.u32 v17, $0xF;
	v4 =	vxor.u32 v4, v14;
	v16 =	vadd.s32 v16, v18  }
0x121: {  	v20 =	vshrl.u32 v18, $0x11;
	v17 =	vor.u32 v19, v17;
	v18 =	vshll.u32 v18, $0xF  }
0x122: {  	v14 =	vadd.s32 v14, v4;
	v19 =	vshrl.u32 v4, $0x6;
	v4 =	vshll.u32 v4, $0x1A  }
0x123: {  	v18 =	vor.u32 v20, v18;
	v17 =	vxor.u32 v17, v15;
	v4 =	vor.u32 v19, v4  }
0x124: {  	v18 =	vxor.u32 v18, v16;
	v15 =	vadd.s32 v15, v17;
	v19 =	vshrl.u32 v17, $0x6  }
0x125: {  	v17 =	vshll.u32 v17, $0x1A;
	v4 =	vxor.u32 v4, v14;
	v16 =	vadd.s32 v16, v18  }
0x126: {  	v20 =	vshrl.u32 v18, $0x6;
	v17 =	vor.u32 v19, v17;
	v18 =	vshll.u32 v18, $0x1A  }
0x127: {  	v14 =	vadd.s32 v14, v4;
	v19 =	vshrl.u32 v4, $0x1A;
	v4 =	vshll.u32 v4, $0x6  }
0x128: {  	v18 =	vor.u32 v20, v18;
	v17 =	vxor.u32 v17, v15;
	v4 =	vor.u32 v19, v4  }
0x129: {  	v18 =	vxor.u32 v18, v16;
	v15 =	vadd.s32 v15, v17;
	v19 =	vshrl.u32 v17, $0x1A  }
0x12a: {  	v17 =	vshll.u32 v17, $0x6;
	v4 =	vxor.u32 v4, v14;
	v16 =	vadd.s32 v16, v18  }
0x12b: {  	v20 =	vshrl.u32 v18, $0x1A;
	v17 =	vor.u32 v19, v17;
	v18 =	vshll.u32 v18, $0x6  }
0x12c: {  	v4 =	vadd.s32 $0x1BD11BF1, v4;
	v17 =	vxor.u32 v17, v15;
	v18 =	vor.u32 v20, v18  }
0x12d: {  	v14 =	vadd.s32 v4, v14;
	v19 =	vshrl.u32 v4, $0xF;
	v4 =	vshll.u32 v4, $0x11  }
0x12e: {  	v18 =	vxor.u32 v18, v16;
	v17 =	vadd.s32 $0x1BD11BF1, v17;
	v14 =	vadd.s32 $0x2A, v14  }
0x12f: {  	v4 =	vor.u32 v19, v4;
	v18 =	vadd.s32 $0x1BD11BF1, v18;
	v15 =	vadd.s32 v17, v15  }
0x130: {  	v19 =	vshrl.u32 v17, $0xF;
	v17 =	vshll.u32 v17, $0x11;
	v4 =	vxor.u32 v4, v14  }
0x131: {  	v16 =	vadd.s32 v18, v16;
	v20 =	vshrl.u32 v18, $0xF;
	v18 =	vshll.u32 v18, $0x11  }
0x132: {  	v15 =	vadd.s32 $0x2A, v15;
	v17 =	vor.u32 v19, v17;
	v14 =	vadd.s32 v14, v4  }
0x133: {  	v19 =	vshrl.u32 v4, $0x3;
	v4 =	vshll.u32 v4, $0x1D;
	v16 =	vadd.s32 $0x2A, v16  }
0x134: {  	v18 =	vor.u32 v20, v18;
	v17 =	vxor.u32 v17, v15;
	v4 =	vor.u32 v19, v4  }
0x135: {  	v18 =	vxor.u32 v18, v16;
	v15 =	vadd.s32 v15, v17;
	v19 =	vshrl.u32 v17, $0x3  }
0x136: {  	v17 =	vshll.u32 v17, $0x1D;
	v4 =	vxor.u32 v4, v14;
	v16 =	vadd.s32 v16, v18  }
0x137: {  	v20 =	vshrl.u32 v18, $0x3;
	v17 =	vor.u32 v19, v17;
	v18 =	vshll.u32 v18, $0x1D  }
0x138: {  	v14 =	vadd.s32 v14, v4;
	v19 =	vshrl.u32 v4, $0x10;
	v4 =	vshll.u32 v4, $0x10  }
0x139: {  	v18 =	vor.u32 v20, v18;
	v17 =	vxor.u32 v17, v15;
	v4 =	vor.u32 v19, v4  }
0x13a: {  	v18 =	vxor.u32 v18, v16;
	v19 =	vadd.s32 v15, v17;
	v15 =	vshrl.u32 v17, $0x10  }
0x13b: {  	v21 =	vxor.u32 v4, v14;
	v20 =	vadd.s32 v16, v18;
	v16 =	vshll.u32 v17, $0x10  }
0x13c: {  	v17 =	vshrl.u32 v18, $0x10;
	v15 =	vor.u32 v15, v16;
	v16 =	vshll.u32 v18, $0x10  }
0x13d: {  	v3 =	vld [tilespmem:s13+$0xFFFFFFF0];
	[tilespmem:s14+$0xFFFFFFE0] =	vst v11;
	v14 =	vadd.s32 v14, v21;
	v11 =	vshll.u32 v21, $0x18;
	v16 =	vor.u32 v17, v16  }
0x13e: {  	v17 =	vshrl.u32 v21, $0x8;
	v18 =	vxor.u32 v15, v19;
	v15 =	vxor.u32 v16, v20  }
0x13f: {  	[tilespmem:s14+$0x0] =	vst v12;
	v16 =	vor.u32 v17, v11;
	v12 =	vadd.s32 v19, v18;
	v17 =	vshrl.u32 v18, $0x8  }
0x140: {  	s16 =	simm.s32 $0xC0;
	s15 =	simm.s32 $0x60;
	[tilespmem:s14+$0x10] =	vst v13;
	v4 =	vld [tilespmem:s14+$0xFFFFFFF0];
	v18 =	vshll.u32 v18, $0x18;
	v11 =	vadd.s32 v20, v15;
	v13 =	vshrl.u32 v15, $0x8  }
.LBB2_2:
0x141: {  	p1 =	sne.s32 s16, $0x14780;
	v16 =	vxor.u32 v16, v14;
	v17 =	vor.u32 v17, v18;
	v15 =	vshll.u32 v15, $0x18  }
0x142: {  	v16 =	vadd.s32 $0x2, v16;
	v17 =	vxor.u32 v17, v12;
	v13 =	vor.u32 v13, v15  }
0x143: {  	v14 =	vadd.s32 v16, v14;
	v15 =	vshrl.u32 v16, $0x13;
	v13 =	vxor.u32 v13, v11  }
0x144: {  	v16 =	vshll.u32 v16, $0xD;
	v17 =	vadd.s32 $0x2, v17;
	v13 =	vadd.s32 $0x2, v13  }
0x145: {  	v14 =	vadd.s32 $0x1BD11BF0, v14;
	v15 =	vor.u32 v15, v16;
	v12 =	vadd.s32 v17, v12  }
0x146: {  	v16 =	vshrl.u32 v17, $0x13;
	v17 =	vshll.u32 v17, $0xD;
	v11 =	vadd.s32 v13, v11  }
0x147: {  	v15 =	vxor.u32 v15, v14;
	v18 =	vshrl.u32 v13, $0x13;
	v13 =	vshll.u32 v13, $0xD  }
0x148: {  	v12 =	vadd.s32 $0x1BD11BF0, v12;
	v16 =	vor.u32 v16, v17;
	v11 =	vadd.s32 $0x1BD11BF0, v11  }
0x149: {  	v14 =	vadd.s32 v14, v15;
	v17 =	vshrl.u32 v15, $0x11;
	v13 =	vor.u32 v18, v13  }
0x14a: {  	v15 =	vshll.u32 v15, $0xF;
	v16 =	vxor.u32 v16, v12;
	v13 =	vxor.u32 v13, v11  }
0x14b: {  	v15 =	vor.u32 v17, v15;
	v12 =	vadd.s32 v12, v16;
	v11 =	vadd.s32 v11, v13  }
0x14c: {  	v17 =	vshrl.u32 v16, $0x11;
	v16 =	vshll.u32 v16, $0xF;
	v18 =	vshrl.u32 v13, $0x11  }
0x14d: {  	v15 =	vxor.u32 v15, v14;
	v16 =	vor.u32 v17, v16;
	v13 =	vshll.u32 v13, $0xF  }
0x14e: {  	v14 =	vadd.s32 v14, v15;
	v17 =	vshrl.u32 v15, $0x6;
	v13 =	vor.u32 v18, v13  }
0x14f: {  	v15 =	vshll.u32 v15, $0x1A;
	v16 =	vxor.u32 v16, v12;
	v13 =	vxor.u32 v13, v11  }
0x150: {  	v15 =	vor.u32 v17, v15;
	v12 =	vadd.s32 v12, v16;
	v11 =	vadd.s32 v11, v13  }
0x151: {  	v17 =	vshrl.u32 v16, $0x6;
	v16 =	vshll.u32 v16, $0x1A;
	v18 =	vshrl.u32 v13, $0x6  }
0x152: {  	v15 =	vxor.u32 v15, v14;
	v16 =	vor.u32 v17, v16;
	v13 =	vshll.u32 v13, $0x1A  }
0x153: {  	v14 =	vadd.s32 v14, v15;
	v17 =	vshrl.u32 v15, $0x1A;
	v13 =	vor.u32 v18, v13  }
0x154: {  	v15 =	vshll.u32 v15, $0x6;
	v16 =	vxor.u32 v16, v12;
	v13 =	vxor.u32 v13, v11  }
0x155: {  	v15 =	vor.u32 v17, v15;
	v12 =	vadd.s32 v12, v16;
	v11 =	vadd.s32 v11, v13  }
0x156: {  	v17 =	vshrl.u32 v16, $0x1A;
	v16 =	vshll.u32 v16, $0x6;
	v18 =	vshrl.u32 v13, $0x1A  }
0x157: {  	v15 =	vxor.u32 v15, v14;
	v16 =	vor.u32 v17, v16;
	v13 =	vshll.u32 v13, $0x6  }
0x158: {  	v15 =	vadd.s32 $0x2D, v15;
	v16 =	vxor.u32 v16, v12;
	v13 =	vor.u32 v18, v13  }
0x159: {  	v14 =	vadd.s32 v14, v15;
	v17 =	vshrl.u32 v15, $0xF;
	v13 =	vxor.u32 v13, v11  }
0x15a: {  	v15 =	vshll.u32 v15, $0x11;
	v16 =	vadd.s32 $0x2D, v16;
	v13 =	vadd.s32 $0x2D, v13  }
0x15b: {  	v15 =	vor.u32 v17, v15;
	v12 =	vadd.s32 v12, v16;
	v11 =	vadd.s32 v11, v13  }
0x15c: {  	v17 =	vshrl.u32 v16, $0xF;
	v16 =	vshll.u32 v16, $0x11;
	v18 =	vshrl.u32 v13, $0xF  }
0x15d: {  	v15 =	vxor.u32 v15, v14;
	v16 =	vor.u32 v17, v16;
	v13 =	vshll.u32 v13, $0x11  }
0x15e: {  	v14 =	vadd.s32 v14, v15;
	v17 =	vshrl.u32 v15, $0x3;
	v13 =	vor.u32 v18, v13  }
0x15f: {  	v15 =	vshll.u32 v15, $0x1D;
	v16 =	vxor.u32 v16, v12;
	v13 =	vxor.u32 v13, v11  }
0x160: {  	v15 =	vor.u32 v17, v15;
	v12 =	vadd.s32 v12, v16;
	v11 =	vadd.s32 v11, v13  }
0x161: {  	v17 =	vshrl.u32 v16, $0x3;
	v16 =	vshll.u32 v16, $0x1D;
	v18 =	vshrl.u32 v13, $0x3  }
0x162: {  	v15 =	vxor.u32 v15, v14;
	v16 =	vor.u32 v17, v16;
	v13 =	vshll.u32 v13, $0x1D  }
0x163: {  	v14 =	vadd.s32 v14, v15;
	v17 =	vshrl.u32 v15, $0x10;
	v13 =	vor.u32 v18, v13  }
0x164: {  	v15 =	vshll.u32 v15, $0x10;
	v16 =	vxor.u32 v16, v12;
	v13 =	vxor.u32 v13, v11  }
0x165: {  	v15 =	vor.u32 v17, v15;
	v12 =	vadd.s32 v12, v16;
	v11 =	vadd.s32 v11, v13  }
0x166: {  	v17 =	vshrl.u32 v16, $0x10;
	v16 =	vshll.u32 v16, $0x10;
	v18 =	vshrl.u32 v13, $0x10  }
0x167: {  	v15 =	vxor.u32 v15, v14;
	v16 =	vor.u32 v17, v16;
	v13 =	vshll.u32 v13, $0x10  }
0x168: {  	v14 =	vadd.s32 v14, v15;
	v17 =	vshrl.u32 v15, $0x8;
	v13 =	vor.u32 v18, v13  }
0x169: {  	v15 =	vshll.u32 v15, $0x18;
	v16 =	vxor.u32 v16, v12;
	v13 =	vxor.u32 v13, v11  }
0x16a: {  	v15 =	vor.u32 v17, v15;
	v12 =	vadd.s32 v12, v16;
	v11 =	vadd.s32 v11, v13  }
0x16b: {  	v17 =	vshrl.u32 v16, $0x8;
	v16 =	vshll.u32 v16, $0x18;
	v18 =	vshrl.u32 v13, $0x8  }
0x16c: {  	v15 =	vxor.u32 v15, v14;
	v16 =	vor.u32 v17, v16;
	v13 =	vshll.u32 v13, $0x18  }
0x16d: {  	v15 =	vadd.s32 $0x1BD11BF4, v15;
	v16 =	vxor.u32 v16, v12;
	v13 =	vor.u32 v18, v13  }
0x16e: {  	v14 =	vadd.s32 v15, v14;
	v17 =	vshrl.u32 v15, $0x13;
	v13 =	vxor.u32 v13, v11  }
0x16f: {  	v15 =	vshll.u32 v15, $0xD;
	v16 =	vadd.s32 $0x1BD11BF4, v16;
	v13 =	vadd.s32 $0x1BD11BF4, v13  }
0x170: {  	v14 =	vadd.s32 $0x2A, v14;
	v15 =	vor.u32 v17, v15;
	v12 =	vadd.s32 v16, v12  }
0x171: {  	v17 =	vshrl.u32 v16, $0x13;
	v16 =	vshll.u32 v16, $0xD;
	v11 =	vadd.s32 v13, v11  }
0x172: {  	v15 =	vxor.u32 v15, v14;
	v18 =	vshrl.u32 v13, $0x13;
	v13 =	vshll.u32 v13, $0xD  }
0x173: {  	v12 =	vadd.s32 $0x2A, v12;
	v16 =	vor.u32 v17, v16;
	v11 =	vadd.s32 $0x2A, v11  }
0x174: {  	v14 =	vadd.s32 v14, v15;
	v17 =	vshrl.u32 v15, $0x11;
	v13 =	vor.u32 v18, v13  }
0x175: {  	v15 =	vshll.u32 v15, $0xF;
	v16 =	vxor.u32 v16, v12;
	v13 =	vxor.u32 v13, v11  }
0x176: {  	v15 =	vor.u32 v17, v15;
	v12 =	vadd.s32 v12, v16;
	v11 =	vadd.s32 v11, v13  }
0x177: {  	v17 =	vshrl.u32 v16, $0x11;
	v16 =	vshll.u32 v16, $0xF;
	v18 =	vshrl.u32 v13, $0x11  }
0x178: {  	v15 =	vxor.u32 v15, v14;
	v16 =	vor.u32 v17, v16;
	v13 =	vshll.u32 v13, $0xF  }
0x179: {  	v14 =	vadd.s32 v14, v15;
	v17 =	vshrl.u32 v15, $0x6;
	v13 =	vor.u32 v18, v13  }
0x17a: {  	v15 =	vshll.u32 v15, $0x1A;
	v16 =	vxor.u32 v16, v12;
	v13 =	vxor.u32 v13, v11  }
0x17b: {  	v15 =	vor.u32 v17, v15;
	v12 =	vadd.s32 v12, v16;
	v17 =	vadd.s32 v11, v13  }
0x17c: {  	s14 =	sadd.s32 $0x40, s14;
	v11 =	vshrl.u32 v16, $0x6;
	v16 =	vshll.u32 v16, $0x1A;
	v18 =	vshrl.u32 v13, $0x6  }
0x17d: {  	v15 =	vxor.u32 v15, v14;
	v13 =	vshll.u32 v13, $0x1A;
	v11 =	vor.u32 v11, v16;
	v19 =	vld [tilespmem:s14+$0xFFFFFFE0]  }
0x17e: {  	v14 =	vadd.s32 v15, v14;
	v13 =	vor.u32 v18, v13;
	v11 =	vxor.u32 v11, v12;
	v15 =	vld [tilespmem:s14+$0x0]  }
0x17f: {  	v14 =	vadd.s32 $0x1BD11BF0, v14;
	v13 =	vxor.u32 v13, v17;
	v12 =	vadd.s32 v11, v12;
	v16 =	vld [tilespmem:s14+$0x10]  }
0x180: {  	vm0 =	vlt.s32 v14, $0x0;
	v13 =	vadd.s32 v13, v17;
	v12 =	vadd.s32 $0x1BD11BF0, v12;
	v11 =	vld [tilespmem:s14+$0xFFFFFFF0]  }
0x181: {  	v14 =	vsel vm0, v2, v1;
	vm0 =	vlt.s32 v12, $0x0;
	v12 =	vadd.s32 $0x1BD11BF0, v13  }
0x182: {  	v13 =	vmul.f32 v19, v14;
	v14 =	vsel vm0, v2, v1;
	vm0 =	vlt.s32 v12, $0x0  }
0x183: {  	v12 =	vshrl.u32 v10, $0x13;
	v14 =	vmul.f32 v15, v14;
	v15 =	vsel vm0, v2, v1  }
0x184: {  	[tilespmem:s14+$0xFFFFFFE0] =	vst v13;
	v13 =	vshll.u32 v10, $0xD;
	v15 =	vmul.f32 v16, v15;
	v16 =	vshll.u32 v8, $0x6  }
0x185: {  	v7 =	vadd.s32 v7, v8;
	v12 =	vor.u32 v12, v13;
	[tilespmem:s14+$0x0] =	vst v14;
	v8 =	vor.u32 v9, v16  }
0x186: {  	v9 =	vxor.u32 v10, v12;
	[tilespmem:s14+$0x10] =	vst v15;
	v8 =	vxor.u32 v8, v7;
	v12 =	vshrl.u32 v6, $0x6  }
0x187: {  	v10 =	vadd.s32 v10, v9;
	v13 =	vshrl.u32 v9, $0x11;
	v9 =	vshll.u32 v9, $0xF  }
0x188: {  	v8 =	vadd.s32 $0x2D, v8;
	v9 =	vor.u32 v13, v9;
	v13 =	vshll.u32 v6, $0x1A  }
0x189: {  	v14 =	vshrl.u32 v8, $0xF;
	v15 =	vshll.u32 v8, $0x11;
	v9 =	vxor.u32 v9, v10  }
0x18a: {  	v10 =	vadd.s32 v10, v9;
	v16 =	vshrl.u32 v9, $0x6;
	v9 =	vshll.u32 v9, $0x1A  }
0x18b: {  	v7 =	vadd.s32 v7, v8;
	v8 =	vor.u32 v14, v15;
	v9 =	vor.u32 v16, v9  }
0x18c: {  	v12 =	vor.u32 v12, v13;
	v8 =	vxor.u32 v8, v7;
	v9 =	vxor.u32 v9, v10  }
0x18d: {  	v10 =	vadd.s32 v10, v9;
	v13 =	vshrl.u32 v9, $0x1A;
	v9 =	vshll.u32 v9, $0x6  }
0x18e: {  	v14 =	vshll.u32 v8, $0x1D;
	v9 =	vor.u32 v13, v9;
	v13 =	vshrl.u32 v8, $0x3  }
0x18f: {  	v7 =	vadd.s32 v7, v8;
	v9 =	vxor.u32 v9, v10;
	v8 =	vor.u32 v13, v14  }
0x190: {  	v5 =	vadd.s32 v5, v6;
	v9 =	vadd.s32 $0x1BD11BF1, v9;
	v8 =	vxor.u32 v8, v7  }
0x191: {  	v6 =	vadd.s32 v9, v10;
	v10 =	vshrl.u32 v9, $0xF;
	v9 =	vshll.u32 v9, $0x11  }
0x192: {  	v6 =	vadd.s32 $0x2A, v6;
	v9 =	vor.u32 v10, v9;
	v10 =	vshrl.u32 v8, $0x10  }
0x193: {  	v7 =	vadd.s32 v7, v8;
	v8 =	vshll.u32 v8, $0x10;
	v9 =	vxor.u32 v9, v6  }
0x194: {  	v6 =	vadd.s32 v6, v9;
	v13 =	vshrl.u32 v9, $0x3;
	v9 =	vshll.u32 v9, $0x1D  }
0x195: {  	v8 =	vor.u32 v10, v8;
	v10 =	vxor.u32 v12, v5;
	v9 =	vor.u32 v13, v9  }
0x196: {  	v8 =	vxor.u32 v8, v7;
	v5 =	vadd.s32 v10, v5;
	v9 =	vxor.u32 v9, v6  }
0x197: {  	v6 =	vadd.s32 v6, v9;
	v10 =	vshrl.u32 v9, $0x10;
	v9 =	vshll.u32 v9, $0x10  }
0x198: {  	v12 =	vshll.u32 v8, $0x18;
	v9 =	vor.u32 v10, v9;
	v10 =	vshrl.u32 v8, $0x8  }
0x199: {  	v7 =	vadd.s32 v7, v8;
	v9 =	vxor.u32 v9, v6;
	v8 =	vor.u32 v10, v12  }
0x19a: {  	v6 =	vadd.s32 v6, v9;
	v10 =	vshrl.u32 v9, $0x8;
	v9 =	vshll.u32 v9, $0x18  }
0x19b: {  	v5 =	vadd.s32 $0x1BD11BF0, v5;
	v8 =	vxor.u32 v8, v7;
	v9 =	vor.u32 v10, v9  }
0x19c: {  	vm0 =	vlt.s32 v5, $0x0;
	v8 =	vadd.s32 $0x1BD11BF4, v8;
	v9 =	vxor.u32 v9, v6  }
0x19d: {  	v7 =	vadd.s32 v8, v7;
	v5 =	vadd.s32 $0x2, v9;
	v9 =	vshrl.u32 v8, $0x13  }
0x19e: {  	v6 =	vadd.s32 v5, v6;
	v10 =	vshrl.u32 v5, $0x13;
	v5 =	vshll.u32 v5, $0xD  }
0x19f: {  	v8 =	vshll.u32 v8, $0xD;
	v6 =	vadd.s32 $0x1BD11BF0, v6;
	v5 =	vor.u32 v10, v5  }
0x1a0: {  	v10 =	vadd.s32 $0x2A, v7;
	v7 =	vor.u32 v9, v8;
	v5 =	vxor.u32 v5, v6  }
0x1a1: {  	v6 =	vadd.s32 v6, v5;
	v8 =	vshrl.u32 v5, $0x11;
	v5 =	vshll.u32 v5, $0xF  }
0x1a2: {  	v9 =	vsel vm0, v2, v1;
	v5 =	vor.u32 v8, v5;
	v8 =	vxor.u32 v7, v10  }
0x1a3: {  	v5 =	vxor.u32 v5, v6;
	v12 =	vshrl.u32 v8, $0x11;
	v13 =	vshll.u32 v8, $0xF  }
0x1a4: {  	v7 =	vadd.s32 v6, v5;
	v6 =	vshrl.u32 v5, $0x6;
	v5 =	vshll.u32 v5, $0x1A  }
0x1a5: {  	v6 =	vor.u32 v6, v5;
	v5 =	vadd.s32 v10, v8;
	v10 =	vor.u32 v12, v13  }
0x1a6: {  	s17 =	sadd.s32 s16, s9;
	v12 =	vmul.f32 v3, v9;
	v3 =	vmovc v4;
	v8 =	vxor.u32 v6, v7;
	v6 =	vxor.u32 v10, v5  }
0x1a7: {  	s18 =	sadd.s32 $0x10, s17;
	v13 =	vor.u32 s17, v0;
	v4 =	vmovc v11;
	v10 =	vmov s17;
	v9 =	vshrl.u32 v8, $0x1A  }
0x1a8: {  	v14 =	vshll.u32 v13, $0xD;
	v11 =	vshrl.u32 v10, $0x13;
	v10 =	vadd.s32 s18, v0;
	s18 =	sadd.s32 $0x20, s17;
	s17 =	sadd.s32 $0x30, s17;
	[tilespmem:s13+$0xFFFFFFF0] =	vst v12;
	s13 =	smov.u32 s15  }
0x1a9: {  	v11 =	vor.u32 v11, v14;
	v12 =	vadd.s32 s18, v0;
	v14 =	vadd.s32 s17, v0;
	s15 =	smov.u32 s14  }
0x1aa: {  	v15 =	vshrl.u32 v12, $0x13;
	v16 =	vshll.u32 v12, $0xD;
	v17 =	vshrl.u32 v14, $0x13  }
0x1ab: {  	v11 =	vxor.u32 v13, v11;
	v15 =	vor.u32 v15, v16;
	v16 =	vshll.u32 v14, $0xD  }
0x1ac: {  	v13 =	vadd.s32 v13, v11;
	v18 =	vshrl.u32 v11, $0x11;
	v16 =	vor.u32 v17, v16  }
0x1ad: {  	v11 =	vshll.u32 v11, $0xF;
	v15 =	vxor.u32 v12, v15;
	v16 =	vxor.u32 v14, v16  }
0x1ae: {  	v11 =	vor.u32 v18, v11;
	v12 =	vadd.s32 v12, v15;
	v14 =	vadd.s32 v14, v16  }
0x1af: {  	v17 =	vshrl.u32 v15, $0x11;
	v15 =	vshll.u32 v15, $0xF;
	v18 =	vshrl.u32 v16, $0x11  }
0x1b0: {  	v11 =	vxor.u32 v11, v13;
	v15 =	vor.u32 v17, v15;
	v16 =	vshll.u32 v16, $0xF  }
0x1b1: {  	v13 =	vadd.s32 v13, v11;
	v17 =	vshrl.u32 v11, $0x6;
	v16 =	vor.u32 v18, v16  }
0x1b2: {  	v11 =	vshll.u32 v11, $0x1A;
	v15 =	vxor.u32 v15, v12;
	v16 =	vxor.u32 v16, v14  }
0x1b3: {  	v11 =	vor.u32 v17, v11;
	v12 =	vadd.s32 v12, v15;
	v14 =	vadd.s32 v14, v16  }
0x1b4: {  	v17 =	vshrl.u32 v15, $0x6;
	v15 =	vshll.u32 v15, $0x1A;
	v18 =	vshrl.u32 v16, $0x6  }
0x1b5: {  	v11 =	vxor.u32 v11, v13;
	v15 =	vor.u32 v17, v15;
	v16 =	vshll.u32 v16, $0x1A  }
0x1b6: {  	v13 =	vadd.s32 v13, v11;
	v17 =	vshrl.u32 v11, $0x1A;
	v16 =	vor.u32 v18, v16  }
0x1b7: {  	v11 =	vshll.u32 v11, $0x6;
	v15 =	vxor.u32 v15, v12;
	v16 =	vxor.u32 v16, v14  }
0x1b8: {  	v11 =	vor.u32 v17, v11;
	v12 =	vadd.s32 v12, v15;
	v14 =	vadd.s32 v14, v16  }
0x1b9: {  	v17 =	vshrl.u32 v15, $0x1A;
	v15 =	vshll.u32 v15, $0x6;
	v18 =	vshrl.u32 v16, $0x1A  }
0x1ba: {  	v11 =	vxor.u32 v11, v13;
	v15 =	vor.u32 v17, v15;
	v16 =	vshll.u32 v16, $0x6  }
0x1bb: {  	v11 =	vadd.s32 $0x1BD11BF1, v11;
	v15 =	vxor.u32 v15, v12;
	v16 =	vor.u32 v18, v16  }
0x1bc: {  	v13 =	vadd.s32 v11, v13;
	v17 =	vshrl.u32 v11, $0xF;
	v16 =	vxor.u32 v16, v14  }
0x1bd: {  	v11 =	vshll.u32 v11, $0x11;
	v15 =	vadd.s32 $0x1BD11BF1, v15;
	v16 =	vadd.s32 $0x1BD11BF1, v16  }
0x1be: {  	v13 =	vadd.s32 $0x2A, v13;
	v11 =	vor.u32 v17, v11;
	v12 =	vadd.s32 v15, v12  }
0x1bf: {  	v17 =	vshrl.u32 v15, $0xF;
	v15 =	vshll.u32 v15, $0x11;
	v14 =	vadd.s32 v16, v14  }
0x1c0: {  	v11 =	vxor.u32 v11, v13;
	v18 =	vshrl.u32 v16, $0xF;
	v16 =	vshll.u32 v16, $0x11  }
0x1c1: {  	v12 =	vadd.s32 $0x2A, v12;
	v15 =	vor.u32 v17, v15;
	v14 =	vadd.s32 $0x2A, v14  }
0x1c2: {  	v13 =	vadd.s32 v13, v11;
	v17 =	vshrl.u32 v11, $0x3;
	v16 =	vor.u32 v18, v16  }
0x1c3: {  	v11 =	vshll.u32 v11, $0x1D;
	v15 =	vxor.u32 v15, v12;
	v16 =	vxor.u32 v16, v14  }
0x1c4: {  	v11 =	vor.u32 v17, v11;
	v12 =	vadd.s32 v12, v15;
	v14 =	vadd.s32 v14, v16  }
0x1c5: {  	v17 =	vshrl.u32 v15, $0x3;
	v15 =	vshll.u32 v15, $0x1D;
	v18 =	vshrl.u32 v16, $0x3  }
0x1c6: {  	v11 =	vxor.u32 v11, v13;
	v15 =	vor.u32 v17, v15;
	v16 =	vshll.u32 v16, $0x1D  }
0x1c7: {  	v13 =	vadd.s32 v13, v11;
	v17 =	vshrl.u32 v11, $0x10;
	v16 =	vor.u32 v18, v16  }
0x1c8: {  	v11 =	vshll.u32 v11, $0x10;
	v15 =	vxor.u32 v15, v12;
	v16 =	vxor.u32 v16, v14  }
0x1c9: {  	v11 =	vor.u32 v17, v11;
	v12 =	vadd.s32 v12, v15;
	v17 =	vadd.s32 v14, v16  }
0x1ca: {  	v14 =	vshrl.u32 v15, $0x10;
	v15 =	vshll.u32 v15, $0x10;
	v18 =	vshrl.u32 v16, $0x10  }
.Ltmp0:
0x1cb: {  	v11 =	vxor.u32 v11, v13;
	v16 =	vshll.u32 v16, $0x10;
	v15 =	vor.u32 v14, v15;
	(pc) =	sbr.rel @p1 .LBB2_2-.Ltmp0, $4  }
0x1cc: {  	v14 =	vadd.s32 v13, v11;
	v13 =	vshrl.u32 v11, $0x8;
	v16 =	vor.u32 v18, v16  }
0x1cd: {  	v11 =	vshll.u32 v11, $0x18;
	v18 =	vxor.u32 v15, v12;
	v15 =	vxor.u32 v16, v17  }
0x1ce: {  	v16 =	vor.u32 v13, v11;
	v12 =	vadd.s32 v12, v18;
	v11 =	vadd.s32 v17, v15  }
0x1cf: {  	s16 =	sadd.s32 $0x40, s16;
	v17 =	vshrl.u32 v18, $0x8;
	v18 =	vshll.u32 v18, $0x18;
	v13 =	vshrl.u32 v15, $0x8  }
0x1d0: {  	v16 =	vxor.u32 v16, v14  }
0x1d1: {  	v17 =	vor.u32 v17, v18;
	v15 =	vshll.u32 v15, $0x18;
	v22 =	vshrl.u32 v10, $0x13  }
0x1d2: {  	v23 =	vshll.u32 v10, $0xD;
	v7 =	vadd.s32 v7, v8;
	v16 =	vadd.s32 $0x2, v16  }
0x1d3: {  	v17 =	vxor.u32 v17, v12;
	v13 =	vor.u32 v13, v15;
	v32 =	vadd.s32 v16, v14  }
0x1d4: {  	v33 =	vshrl.u32 v16, $0x13;
	v13 =	vxor.u32 v13, v11;
	v16 =	vshll.u32 v16, $0xD  }
0x1d5: {  	v17 =	vadd.s32 $0x2, v17;
	v13 =	vadd.s32 $0x2, v13;
	v14 =	vadd.s32 $0x1BD11BF0, v32  }
0x1d6: {  	v15 =	vor.u32 v33, v16;
	v34 =	vadd.s32 v17, v12;
	v35 =	vshrl.u32 v17, $0x13  }
0x1d7: {  	v17 =	vshll.u32 v17, $0xD;
	v36 =	vadd.s32 v13, v11;
	v15 =	vxor.u32 v15, v14  }
0x1d8: {  	v37 =	vshrl.u32 v13, $0x13;
	v13 =	vshll.u32 v13, $0xD;
	v12 =	vadd.s32 $0x1BD11BF0, v34  }
0x1d9: {  	v16 =	vor.u32 v35, v17;
	v17 =	vor.u32 v22, v23;
	v11 =	vadd.s32 $0x1BD11BF0, v36  }
0x1da: {  	v14 =	vadd.s32 v14, v15;
	v38 =	vshrl.u32 v15, $0x11;
	v13 =	vor.u32 v37, v13  }
0x1db: {  	v15 =	vshll.u32 v15, $0xF;
	v16 =	vxor.u32 v16, v12;
	v17 =	vxor.u32 v10, v17  }
0x1dc: {  	v13 =	vxor.u32 v13, v11;
	v15 =	vor.u32 v38, v15;
	v12 =	vadd.s32 v12, v16  }
0x1dd: {  	v39 =	vshrl.u32 v16, $0x11;
	v16 =	vshll.u32 v16, $0xF;
	v24 =	vshrl.u32 v17, $0x11  }
0x1de: {  	v25 =	vshll.u32 v17, $0xF;
	v10 =	vadd.s32 v10, v17;
	v11 =	vadd.s32 v11, v13  }
0x1df: {  	v40 =	vshrl.u32 v13, $0x11;
	v15 =	vxor.u32 v15, v14;
	v16 =	vor.u32 v39, v16  }
0x1e0: {  	v13 =	vshll.u32 v13, $0xF;
	v26 =	vor.u32 v24, v25;
	v14 =	vadd.s32 v14, v15  }
0x1e1: {  	v41 =	vshrl.u32 v15, $0x6;
	v13 =	vor.u32 v40, v13;
	v15 =	vshll.u32 v15, $0x1A  }
0x1e2: {  	v16 =	vxor.u32 v16, v12;
	v17 =	vxor.u32 v26, v10;
	v13 =	vxor.u32 v13, v11  }
0x1e3: {  	v15 =	vor.u32 v41, v15;
	v12 =	vadd.s32 v12, v16;
	v42 =	vshrl.u32 v16, $0x6  }
0x1e4: {  	v16 =	vshll.u32 v16, $0x1A;
	v10 =	vadd.s32 v10, v17;
	v28 =	vshrl.u32 v17, $0x6  }
0x1e5: {  	v17 =	vshll.u32 v17, $0x1A;
	v11 =	vadd.s32 v11, v13;
	v43 =	vshrl.u32 v13, $0x6  }
0x1e6: {  	v15 =	vxor.u32 v15, v14;
	v16 =	vor.u32 v42, v16;
	v13 =	vshll.u32 v13, $0x1A  }
0x1e7: {  	v17 =	vor.u32 v28, v17;
	v14 =	vadd.s32 v14, v15;
	v44 =	vshrl.u32 v15, $0x1A  }
0x1e8: {  	v13 =	vor.u32 v43, v13;
	v15 =	vshll.u32 v15, $0x6;
	v16 =	vxor.u32 v16, v12  }
0x1e9: {  	v17 =	vxor.u32 v17, v10;
	v13 =	vxor.u32 v13, v11;
	v15 =	vor.u32 v44, v15  }
0x1ea: {  	v12 =	vadd.s32 v12, v16;
	v45 =	vshrl.u32 v16, $0x1A;
	v16 =	vshll.u32 v16, $0x6  }
0x1eb: {  	v30 =	vshrl.u32 v17, $0x1A;
	v31 =	vshll.u32 v17, $0x6;
	v10 =	vadd.s32 v10, v17  }
0x1ec: {  	v11 =	vadd.s32 v11, v13;
	v46 =	vshrl.u32 v13, $0x1A;
	v15 =	vxor.u32 v15, v14  }
0x1ed: {  	v16 =	vor.u32 v45, v16;
	v13 =	vshll.u32 v13, $0x6;
	v15 =	vadd.s32 $0x2D, v15  }
0x1ee: {  	v16 =	vxor.u32 v16, v12;
	v13 =	vor.u32 v46, v13;
	v14 =	vadd.s32 v14, v15  }
0x1ef: {  	v47 =	vshrl.u32 v15, $0xF;
	v13 =	vxor.u32 v13, v11;
	v15 =	vshll.u32 v15, $0x11  }
0x1f0: {  	v16 =	vadd.s32 $0x2D, v16;
	v13 =	vadd.s32 $0x2D, v13;
	v15 =	vor.u32 v47, v15  }
0x1f1: {  	v12 =	vadd.s32 v12, v16;
	v48 =	vshrl.u32 v16, $0xF;
	v16 =	vshll.u32 v16, $0x11  }
0x1f2: {  	v11 =	vadd.s32 v11, v13;
	v49 =	vshrl.u32 v13, $0xF;
	v15 =	vxor.u32 v15, v14  }
0x1f3: {  	v16 =	vor.u32 v48, v16;
	v13 =	vshll.u32 v13, $0x11;
	v48 =	vshll.u32 v8, $0x6  }
0x1f4: {  	v14 =	vadd.s32 v14, v15;
	v50 =	vshrl.u32 v15, $0x3;
	v13 =	vor.u32 v49, v13  }
0x1f5: {  	v15 =	vshll.u32 v15, $0x1D;
	v16 =	vxor.u32 v16, v12;
	v13 =	vxor.u32 v13, v11  }
0x1f6: {  	v15 =	vor.u32 v50, v15;
	v12 =	vadd.s32 v12, v16;
	v51 =	vshrl.u32 v16, $0x3  }
0x1f7: {  	v16 =	vshll.u32 v16, $0x1D;
	v50 =	vor.u32 v9, v48;
	v11 =	vadd.s32 v11, v13  }
0x1f8: {  	v52 =	vshrl.u32 v13, $0x3;
	v15 =	vxor.u32 v15, v14;
	v16 =	vor.u32 v51, v16  }
0x1f9: {  	v13 =	vshll.u32 v13, $0x1D;
	v8 =	vxor.u32 v50, v7;
	v14 =	vadd.s32 v14, v15  }
0x1fa: {  	v53 =	vshrl.u32 v15, $0x10;
	v13 =	vor.u32 v52, v13;
	v15 =	vshll.u32 v15, $0x10  }
0x1fb: {  	v16 =	vxor.u32 v16, v12;
	v13 =	vxor.u32 v13, v11;
	v15 =	vor.u32 v53, v15  }
0x1fc: {  	v12 =	vadd.s32 v12, v16;
	v54 =	vshrl.u32 v16, $0x10;
	v16 =	vshll.u32 v16, $0x10  }
0x1fd: {  	v11 =	vadd.s32 v11, v13;
	v55 =	vshrl.u32 v13, $0x10;
	v15 =	vxor.u32 v15, v14  }
0x1fe: {  	v16 =	vor.u32 v54, v16;
	v13 =	vshll.u32 v13, $0x10;
	v14 =	vadd.s32 v14, v15  }
0x1ff: {  	v56 =	vshrl.u32 v15, $0x8;
	v13 =	vor.u32 v55, v13;
	v15 =	vshll.u32 v15, $0x18  }
0x200: {  	v16 =	vxor.u32 v16, v12;
	v13 =	vxor.u32 v13, v11;
	v15 =	vor.u32 v56, v15  }
0x201: {  	v12 =	vadd.s32 v12, v16;
	v57 =	vshrl.u32 v16, $0x8;
	v16 =	vshll.u32 v16, $0x18  }
0x202: {  	v11 =	vadd.s32 v11, v13;
	v58 =	vshrl.u32 v13, $0x8;
	v15 =	vxor.u32 v15, v14  }
0x203: {  	v16 =	vor.u32 v57, v16;
	v13 =	vshll.u32 v13, $0x18;
	v15 =	vadd.s32 $0x1BD11BF4, v15  }
0x204: {  	v16 =	vxor.u32 v16, v12;
	v13 =	vor.u32 v58, v13;
	v14 =	vadd.s32 v15, v14  }
0x205: {  	v59 =	vshrl.u32 v15, $0x13;
	v13 =	vxor.u32 v13, v11;
	v15 =	vshll.u32 v15, $0xD  }
0x206: {  	v16 =	vadd.s32 $0x1BD11BF4, v16;
	v13 =	vadd.s32 $0x1BD11BF4, v13;
	v14 =	vadd.s32 $0x2A, v14  }
0x207: {  	v15 =	vor.u32 v59, v15;
	v12 =	vadd.s32 v16, v12;
	v60 =	vshrl.u32 v16, $0x13  }
0x208: {  	v16 =	vshll.u32 v16, $0xD;
	v11 =	vadd.s32 v13, v11;
	v15 =	vxor.u32 v15, v14  }
0x209: {  	v61 =	vshrl.u32 v13, $0x13;
	v13 =	vshll.u32 v13, $0xD;
	v12 =	vadd.s32 $0x2A, v12  }
0x20a: {  	v16 =	vor.u32 v60, v16;
	v11 =	vadd.s32 $0x2A, v11;
	v14 =	vadd.s32 v14, v15  }
0x20b: {  	v62 =	vshrl.u32 v15, $0x11;
	v13 =	vor.u32 v61, v13;
	v15 =	vshll.u32 v15, $0xF  }
0x20c: {  	v16 =	vxor.u32 v16, v12;
	v13 =	vxor.u32 v13, v11;
	v15 =	vor.u32 v62, v15  }
0x20d: {  	v12 =	vadd.s32 v12, v16;
	v63 =	vshrl.u32 v16, $0x11;
	v16 =	vshll.u32 v16, $0xF  }
0x20e: {  	v11 =	vadd.s32 v11, v13;
	v21 =	vshrl.u32 v13, $0x11;
	v15 =	vxor.u32 v15, v14  }
0x20f: {  	v16 =	vor.u32 v63, v16;
	v13 =	vshll.u32 v13, $0xF;
	v14 =	vadd.s32 v14, v15  }
0x210: {  	v13 =	vor.u32 v21, v13;
	v19 =	vshrl.u32 v15, $0x6;
	v15 =	vshll.u32 v15, $0x1A  }
0x211: {  	v16 =	vxor.u32 v16, v12;
	v13 =	vxor.u32 v13, v11;
	v15 =	vor.u32 v19, v15  }
0x212: {  	v12 =	vadd.s32 v12, v16;
	v27 =	vshrl.u32 v16, $0x6;
	v15 =	vxor.u32 v15, v14  }
0x213: {  	v16 =	vshll.u32 v16, $0x1A;
	v14 =	vadd.s32 v15, v14;
	v15 =	vor.u32 v30, v31  }
0x214: {  	v11 =	vadd.s32 v11, v13;
	v29 =	vshrl.u32 v13, $0x6;
	v15 =	vxor.u32 v15, v10  }
0x215: {  	v16 =	vor.u32 v27, v16;
	v13 =	vshll.u32 v13, $0x1A;
	v15 =	vadd.s32 $0x1BD11BF1, v15  }
0x216: {  	v10 =	vadd.s32 v15, v10;
	v32 =	vshrl.u32 v15, $0xF;
	v15 =	vshll.u32 v15, $0x11  }
0x217: {  	v16 =	vxor.u32 v16, v12;
	v10 =	vadd.s32 $0x2A, v10;
	v15 =	vor.u32 v32, v15  }
0x218: {  	v13 =	vor.u32 v29, v13;
	v14 =	vadd.s32 $0x1BD11BF0, v14;
	v34 =	vxor.u32 v15, v10  }
0x219: {  	v12 =	vadd.s32 v16, v12;
	v36 =	vshrl.u32 v34, $0x3;
	v37 =	vshll.u32 v34, $0x1D  }
0x21a: {  	vm0 =	vlt.s32 v14, $0x0;
	v14 =	vadd.s32 v10, v34;
	v39 =	vor.u32 v36, v37  }
0x21b: {  	v13 =	vxor.u32 v13, v11;
	v12 =	vadd.s32 $0x1BD11BF0, v12;
	v40 =	vxor.u32 v39, v14  }
0x21c: {  	v11 =	vadd.s32 v13, v11;
	v41 =	vshrl.u32 v40, $0x10;
	v42 =	vshll.u32 v40, $0x10  }
0x21d: {  	vm11 =	vlt.s32 v12, $0x0;
	v12 =	vadd.s32 v14, v40;
	v13 =	vor.u32 v41, v42  }
0x21e: {  	v5 =	vadd.s32 v5, v6;
	v8 =	vadd.s32 $0x2D, v8;
	v13 =	vxor.u32 v13, v12  }
0x21f: {  	v53 =	vshrl.u32 v6, $0x6;
	v46 =	vshrl.u32 v13, $0x8;
	v47 =	vshll.u32 v13, $0x18  }
0x220: {  	v7 =	vadd.s32 v7, v8;
	v12 =	vadd.s32 v12, v13;
	v49 =	vor.u32 v46, v47  }
0x221: {  	v55 =	vshrl.u32 v8, $0xF;
	v58 =	vshll.u32 v8, $0x11;
	v51 =	vxor.u32 v49, v12  }
0x222: {  	v54 =	vshll.u32 v6, $0x1A;
	v60 =	vor.u32 v55, v58;
	v9 =	vadd.s32 $0x2, v51  }
0x223: {  	v12 =	vadd.s32 v9, v12;
	v52 =	vshrl.u32 v9, $0x13;
	v9 =	vshll.u32 v9, $0xD  }
0x224: {  	v8 =	vxor.u32 v60, v7;
	v12 =	vadd.s32 $0x1BD11BF0, v12;
	v9 =	vor.u32 v52, v9  }
0x225: {  	s14 =	sadd.s32 $0x40, s14;
	v7 =	vadd.s32 v7, v8;
	v63 =	vshrl.u32 v8, $0x3;
	v9 =	vxor.u32 v9, v12  }
0x226: {  	v35 =	vld [tilespmem:s14+$0x0];
	v21 =	vshll.u32 v8, $0x1D;
	v56 =	vshrl.u32 v9, $0x11;
	v57 =	vshll.u32 v9, $0xF  }
0x227: {  	v33 =	vld [tilespmem:s14+$0xFFFFFFE0];
	v23 =	vor.u32 v63, v21;
	v9 =	vadd.s32 v12, v9;
	v59 =	vor.u32 v56, v57  }
0x228: {  	v38 =	vsel vm0, v2, v1;
	v11 =	vadd.s32 $0x1BD11BF0, v11;
	v12 =	vxor.u32 v59, v9  }
0x229: {  	v44 =	vsel vm11, v2, v1;
	v61 =	vshrl.u32 v12, $0x6;
	v62 =	vshll.u32 v12, $0x1A  }
0x22a: {  	vm12 =	vlt.s32 v11, $0x0;
	v9 =	vadd.s32 v9, v12;
	v20 =	vor.u32 v61, v62  }
0x22b: {  	v11 =	vmul.f32 v35, v44;
	v45 =	vsel vm12, v2, v1;
	v22 =	vxor.u32 v20, v9  }
0x22c: {  	v10 =	vmul.f32 v33, v38;
	v24 =	vshrl.u32 v22, $0x1A;
	v25 =	vshll.u32 v22, $0x6  }
0x22d: {  	v12 =	vxor.u32 v23, v7;
	v8 =	vadd.s32 v9, v22;
	v26 =	vor.u32 v24, v25  }
0x22e: {  	v14 =	vor.u32 v53, v54;
	v27 =	vshrl.u32 v12, $0x10;
	v9 =	vxor.u32 v26, v8  }
0x22f: {  	v28 =	vshll.u32 v12, $0x10;
	v7 =	vadd.s32 v7, v12;
	v9 =	vadd.s32 $0x2D, v9  }
0x230: {  	v43 =	vld [tilespmem:s14+$0x10];
	v29 =	vor.u32 v27, v28;
	v30 =	vshrl.u32 v9, $0xF;
	v31 =	vshll.u32 v9, $0x11  }
0x231: {  	v12 =	vxor.u32 v29, v7;
	v8 =	vadd.s32 v8, v9;
	v33 =	vor.u32 v30, v31  }
0x232: {  	v32 =	vshrl.u32 v12, $0x8;
	v34 =	vshll.u32 v12, $0x18;
	v9 =	vxor.u32 v33, v8  }
0x233: {  	v7 =	vadd.s32 v7, v12;
	v36 =	vshrl.u32 v9, $0x3;
	v37 =	vshll.u32 v9, $0x1D  }
0x234: {  	v35 =	vor.u32 v32, v34;
	v8 =	vadd.s32 v8, v9;
	v38 =	vor.u32 v36, v37  }
0x235: {  	v13 =	vmul.f32 v43, v45;
	v12 =	vxor.u32 v35, v7;
	v9 =	vxor.u32 v38, v8  }
0x236: {  	v12 =	vadd.s32 $0x1BD11BF4, v12;
	v39 =	vshrl.u32 v9, $0x10;
	v40 =	vshll.u32 v9, $0x10  }
0x237: {  	v7 =	vadd.s32 v12, v7;
	v8 =	vadd.s32 v8, v9;
	v42 =	vor.u32 v39, v40  }
0x238: {  	v41 =	vshrl.u32 v12, $0x13;
	v12 =	vshll.u32 v12, $0xD;
	v9 =	vxor.u32 v42, v8  }
0x239: {  	v7 =	vadd.s32 $0x2A, v7;
	v43 =	vshrl.u32 v9, $0x8;
	v44 =	vshll.u32 v9, $0x18  }
0x23a: {  	v12 =	vor.u32 v41, v12;
	v8 =	vadd.s32 v8, v9;
	v45 =	vor.u32 v43, v44  }
0x23b: {  	v49 =	vxor.u32 v14, v5;
	v12 =	vxor.u32 v12, v7;
	v9 =	vxor.u32 v45, v8  }
0x23c: {  	v5 =	vadd.s32 v49, v5;
	v46 =	vshrl.u32 v12, $0x11;
	v9 =	vadd.s32 $0x1BD11BF4, v9  }
0x23d: {  	v8 =	vadd.s32 v9, v8;
	v48 =	vshrl.u32 v9, $0x13;
	v9 =	vshll.u32 v9, $0xD  }
0x23e: {  	v47 =	vshll.u32 v12, $0xF;
	v8 =	vadd.s32 $0x2A, v8;
	v9 =	vor.u32 v48, v9  }
0x23f: {  	v7 =	vadd.s32 v7, v12;
	v6 =	vor.u32 v46, v47;
	v9 =	vxor.u32 v9, v8  }
0x240: {  	v6 =	vxor.u32 v6, v7;
	v51 =	vshrl.u32 v9, $0x11;
	v52 =	vshll.u32 v9, $0xF  }
0x241: {  	v50 =	vshrl.u32 v6, $0x6;
	v8 =	vadd.s32 v8, v9;
	v54 =	vor.u32 v51, v52  }
0x242: {  	v53 =	vshll.u32 v6, $0x1A;
	v6 =	vadd.s32 v7, v6;
	v9 =	vxor.u32 v54, v8  }
0x243: {  	v55 =	vor.u32 v50, v53;
	v56 =	vshrl.u32 v9, $0x6;
	v57 =	vshll.u32 v9, $0x1A  }
0x244: {  	v12 =	vxor.u32 v55, v6;
	v8 =	vadd.s32 v8, v9;
	v7 =	vor.u32 v56, v57  }
0x245: {  	v58 =	vld [tilespmem:s14+$0xFFFFFFF0];
	v5 =	vadd.s32 $0x1BD11BF0, v5;
	v6 =	vadd.s32 v12, v6;
	v7 =	vxor.u32 v7, v8  }
0x246: {  	vm13 =	vlt.s32 v5, $0x0;
	v59 =	vadd.s32 $0x1BD11BF0, v6;
	v60 =	vadd.s32 v7, v8  }
0x247: {  	[tilespmem:s14+$0x0] =	vst v11;
	v61 =	vsel vm13, v2, v1;
	vm14 =	vlt.s32 v59, $0x0;
	v62 =	vadd.s32 $0x1BD11BF0, v60  }
0x248: {  	[tilespmem:s14+$0xFFFFFFE0] =	vst v10;
	v3 =	vmul.f32 v3, v61;
	v63 =	vsel vm14, v2, v1;
	vm15 =	vlt.s32 v62, $0x0  }
0x249: {  	[tilespmem:s14+$0x10] =	vst v13;
	v4 =	vmul.f32 v4, v63;
	v1 =	vsel vm15, v2, v1  }
0x24a: {  	[tilespmem:s13+$0xFFFFFFF0] =	vst v3;
	v1 =	vmul.f32 v58, v1  }
0x24b: {  	[tilespmem:s15+$0xFFFFFFF0] =	vst v4  }
0x24c: {  	s13 =	simm.s32 @p0 $0x0;
	[tilespmem:s14+$0xFFFFFFF0] =	vst v1  }
0x24d: {  	[hbm4b:s7+s13] =	stream.linear.scatter @p0 [tilespmem:s13], [sflag:$0x1], $0x14582, $0x38;
	[tilespmem:$0x14880] =	vst v63  }
0x24e: {  	s13 =	simm.s32 @p0 $0x1  }
0x24f: {  	_ =	swait.ge @p0 [sflag:s13], $0x14582  }
0x250: {  	s12 =	sadd.s32 $0x1, s12;
	[sflag:s13] =	ssyncset.done @p0 $0x0  }
0x251: {  	p1 =	sne.s32 s12, s8;
	[sflag:s13] =	ssyncadd.s32 @p0 $0xFFFEBA7E;
	s13 =	simm.s32 @!p0 $0x0  }
0x252: {  	[hbm4b:s6+s13] =	stream.linear.scatter @!p0 [tilespmem:s13], [sflag:$0x1], $0x147C0, $0x38;
	[tilespmem:$0x14880] =	vst v63  }
.Ltmp1:
0x253: {  	_ = 	snop;
	(pc) =	sbr.rel @p1 .LBB2_1-.Ltmp1, $4  }
0x254: {  	s13 =	simm.s32 @!p0 $0x1  }
0x255: {  	_ =	swait.ge @!p0 [sflag:s13], $0x147C0  }
0x256: {  	[sflag:s13] =	ssyncset.done @!p0 $0x0  }
0x257: {  	[sflag:s13] =	ssyncadd.s32 @!p0 $0xFFFEB840  }
0x258: {  	_ =	sfence.sel $0x180000  }
0x259: {  	[bflag:$0x0] =	sbarrier.arrive $0xFFFF  }
0x25a: {  	p0 =	sne.s32 s0, $0x0;
	_ =	strace $0x90000047  }
0x25b: {  	s0 =	sadd.s32 @!p0 $0x100000, s1;
	[bflag:$0x2] =	sbarrier.arrive $0xFFFF  }
0x25c: {  	[sflag:s0] =	ssyncadd.tile.s32 @!p0 $0x1;
	_ =	shalt  }
.Lfunc_end2:
_tile_overlayer_lowered:
.L_overlay_start_2:
0x25d: {  	(tag) =	ssettag $0x2  }
0x25e: {  	s0 =	rddreg [dreg:$0x0];
	s2 =	stileid.u32  }
0x25f: {  	s1 =	rddreg [dreg:$0x1];
	p0 =	sne.s32 s2, $0x0  }
0x260: {  	s3 =	rddreg [dreg:$0x2];
	[bflag:$0x3] =	sbarrier.arrive $0xFFFF;
	s2 =	simm.s32 @!p0 $0x1C01  }
0x261: {  	[timem:s3], [sflag:s2] =	dma.local @!p0 [hbm:s0], s1  }
0x262: {  	s0 =	simm.s32 @!p0 $0x1  }
0x263: {  	_ =	swait.ge @!p0 [sflag:s0], s1  }
0x264: {  	s1 =	ssub.s32 @!p0 $0x0, s1;
	[sflag:s0] =	ssyncset.done @!p0 $0x0  }
0x265: {  	[sflag:s0] =	ssyncadd.s32 @!p0 s1  }
0x266: {  	[bflag:$0x3] =	sbarrier.arrive $0xFFFF  }
0x267: {  	_ =	shalt  }

</sc_bundles>
